<compile_context>
chip_gen: v7x
topology: tpu7x:2x2x1
jax: 0.10.2.dev20260603
libtpu: 0.0.44.dev20260713+nightly
codegen_flags: <defaults>
</compile_context>

<pallas_src>
import functools

import jax
import jax.numpy as jnp
from jax import lax
from jax.experimental import pallas as pl
from jax.experimental.pallas import tpu as pltpu
from jax.experimental.pallas import tpu_sc as plsc

N = 10000
E = 320000
D = 128
B = 64
OUT = 128
T0 = 120
T1 = 64

NW = 32
EW = E // NW
CH = 128
NCH = 80
EWP = NCH * CH
NCHW = 8
NWAVES = NCH // NCHW
NCHN = 79
NPAD = NCHN * CH
TRASH = N
MROWS = 10240
STRIPE = MROWS // 16

_mesh = plsc.VectorSubcoreMesh(core_axis_name="c", subcore_axis_name="s")
_f32 = jnp.float32


def _zero_rows(buf):
    rows, cols = buf.shape
    zv = jnp.zeros((16,), _f32)

    def body(r, carry):
        for k in range(cols // 16):
            buf[r, pl.ds(16 * k, 16)] = zv
        return carry

    lax.fori_loop(0, rows, body, 0)


def _sc_prep_body(src_hbm, dst_hbm, degs_hbm,
                  dout_sp, din_sp, zb, onesb, srcv, dstv, sem):
    cid = lax.axis_index("c")
    sid = lax.axis_index("s")
    wid = cid * 16 + sid

    zv = jnp.zeros((16,), _f32)
    ov = jnp.ones((16,), _f32)
    for k in range(STRIPE // 16):
        zb[pl.ds(16 * k, 16)] = zv
    for k in range(CH // 16):
        onesb[pl.ds(16 * k, 16)] = ov

    pltpu.sync_copy(zb, dout_sp.at[pl.ds(STRIPE * sid, STRIPE)])
    pltpu.sync_copy(zb, din_sp.at[pl.ds(STRIPE * sid, STRIPE)])
    pltpu.sync_copy(src_hbm.at[wid], srcv)
    pltpu.sync_copy(dst_hbm.at[wid], dstv)
    plsc.subcore_barrier()

    def deg_body(t, carry):
        for b in range(8):
            j = 8 * t + b
            pltpu.async_copy(onesb, dout_sp.at[srcv.at[j]], sem, add=True)
            pltpu.async_copy(onesb, din_sp.at[dstv.at[j]], sem, add=True)
        for _ in range(16):
            pltpu.make_async_copy(onesb, dout_sp.at[srcv.at[0]], sem).wait()
        return carry

    lax.fori_loop(0, NCH // 8, deg_body, 0)

    plsc.subcore_barrier()
    sl = pl.ds(STRIPE * sid, STRIPE)
    pltpu.sync_copy(dout_sp.at[sl], degs_hbm.at[cid, 0, sl])
    pltpu.sync_copy(din_sp.at[sl], degs_hbm.at[cid, 1, sl])


_sc_prep = functools.partial(
    pl.kernel,
    out_type=jax.ShapeDtypeStruct((2, 2, MROWS), _f32),
    mesh=_mesh,
    scratch_types=[
        pltpu.VMEM_SHARED((MROWS,), _f32),
        pltpu.VMEM_SHARED((MROWS,), _f32),
        pltpu.VMEM((STRIPE,), _f32),
        pltpu.VMEM((CH,), _f32),
        pltpu.VMEM((NCH, CH), jnp.int32),
        pltpu.VMEM((NCH, CH), jnp.int32),
        pltpu.SemaphoreType.DMA,
    ],
)(_sc_prep_body)


def _sc_msg_body(h_hbm, src_hbm, dst_hbm, out_hbm,
                 m_sp, sidx, didx, r0, ss0):
    cid = lax.axis_index("c")
    sid = lax.axis_index("s")
    wid = cid * 16 + sid

    def drain_scatter(sem):
        pltpu.make_async_copy(r0, m_sp.at[didx.at[0]], sem).wait()

    _zero_rows(r0)
    for t in range(STRIPE // CH):
        pltpu.sync_copy(r0, m_sp.at[pl.ds(STRIPE * sid + CH * t, CH)])
    plsc.subcore_barrier()

    pltpu.sync_copy(src_hbm.at[wid], sidx)
    pltpu.sync_copy(dst_hbm.at[wid], didx)

    def chunk(j, carry):
        pltpu.sync_copy(h_hbm.at[sidx.at[j]], r0)
        pltpu.async_copy(r0, m_sp.at[didx.at[j]], ss0, add=True)
        return carry

    lax.fori_loop(0, NCH, chunk, 0)

    def dr(j, carry):
        drain_scatter(ss0)
        return carry

    lax.fori_loop(0, NCH, dr, 0)
    plsc.subcore_barrier()
    sl = pl.ds(STRIPE * sid, STRIPE)
    pltpu.sync_copy(m_sp.at[sl], out_hbm.at[cid, sl])


_sc_msg = functools.partial(
    pl.kernel,
    out_type=jax.ShapeDtypeStruct((2, MROWS, D), _f32),
    mesh=_mesh,
    scratch_types=[
        pltpu.VMEM_SHARED((MROWS, D), _f32),
        pltpu.VMEM((NCH, CH), jnp.int32),
        pltpu.VMEM((NCH, CH), jnp.int32),
        pltpu.VMEM((CH, D), _f32),
        pltpu.SemaphoreType.DMA,
    ],
)(_sc_msg_body)


def _tc_prep_body(dego_ref, degi_ref, f0_ref, f1_ref, e0_ref, e1_ref,
                  h1_ref, nin_ref, nout_ref):
    do_ = dego_ref[0] + dego_ref[1]
    di = degi_ref[0] + degi_ref[1]
    no = lax.rsqrt(jnp.maximum(do_, 1.0))
    ni = lax.rsqrt(jnp.maximum(di, 1.0))
    nout_ref[...] = no
    nin_ref[...] = ni
    oh0 = (f0_ref[...] ==
           lax.broadcasted_iota(jnp.int32, (CH, T0), 1)).astype(_f32)
    oh1 = (f1_ref[...] ==
           lax.broadcasted_iota(jnp.int32, (CH, T1), 1)).astype(_f32)
    hv = (jnp.dot(oh0, e0_ref[...], preferred_element_type=_f32)
          + jnp.dot(oh1, e1_ref[...], preferred_element_type=_f32))
    h1_ref[...] = hv * no


def _tc_dense_body(p_ref, nin_ref, nout_ref, w_ref, b_ref, h_ref):
    m = (p_ref[0] + p_ref[1]) * nin_ref[...]
    h = jnp.dot(m, w_ref[...], preferred_element_type=_f32) + b_ref[...]
    h_ref[...] = jnp.maximum(h, 0.0) * nout_ref[...]


def _tc_final_body(p_ref, nin_ref, gid_ref, w_ref, b_ref, wout_ref, bout_ref,
                   out_ref, acc, cnt):
    i = pl.program_id(0)
    m = (p_ref[0] + p_ref[1]) * nin_ref[...]
    h = jnp.maximum(
        jnp.dot(m, w_ref[...], preferred_element_type=_f32) + b_ref[...], 0.0)
    gid = gid_ref[...][:, 0]
    oh = (lax.broadcasted_iota(jnp.int32, (B, CH), 0) == gid[None, :]).astype(_f32)
    part = jnp.dot(oh, h, preferred_element_type=_f32)
    pcnt = jnp.sum(oh, axis=1, keepdims=True)

    @pl.when(i == 0)
    def _():
        acc[...] = part
        cnt[...] = pcnt

    @pl.when(i > 0)
    def _():
        acc[...] += part
        cnt[...] += pcnt

    @pl.when(i == NCHN - 1)
    def _():
        hg = acc[...] / jnp.maximum(cnt[...], 1.0)
        out_ref[...] = (
            jnp.dot(hg, wout_ref[...], preferred_element_type=_f32)
            + bout_ref[...])


def _tc_prep(dego, degi, f0, f1, e0, e1):
    return pl.pallas_call(
        _tc_prep_body,
        grid=(NCHN,),
        in_specs=[
            pl.BlockSpec((2, CH, 1), lambda i: (0, i, 0)),
            pl.BlockSpec((2, CH, 1), lambda i: (0, i, 0)),
            pl.BlockSpec((CH, 1), lambda i: (i, 0)),
            pl.BlockSpec((CH, 1), lambda i: (i, 0)),
            pl.BlockSpec((T0, D), lambda i: (0, 0)),
            pl.BlockSpec((T1, D), lambda i: (0, 0)),
        ],
        out_specs=[
            pl.BlockSpec((CH, D), lambda i: (i, 0)),
            pl.BlockSpec((CH, 1), lambda i: (i, 0)),
            pl.BlockSpec((CH, 1), lambda i: (i, 0)),
        ],
        out_shape=[
            jax.ShapeDtypeStruct((NPAD, D), _f32),
            jax.ShapeDtypeStruct((NPAD, 1), _f32),
            jax.ShapeDtypeStruct((NPAD, 1), _f32),
        ],
    )(dego, degi, f0, f1, e0, e1)


def _tc_dense(p, nin, nout, w, b):
    return pl.pallas_call(
        _tc_dense_body,
        grid=(NCHN,),
        in_specs=[
            pl.BlockSpec((2, CH, D), lambda i: (0, i, 0)),
            pl.BlockSpec((CH, 1), lambda i: (i, 0)),
            pl.BlockSpec((CH, 1), lambda i: (i, 0)),
            pl.BlockSpec((D, D), lambda i: (0, 0)),
            pl.BlockSpec((1, D), lambda i: (0, 0)),
        ],
        out_specs=pl.BlockSpec((CH, D), lambda i: (i, 0)),
        out_shape=jax.ShapeDtypeStruct((NPAD, D), _f32),
    )(p, nin, nout, w, b)


def _tc_final(p, nin, gid, w, b, wout, bout):
    return pl.pallas_call(
        _tc_final_body,
        grid=(NCHN,),
        in_specs=[
            pl.BlockSpec((2, CH, D), lambda i: (0, i, 0)),
            pl.BlockSpec((CH, 1), lambda i: (i, 0)),
            pl.BlockSpec((CH, 1), lambda i: (i, 0)),
            pl.BlockSpec((D, D), lambda i: (0, 0)),
            pl.BlockSpec((1, D), lambda i: (0, 0)),
            pl.BlockSpec((D, OUT), lambda i: (0, 0)),
            pl.BlockSpec((1, OUT), lambda i: (0, 0)),
        ],
        out_specs=pl.BlockSpec((B, OUT), lambda i: (0, 0)),
        out_shape=jax.ShapeDtypeStruct((B, OUT), _f32),
        scratch_shapes=[
            pltpu.VMEM((B, D), _f32),
            pltpu.VMEM((B, 1), _f32),
        ],
    )(p, nin, gid, w, b, wout, bout)


def kernel(feats0, feats1, edge_index, graph_ids,
           emb0, emb1, W0, b0, W1, b1, W2, b2, Wout, bout):
    src = edge_index[0].reshape(NW, EW)
    dst = edge_index[1].reshape(NW, EW)
    srcp = jnp.pad(src, ((0, 0), (0, EWP - EW)),
                   constant_values=TRASH).reshape(NW, NCH, CH)
    dstp = jnp.pad(dst, ((0, 0), (0, EWP - EW)),
                   constant_values=TRASH).reshape(NW, NCH, CH)
    f0p = jnp.pad(feats0, (0, NPAD - N)).reshape(NPAD, 1)
    f1p = jnp.pad(feats1, (0, NPAD - N)).reshape(NPAD, 1)
    gidp = jnp.pad(graph_ids, (0, NPAD - N),
                   constant_values=B).reshape(NPAD, 1)

    degs = _sc_prep(srcp, dstp)
    dego = degs[:, 0, :NPAD].reshape(2, NPAD, 1)
    degi = degs[:, 1, :NPAD].reshape(2, NPAD, 1)

    h, nin, nout = _tc_prep(dego, degi, f0p, f1p, emb0, emb1)
    for w, b_ in ((W0, b0), (W1, b1)):
        p = _sc_msg(h, srcp, dstp)
        h = _tc_dense(p, nin, nout, w, b_.reshape(1, D))
    p = _sc_msg(h, srcp, dstp)
    return _tc_final(p, nin, gidp, W2, b2.reshape(1, D),
                     Wout, bout.reshape(1, OUT))

# --- scband reference (transcript-rebuilt; emitter-appended) ---
"""Pipeline reference for scband-atc-gcn-62809601737027 (READ-ONLY COPY).

The authoritative reference and input builder live on the scoring server;
editing this copy changes nothing except your own understanding.
"""

import jax, jax.numpy as jnp
import numpy as np

N = 10000   # nodes
E = 320000  # edges
D = 128     # hid_dim
B = 64      # batch of graphs
OUT = 128   # out_dim
T0 = 120    # emb table 0 rows
T1 = 64     # emb table 1 rows
L = 3       # num GCN layers


def setup_inputs(seed: int = 0) -> dict:
    key = jax.random.key(seed)
    ks = jax.random.split(key, 16)
    feats0 = jax.random.randint(ks[0], (N,), 0, T0, dtype=jnp.int32)
    feats1 = jax.random.randint(ks[1], (N,), 0, T1, dtype=jnp.int32)
    edge_index = jax.random.randint(ks[2], (2, E), 0, N, dtype=jnp.int32)
    graph_ids = jnp.sort(jax.random.randint(ks[3], (N,), 0, B, dtype=jnp.int32))
    s = 1.0 / np.sqrt(D)
    emb0 = jax.random.normal(ks[4], (T0, D), jnp.float32) * 0.02
    emb1 = jax.random.normal(ks[5], (T1, D), jnp.float32) * 0.02
    W0 = jax.random.normal(ks[6], (D, D), jnp.float32) * s
    W1 = jax.random.normal(ks[7], (D, D), jnp.float32) * s
    W2 = jax.random.normal(ks[8], (D, D), jnp.float32) * s
    b0 = jnp.zeros((D,), jnp.float32)
    b1 = jnp.zeros((D,), jnp.float32)
    b2 = jnp.zeros((D,), jnp.float32)
    Wout = jax.random.normal(ks[9], (D, OUT), jnp.float32) * s
    bout = jnp.zeros((OUT,), jnp.float32)
    return dict(feats0=feats0, feats1=feats1, edge_index=edge_index, graph_ids=graph_ids,
                emb0=emb0, emb1=emb1, W0=W0, b0=b0, W1=W1, b1=b1, W2=W2, b2=b2,
                Wout=Wout, bout=bout)


def reference(feats0, feats1, edge_index, graph_ids,
              emb0, emb1, W0, b0, W1, b1, W2, b2, Wout, bout):
    # node embeddings: sum over the categorical embedding tables
    hv = emb0[feats0] + emb1[feats1]
    src = edge_index[0]
    dst = edge_index[1]
    ones_e = jnp.ones((E,), jnp.float32)
    # DGL GraphConv norm='both': D_out^{-1/2} A D_in^{-1/2}, degrees clamped to min 1
    deg_out = jnp.maximum(jax.ops.segment_sum(ones_e, src, num_segments=N), 1.0)
    deg_in = jnp.maximum(jax.ops.segment_sum(ones_e, dst, num_segments=N), 1.0)
    norm_out = deg_out ** -0.5
    norm_in = deg_in ** -0.5
    for W, b in ((W0, b0), (W1, b1), (W2, b2)):
        h = hv * norm_out[:, None]
        m = jax.ops.segment_sum(h[src], dst, num_segments=N)  # gather + scatter-add
        m = m * norm_in[:, None]
        hv = jax.nn.relu(m @ W + b)
    # AvgPooling per graph in the batch
    cnt = jnp.maximum(jax.ops.segment_sum(jnp.ones((N,), jnp.float32), graph_ids, num_segments=B), 1.0)
    hg = jax.ops.segment_sum(hv, graph_ids, num_segments=B) / cnt[:, None]
    return hg @ Wout + bout

if __name__ == "__main__":
    import jax
    _d = setup_inputs()
    print(jax.jit(kernel)(*tuple(_d.values())))

</pallas_src>

<mosaic_0001>
#map = affine_map<(d0, d1) -> (0, 0)>
#map1 = affine_map<(d0, d1) -> (0, 0, 0)>
module attributes {stable_mosaic.version = 14 : i64} {
  func.func @_sc_msg_body(%arg0: i32, %arg1: i32, %arg2: memref<10112x128xf32, #tpu.memory_space<hbm>>, %arg3: memref<32x80x128xi32, #tpu.memory_space<hbm>>, %arg4: memref<32x80x128xi32, #tpu.memory_space<hbm>>, %arg5: memref<2x10240x128xf32, #tpu.memory_space<hbm>>, %arg6: memref<10240x128xf32, #tpu.memory_space<vmem_shared>>, %arg7: memref<80x128xi32, #tpu.memory_space<vmem>>, %arg8: memref<80x128xi32, #tpu.memory_space<vmem>>, %arg9: memref<128x128xf32, #tpu.memory_space<vmem>>, %arg10: memref<!tpu.dma_semaphore, #tpu.memory_space<semaphore_mem>>) attributes {dimension_semantics = [#tpu.dimension_semantics<core_parallel>, #tpu.dimension_semantics<subcore_parallel>], iteration_bounds = array<i64: 2, 16>, scalar_prefetch = 0 : i64, scratch_operands = 5 : i64, tpu.core_type = #tpu.core_type<sc_vector_subcore>, window_params = [{transform_indices = #map}, {transform_indices = #map1}, {transform_indices = #map1}, {transform_indices = #map1}]} {
    %mul3A = arith.constant 16 : i32
    %mul3A_0 = arith.muli %arg0, %mul3A : i32
    %add3A = arith.addi %mul3A_0, %arg1 : i32
    %broadcast_in_dim3A = arith.constant 0.000000e+00 : f32
    %broadcast_in_dim3A_1 = vector.broadcast %broadcast_in_dim3A : f32 to vector<16xf32>
    %scan3A = arith.constant 0 : i32
    %scan3A_2 = arith.constant 0 : i32
    %scan3A_3 = arith.constant 128 : i32
    %scan3A_4 = arith.addi %scan3A_2, %scan3A_3 : i32
    %scan3A_5 = arith.constant 1 : i32
    scf.for %scan3A_42 = %scan3A_2 to %scan3A_4 step %scan3A_5  : i32 {
      %swap3A = arith.index_cast %scan3A_42 : i32 to index
      %swap3A_43 = arith.constant 0 : index
      %swap3A_44 = tpu.vector_load %arg9[%swap3A, %swap3A_43] {strides = array<i32>} : memref<128x128xf32, #tpu.memory_space<vmem>>, vector<1x16xf32>,
      %swap3A_45 = vector.shape_cast %swap3A_44 : vector<1x16xf32> to vector<16xf32>
      %swap3A_46 = vector.shape_cast %broadcast_in_dim3A_1 : vector<16xf32> to vector<1x16xf32>
      tpu.vector_store %arg9[%swap3A, %swap3A_43], %swap3A_46 {strides = array<i32>} : memref<128x128xf32, #tpu.memory_space<vmem>>, vector<1x16xf32>,
      %swap3A_47 = arith.index_cast %scan3A_42 : i32 to index
      %swap3A_48 = arith.constant 16 : index
      %swap3A_49 = tpu.vector_load %arg9[%swap3A_47, %swap3A_48] {strides = array<i32>} : memref<128x128xf32, #tpu.memory_space<vmem>>, vector<1x16xf32>,
      %swap3A_50 = vector.shape_cast %swap3A_49 : vector<1x16xf32> to vector<16xf32>
      %swap3A_51 = vector.shape_cast %broadcast_in_dim3A_1 : vector<16xf32> to vector<1x16xf32>
      tpu.vector_store %arg9[%swap3A_47, %swap3A_48], %swap3A_51 {strides = array<i32>} : memref<128x128xf32, #tpu.memory_space<vmem>>, vector<1x16xf32>,
      %swap3A_52 = arith.index_cast %scan3A_42 : i32 to index
      %swap3A_53 = arith.constant 32 : index
      %swap3A_54 = tpu.vector_load %arg9[%swap3A_52, %swap3A_53] {strides = array<i32>} : memref<128x128xf32, #tpu.memory_space<vmem>>, vector<1x16xf32>,
      %swap3A_55 = vector.shape_cast %swap3A_54 : vector<1x16xf32> to vector<16xf32>
      %swap3A_56 = vector.shape_cast %broadcast_in_dim3A_1 : vector<16xf32> to vector<1x16xf32>
      tpu.vector_store %arg9[%swap3A_52, %swap3A_53], %swap3A_56 {strides = array<i32>} : memref<128x128xf32, #tpu.memory_space<vmem>>, vector<1x16xf32>,
      %swap3A_57 = arith.index_cast %scan3A_42 : i32 to index
      %swap3A_58 = arith.constant 48 : index
      %swap3A_59 = tpu.vector_load %arg9[%swap3A_57, %swap3A_58] {strides = array<i32>} : memref<128x128xf32, #tpu.memory_space<vmem>>, vector<1x16xf32>,
      %swap3A_60 = vector.shape_cast %swap3A_59 : vector<1x16xf32> to vector<16xf32>
      %swap3A_61 = vector.shape_cast %broadcast_in_dim3A_1 : vector<16xf32> to vector<1x16xf32>
      tpu.vector_store %arg9[%swap3A_57, %swap3A_58], %swap3A_61 {strides = array<i32>} : memref<128x128xf32, #tpu.memory_space<vmem>>, vector<1x16xf32>,
      %swap3A_62 = arith.index_cast %scan3A_42 : i32 to index
      %swap3A_63 = arith.constant 64 : index
      %swap3A_64 = tpu.vector_load %arg9[%swap3A_62, %swap3A_63] {strides = array<i32>} : memref<128x128xf32, #tpu.memory_space<vmem>>, vector<1x16xf32>,
      %swap3A_65 = vector.shape_cast %swap3A_64 : vector<1x16xf32> to vector<16xf32>
      %swap3A_66 = vector.shape_cast %broadcast_in_dim3A_1 : vector<16xf32> to vector<1x16xf32>
      tpu.vector_store %arg9[%swap3A_62, %swap3A_63], %swap3A_66 {strides = array<i32>} : memref<128x128xf32, #tpu.memory_space<vmem>>, vector<1x16xf32>,
      %swap3A_67 = arith.index_cast %scan3A_42 : i32 to index
      %swap3A_68 = arith.constant 80 : index
      %swap3A_69 = tpu.vector_load %arg9[%swap3A_67, %swap3A_68] {strides = array<i32>} : memref<128x128xf32, #tpu.memory_space<vmem>>, vector<1x16xf32>,
      %swap3A_70 = vector.shape_cast %swap3A_69 : vector<1x16xf32> to vector<16xf32>
      %swap3A_71 = vector.shape_cast %broadcast_in_dim3A_1 : vector<16xf32> to vector<1x16xf32>
      tpu.vector_store %arg9[%swap3A_67, %swap3A_68], %swap3A_71 {strides = array<i32>} : memref<128x128xf32, #tpu.memory_space<vmem>>, vector<1x16xf32>,
      %swap3A_72 = arith.index_cast %scan3A_42 : i32 to index
      %swap3A_73 = arith.constant 96 : index
      %swap3A_74 = tpu.vector_load %arg9[%swap3A_72, %swap3A_73] {strides = array<i32>} : memref<128x128xf32, #tpu.memory_space<vmem>>, vector<1x16xf32>,
      %swap3A_75 = vector.shape_cast %swap3A_74 : vector<1x16xf32> to vector<16xf32>
      %swap3A_76 = vector.shape_cast %broadcast_in_dim3A_1 : vector<16xf32> to vector<1x16xf32>
      tpu.vector_store %arg9[%swap3A_72, %swap3A_73], %swap3A_76 {strides = array<i32>} : memref<128x128xf32, #tpu.memory_space<vmem>>, vector<1x16xf32>,
      %swap3A_77 = arith.index_cast %scan3A_42 : i32 to index
      %swap3A_78 = arith.constant 112 : index
      %swap3A_79 = tpu.vector_load %arg9[%swap3A_77, %swap3A_78] {strides = array<i32>} : memref<128x128xf32, #tpu.memory_space<vmem>>, vector<1x16xf32>,
      %swap3A_80 = vector.shape_cast %swap3A_79 : vector<1x16xf32> to vector<16xf32>
      %swap3A_81 = vector.shape_cast %broadcast_in_dim3A_1 : vector<16xf32> to vector<1x16xf32>
      tpu.vector_store %arg9[%swap3A_77, %swap3A_78], %swap3A_81 {strides = array<i32>} : memref<128x128xf32, #tpu.memory_space<vmem>>, vector<1x16xf32>,
    }
    %scan3A_6 = arith.constant 128 : i32
    %mul3A_7 = arith.constant 640 : i32
    %mul3A_8 = arith.muli %mul3A_7, %arg1 : i32
    %add3A_9 = arith.constant 0 : i32
    %add3A_10 = arith.addi %mul3A_8, %add3A_9 : i32
    "tpu.region"() ({
      %run_scoped3A = tpu.sem_alloc : memref<!tpu.dma_semaphore, #tpu.memory_space<semaphore_mem>>
      %dma_start3A = arith.constant 0 : i32
      %dma_start3A_42 = tpu.memref_slice %arg6[%add3A_10, %dma_start3A] : memref<10240x128xf32, #tpu.memory_space<vmem_shared>> -> memref<128x128xf32, #tpu.memory_space<vmem_shared>>
      %dma_start3A_43 = arith.constant 0 : i32
      %dma_start3A_44 = tpu.memref_slice %arg6[%add3A_10, %dma_start3A_43] : memref<10240x128xf32, #tpu.memory_space<vmem_shared>> -> memref<128x128xf32, #tpu.memory_space<vmem_shared>>
      tpu.enqueue_dma source(%arg9 : memref<128x128xf32, #tpu.memory_space<vmem>>) target(%dma_start3A_44 : memref<128x128xf32, #tpu.memory_space<vmem_shared>>) target_semaphore(%run_scoped3A : memref<!tpu.dma_semaphore, #tpu.memory_space<semaphore_mem>>)
      %dma_wait3A = arith.constant 0 : i32
      %dma_wait3A_45 = tpu.memref_slice %arg6[%add3A_10, %dma_wait3A] : memref<10240x128xf32, #tpu.memory_space<vmem_shared>> -> memref<128x128xf32, #tpu.memory_space<vmem_shared>>
      %dma_wait3A_46 = arith.constant 0 : i32
      %dma_wait3A_47 = tpu.memref_slice %arg6[%add3A_10, %dma_wait3A_46] : memref<10240x128xf32, #tpu.memory_space<vmem_shared>> -> memref<128x128xf32, #tpu.memory_space<vmem_shared>>
      tpu.wait_dma2 semaphore(%run_scoped3A : memref<!tpu.dma_semaphore, #tpu.memory_space<semaphore_mem>>) src(%arg9 : memref<128x128xf32, #tpu.memory_space<vmem>>) dst(%dma_wait3A_47 : memref<128x128xf32, #tpu.memory_space<vmem_shared>>)
      tpu.yield
    }) : () -> ()
    %mul3A_11 = arith.constant 640 : i32
    %mul3A_12 = arith.muli %mul3A_11, %arg1 : i32
    %add3A_13 = arith.constant 128 : i32
    %add3A_14 = arith.addi %mul3A_12, %add3A_13 : i32
    "tpu.region"() ({
      %run_scoped3A = tpu.sem_alloc : memref<!tpu.dma_semaphore, #tpu.memory_space<semaphore_mem>>
      %dma_start3A = arith.constant 0 : i32
      %dma_start3A_42 = tpu.memref_slice %arg6[%add3A_14, %dma_start3A] : memref<10240x128xf32, #tpu.memory_space<vmem_shared>> -> memref<128x128xf32, #tpu.memory_space<vmem_shared>>
      %dma_start3A_43 = arith.constant 0 : i32
      %dma_start3A_44 = tpu.memref_slice %arg6[%add3A_14, %dma_start3A_43] : memref<10240x128xf32, #tpu.memory_space<vmem_shared>> -> memref<128x128xf32, #tpu.memory_space<vmem_shared>>
      tpu.enqueue_dma source(%arg9 : memref<128x128xf32, #tpu.memory_space<vmem>>) target(%dma_start3A_44 : memref<128x128xf32, #tpu.memory_space<vmem_shared>>) target_semaphore(%run_scoped3A : memref<!tpu.dma_semaphore, #tpu.memory_space<semaphore_mem>>)
      %dma_wait3A = arith.constant 0 : i32
      %dma_wait3A_45 = tpu.memref_slice %arg6[%add3A_14, %dma_wait3A] : memref<10240x128xf32, #tpu.memory_space<vmem_shared>> -> memref<128x128xf32, #tpu.memory_space<vmem_shared>>
      %dma_wait3A_46 = arith.constant 0 : i32
      %dma_wait3A_47 = tpu.memref_slice %arg6[%add3A_14, %dma_wait3A_46] : memref<10240x128xf32, #tpu.memory_space<vmem_shared>> -> memref<128x128xf32, #tpu.memory_space<vmem_shared>>
      tpu.wait_dma2 semaphore(%run_scoped3A : memref<!tpu.dma_semaphore, #tpu.memory_space<semaphore_mem>>) src(%arg9 : memref<128x128xf32, #tpu.memory_space<vmem>>) dst(%dma_wait3A_47 : memref<128x128xf32, #tpu.memory_space<vmem_shared>>)
      tpu.yield
    }) : () -> ()
    %mul3A_15 = arith.constant 640 : i32
    %mul3A_16 = arith.muli %mul3A_15, %arg1 : i32
    %add3A_17 = arith.constant 256 : i32
    %add3A_18 = arith.addi %mul3A_16, %add3A_17 : i32
    "tpu.region"() ({
      %run_scoped3A = tpu.sem_alloc : memref<!tpu.dma_semaphore, #tpu.memory_space<semaphore_mem>>
      %dma_start3A = arith.constant 0 : i32
      %dma_start3A_42 = tpu.memref_slice %arg6[%add3A_18, %dma_start3A] : memref<10240x128xf32, #tpu.memory_space<vmem_shared>> -> memref<128x128xf32, #tpu.memory_space<vmem_shared>>
      %dma_start3A_43 = arith.constant 0 : i32
      %dma_start3A_44 = tpu.memref_slice %arg6[%add3A_18, %dma_start3A_43] : memref<10240x128xf32, #tpu.memory_space<vmem_shared>> -> memref<128x128xf32, #tpu.memory_space<vmem_shared>>
      tpu.enqueue_dma source(%arg9 : memref<128x128xf32, #tpu.memory_space<vmem>>) target(%dma_start3A_44 : memref<128x128xf32, #tpu.memory_space<vmem_shared>>) target_semaphore(%run_scoped3A : memref<!tpu.dma_semaphore, #tpu.memory_space<semaphore_mem>>)
      %dma_wait3A = arith.constant 0 : i32
      %dma_wait3A_45 = tpu.memref_slice %arg6[%add3A_18, %dma_wait3A] : memref<10240x128xf32, #tpu.memory_space<vmem_shared>> -> memref<128x128xf32, #tpu.memory_space<vmem_shared>>
      %dma_wait3A_46 = arith.constant 0 : i32
      %dma_wait3A_47 = tpu.memref_slice %arg6[%add3A_18, %dma_wait3A_46] : memref<10240x128xf32, #tpu.memory_space<vmem_shared>> -> memref<128x128xf32, #tpu.memory_space<vmem_shared>>
      tpu.wait_dma2 semaphore(%run_scoped3A : memref<!tpu.dma_semaphore, #tpu.memory_space<semaphore_mem>>) src(%arg9 : memref<128x128xf32, #tpu.memory_space<vmem>>) dst(%dma_wait3A_47 : memref<128x128xf32, #tpu.memory_space<vmem_shared>>)
      tpu.yield
    }) : () -> ()
    %mul3A_19 = arith.constant 640 : i32
    %mul3A_20 = arith.muli %mul3A_19, %arg1 : i32
    %add3A_21 = arith.constant 384 : i32
    %add3A_22 = arith.addi %mul3A_20, %add3A_21 : i32
    "tpu.region"() ({
      %run_scoped3A = tpu.sem_alloc : memref<!tpu.dma_semaphore, #tpu.memory_space<semaphore_mem>>
      %dma_start3A = arith.constant 0 : i32
      %dma_start3A_42 = tpu.memref_slice %arg6[%add3A_22, %dma_start3A] : memref<10240x128xf32, #tpu.memory_space<vmem_shared>> -> memref<128x128xf32, #tpu.memory_space<vmem_shared>>
      %dma_start3A_43 = arith.constant 0 : i32
      %dma_start3A_44 = tpu.memref_slice %arg6[%add3A_22, %dma_start3A_43] : memref<10240x128xf32, #tpu.memory_space<vmem_shared>> -> memref<128x128xf32, #tpu.memory_space<vmem_shared>>
      tpu.enqueue_dma source(%arg9 : memref<128x128xf32, #tpu.memory_space<vmem>>) target(%dma_start3A_44 : memref<128x128xf32, #tpu.memory_space<vmem_shared>>) target_semaphore(%run_scoped3A : memref<!tpu.dma_semaphore, #tpu.memory_space<semaphore_mem>>)
      %dma_wait3A = arith.constant 0 : i32
      %dma_wait3A_45 = tpu.memref_slice %arg6[%add3A_22, %dma_wait3A] : memref<10240x128xf32, #tpu.memory_space<vmem_shared>> -> memref<128x128xf32, #tpu.memory_space<vmem_shared>>
      %dma_wait3A_46 = arith.constant 0 : i32
      %dma_wait3A_47 = tpu.memref_slice %arg6[%add3A_22, %dma_wait3A_46] : memref<10240x128xf32, #tpu.memory_space<vmem_shared>> -> memref<128x128xf32, #tpu.memory_space<vmem_shared>>
      tpu.wait_dma2 semaphore(%run_scoped3A : memref<!tpu.dma_semaphore, #tpu.memory_space<semaphore_mem>>) src(%arg9 : memref<128x128xf32, #tpu.memory_space<vmem>>) dst(%dma_wait3A_47 : memref<128x128xf32, #tpu.memory_space<vmem_shared>>)
      tpu.yield
    }) : () -> ()
    %mul3A_23 = arith.constant 640 : i32
    %mul3A_24 = arith.muli %mul3A_23, %arg1 : i32
    %add3A_25 = arith.constant 512 : i32
    %add3A_26 = arith.addi %mul3A_24, %add3A_25 : i32
    "tpu.region"() ({
      %run_scoped3A = tpu.sem_alloc : memref<!tpu.dma_semaphore, #tpu.memory_space<semaphore_mem>>
      %dma_start3A = arith.constant 0 : i32
      %dma_start3A_42 = tpu.memref_slice %arg6[%add3A_26, %dma_start3A] : memref<10240x128xf32, #tpu.memory_space<vmem_shared>> -> memref<128x128xf32, #tpu.memory_space<vmem_shared>>
      %dma_start3A_43 = arith.constant 0 : i32
      %dma_start3A_44 = tpu.memref_slice %arg6[%add3A_26, %dma_start3A_43] : memref<10240x128xf32, #tpu.memory_space<vmem_shared>> -> memref<128x128xf32, #tpu.memory_space<vmem_shared>>
      tpu.enqueue_dma source(%arg9 : memref<128x128xf32, #tpu.memory_space<vmem>>) target(%dma_start3A_44 : memref<128x128xf32, #tpu.memory_space<vmem_shared>>) target_semaphore(%run_scoped3A : memref<!tpu.dma_semaphore, #tpu.memory_space<semaphore_mem>>)
      %dma_wait3A = arith.constant 0 : i32
      %dma_wait3A_45 = tpu.memref_slice %arg6[%add3A_26, %dma_wait3A] : memref<10240x128xf32, #tpu.memory_space<vmem_shared>> -> memref<128x128xf32, #tpu.memory_space<vmem_shared>>
      %dma_wait3A_46 = arith.constant 0 : i32
      %dma_wait3A_47 = tpu.memref_slice %arg6[%add3A_26, %dma_wait3A_46] : memref<10240x128xf32, #tpu.memory_space<vmem_shared>> -> memref<128x128xf32, #tpu.memory_space<vmem_shared>>
      tpu.wait_dma2 semaphore(%run_scoped3A : memref<!tpu.dma_semaphore, #tpu.memory_space<semaphore_mem>>) src(%arg9 : memref<128x128xf32, #tpu.memory_space<vmem>>) dst(%dma_wait3A_47 : memref<128x128xf32, #tpu.memory_space<vmem_shared>>)
      tpu.yield
    }) : () -> ()
    %barrier3A = arith.constant 0 : index
    tpu.barrier barrier_id(%barrier3A)
    "tpu.region"() ({
      %run_scoped3A = tpu.sem_alloc : memref<!tpu.dma_semaphore, #tpu.memory_space<semaphore_mem>>
      %dma_start3A = arith.constant 0 : i32
      %dma_start3A_42 = arith.constant 0 : i32
      %dma_start3A_43 = tpu.memref_slice %arg3[%add3A, %dma_start3A, %dma_start3A_42] : memref<32x80x128xi32, #tpu.memory_space<hbm>> -> memref<1x80x128xi32, #tpu.memory_space<hbm>>
      %dma_start3A_44 = tpu.memref_squeeze %dma_start3A_43 : memref<1x80x128xi32, #tpu.memory_space<hbm>> -> memref<80x128xi32, #tpu.memory_space<hbm>>
      %dma_start3A_45 = arith.constant 0 : i32
      %dma_start3A_46 = arith.constant 0 : i32
      %dma_start3A_47 = tpu.memref_slice %arg3[%add3A, %dma_start3A_45, %dma_start3A_46] : memref<32x80x128xi32, #tpu.memory_space<hbm>> -> memref<1x80x128xi32, #tpu.memory_space<hbm>>
      %dma_start3A_48 = tpu.memref_squeeze %dma_start3A_47 : memref<1x80x128xi32, #tpu.memory_space<hbm>> -> memref<80x128xi32, #tpu.memory_space<hbm>>
      tpu.enqueue_dma source(%dma_start3A_48 : memref<80x128xi32, #tpu.memory_space<hbm>>) target(%arg7 : memref<80x128xi32, #tpu.memory_space<vmem>>) target_semaphore(%run_scoped3A : memref<!tpu.dma_semaphore, #tpu.memory_space<semaphore_mem>>)
      %dma_wait3A = arith.constant 0 : i32
      %dma_wait3A_49 = arith.constant 0 : i32
      %dma_wait3A_50 = tpu.memref_slice %arg3[%add3A, %dma_wait3A, %dma_wait3A_49] : memref<32x80x128xi32, #tpu.memory_space<hbm>> -> memref<1x80x128xi32, #tpu.memory_space<hbm>>
      %dma_wait3A_51 = tpu.memref_squeeze %dma_wait3A_50 : memref<1x80x128xi32, #tpu.memory_space<hbm>> -> memref<80x128xi32, #tpu.memory_space<hbm>>
      %dma_wait3A_52 = arith.constant 0 : i32
      %dma_wait3A_53 = arith.constant 0 : i32
      %dma_wait3A_54 = tpu.memref_slice %arg3[%add3A, %dma_wait3A_52, %dma_wait3A_53] : memref<32x80x128xi32, #tpu.memory_space<hbm>> -> memref<1x80x128xi32, #tpu.memory_space<hbm>>
      %dma_wait3A_55 = tpu.memref_squeeze %dma_wait3A_54 : memref<1x80x128xi32, #tpu.memory_space<hbm>> -> memref<80x128xi32, #tpu.memory_space<hbm>>
      tpu.wait_dma2 semaphore(%run_scoped3A : memref<!tpu.dma_semaphore, #tpu.memory_space<semaphore_mem>>) src(%dma_wait3A_55 : memref<80x128xi32, #tpu.memory_space<hbm>>) dst(%arg7 : memref<80x128xi32, #tpu.memory_space<vmem>>)
      tpu.yield
    }) : () -> ()
    "tpu.region"() ({
      %run_scoped3A = tpu.sem_alloc : memref<!tpu.dma_semaphore, #tpu.memory_space<semaphore_mem>>
      %dma_start3A = arith.constant 0 : i32
      %dma_start3A_42 = arith.constant 0 : i32
      %dma_start3A_43 = tpu.memref_slice %arg4[%add3A, %dma_start3A, %dma_start3A_42] : memref<32x80x128xi32, #tpu.memory_space<hbm>> -> memref<1x80x128xi32, #tpu.memory_space<hbm>>
      %dma_start3A_44 = tpu.memref_squeeze %dma_start3A_43 : memref<1x80x128xi32, #tpu.memory_space<hbm>> -> memref<80x128xi32, #tpu.memory_space<hbm>>
      %dma_start3A_45 = arith.constant 0 : i32
      %dma_start3A_46 = arith.constant 0 : i32
      %dma_start3A_47 = tpu.memref_slice %arg4[%add3A, %dma_start3A_45, %dma_start3A_46] : memref<32x80x128xi32, #tpu.memory_space<hbm>> -> memref<1x80x128xi32, #tpu.memory_space<hbm>>
      %dma_start3A_48 = tpu.memref_squeeze %dma_start3A_47 : memref<1x80x128xi32, #tpu.memory_space<hbm>> -> memref<80x128xi32, #tpu.memory_space<hbm>>
      tpu.enqueue_dma source(%dma_start3A_48 : memref<80x128xi32, #tpu.memory_space<hbm>>) target(%arg8 : memref<80x128xi32, #tpu.memory_space<vmem>>) target_semaphore(%run_scoped3A : memref<!tpu.dma_semaphore, #tpu.memory_space<semaphore_mem>>)
      %dma_wait3A = arith.constant 0 : i32
      %dma_wait3A_49 = arith.constant 0 : i32
      %dma_wait3A_50 = tpu.memref_slice %arg4[%add3A, %dma_wait3A, %dma_wait3A_49] : memref<32x80x128xi32, #tpu.memory_space<hbm>> -> memref<1x80x128xi32, #tpu.memory_space<hbm>>
      %dma_wait3A_51 = tpu.memref_squeeze %dma_wait3A_50 : memref<1x80x128xi32, #tpu.memory_space<hbm>> -> memref<80x128xi32, #tpu.memory_space<hbm>>
      %dma_wait3A_52 = arith.constant 0 : i32
      %dma_wait3A_53 = arith.constant 0 : i32
      %dma_wait3A_54 = tpu.memref_slice %arg4[%add3A, %dma_wait3A_52, %dma_wait3A_53] : memref<32x80x128xi32, #tpu.memory_space<hbm>> -> memref<1x80x128xi32, #tpu.memory_space<hbm>>
      %dma_wait3A_55 = tpu.memref_squeeze %dma_wait3A_54 : memref<1x80x128xi32, #tpu.memory_space<hbm>> -> memref<80x128xi32, #tpu.memory_space<hbm>>
      tpu.wait_dma2 semaphore(%run_scoped3A : memref<!tpu.dma_semaphore, #tpu.memory_space<semaphore_mem>>) src(%dma_wait3A_55 : memref<80x128xi32, #tpu.memory_space<hbm>>) dst(%arg8 : memref<80x128xi32, #tpu.memory_space<vmem>>)
      tpu.yield
    }) : () -> ()
    %scan3A_27 = arith.constant 0 : i32
    %scan3A_28 = arith.constant 0 : i32
    %scan3A_29 = arith.constant 80 : i32
    %scan3A_30 = arith.addi %scan3A_28, %scan3A_29 : i32
    %scan3A_31 = arith.constant 1 : i32
    scf.for %scan3A_42 = %scan3A_28 to %scan3A_30 step %scan3A_31  : i32 {
      "tpu.region"() ({
        %run_scoped3A = tpu.sem_alloc : memref<!tpu.dma_semaphore, #tpu.memory_space<semaphore_mem>>
        %dma_start3A_48 = arith.constant 0 : i32
        %dma_start3A_49 = tpu.memref_slice %arg7[%scan3A_42, %dma_start3A_48] : memref<80x128xi32, #tpu.memory_space<vmem>> -> memref<1x128xi32, #tpu.memory_space<vmem>>
        %dma_start3A_50 = tpu.memref_squeeze %dma_start3A_49 : memref<1x128xi32, #tpu.memory_space<vmem>> -> memref<128xi32, #tpu.memory_space<vmem>>
        %dma_start3A_51 = arith.constant 0 : i32
        %dma_start3A_52 = arith.constant 0 : i32
        %dma_start3A_53 = tpu.memref_slice %arg2[%dma_start3A_51, %dma_start3A_52] : memref<10112x128xf32, #tpu.memory_space<hbm>> -> memref<10112x128xf32, #tpu.memory_space<hbm>>
        tpu.enqueue_indirect_dma source(%dma_start3A_53 : memref<10112x128xf32, #tpu.memory_space<hbm>>) target(%arg9 : memref<128x128xf32, #tpu.memory_space<vmem>>) offsets(%dma_start3A_50 : memref<128xi32, #tpu.memory_space<vmem>>) semaphore(%run_scoped3A : memref<!tpu.dma_semaphore, #tpu.memory_space<semaphore_mem>>)
        %dma_wait3A = arith.constant 0 : i32
        %dma_wait3A_54 = tpu.memref_slice %arg7[%scan3A_42, %dma_wait3A] : memref<80x128xi32, #tpu.memory_space<vmem>> -> memref<1x128xi32, #tpu.memory_space<vmem>>
        %dma_wait3A_55 = tpu.memref_squeeze %dma_wait3A_54 : memref<1x128xi32, #tpu.memory_space<vmem>> -> memref<128xi32, #tpu.memory_space<vmem>>
        %dma_wait3A_56 = arith.constant 0 : i32
        %dma_wait3A_57 = arith.constant 0 : i32
        %dma_wait3A_58 = tpu.memref_slice %arg2[%dma_wait3A_56, %dma_wait3A_57] : memref<10112x128xf32, #tpu.memory_space<hbm>> -> memref<10112x128xf32, #tpu.memory_space<hbm>>
        tpu.wait_indirect_dma semaphore(%run_scoped3A : memref<!tpu.dma_semaphore, #tpu.memory_space<semaphore_mem>>) src(%dma_wait3A_58 : memref<10112x128xf32, #tpu.memory_space<hbm>>) dst(%arg9 : memref<128x128xf32, #tpu.memory_space<vmem>>)
        tpu.yield
      }) : () -> ()
      %dma_start3A = arith.constant 0 : i32
      %dma_start3A_43 = tpu.memref_slice %arg8[%scan3A_42, %dma_start3A] : memref<80x128xi32, #tpu.memory_space<vmem>> -> memref<1x128xi32, #tpu.memory_space<vmem>>
      %dma_start3A_44 = tpu.memref_squeeze %dma_start3A_43 : memref<1x128xi32, #tpu.memory_space<vmem>> -> memref<128xi32, #tpu.memory_space<vmem>>
      %dma_start3A_45 = arith.constant 0 : i32
      %dma_start3A_46 = arith.constant 0 : i32
      %dma_start3A_47 = tpu.memref_slice %arg6[%dma_start3A_45, %dma_start3A_46] : memref<10240x128xf32, #tpu.memory_space<vmem_shared>> -> memref<10240x128xf32, #tpu.memory_space<vmem_shared>>
      tpu.enqueue_indirect_dma source(%arg9 : memref<128x128xf32, #tpu.memory_space<vmem>>) target(%dma_start3A_47 : memref<10240x128xf32, #tpu.memory_space<vmem_shared>>) offsets(%dma_start3A_44 : memref<128xi32, #tpu.memory_space<vmem>>) semaphore(%arg10 : memref<!tpu.dma_semaphore, #tpu.memory_space<semaphore_mem>>) {add = true}
    }
    %scan3A_32 = arith.constant 80 : i32
    %scan3A_33 = arith.constant 0 : i32
    %scan3A_34 = arith.constant 0 : i32
    %scan3A_35 = arith.constant 80 : i32
    %scan3A_36 = arith.addi %scan3A_34, %scan3A_35 : i32
    %scan3A_37 = arith.constant 1 : i32
    scf.for %scan3A_42 = %scan3A_34 to %scan3A_36 step %scan3A_37  : i32 {
      %dma_wait3A = arith.constant 0 : i32
      %dma_wait3A_43 = arith.constant 0 : i32
      %dma_wait3A_44 = tpu.memref_slice %arg8[%dma_wait3A, %dma_wait3A_43] : memref<80x128xi32, #tpu.memory_space<vmem>> -> memref<1x128xi32, #tpu.memory_space<vmem>>
      %dma_wait3A_45 = tpu.memref_squeeze %dma_wait3A_44 : memref<1x128xi32, #tpu.memory_space<vmem>> -> memref<128xi32, #tpu.memory_space<vmem>>
      %dma_wait3A_46 = arith.constant 0 : i32
      %dma_wait3A_47 = arith.constant 0 : i32
      %dma_wait3A_48 = tpu.memref_slice %arg6[%dma_wait3A_46, %dma_wait3A_47] : memref<10240x128xf32, #tpu.memory_space<vmem_shared>> -> memref<10240x128xf32, #tpu.memory_space<vmem_shared>>
      tpu.wait_indirect_dma semaphore(%arg10 : memref<!tpu.dma_semaphore, #tpu.memory_space<semaphore_mem>>) src(%arg9 : memref<128x128xf32, #tpu.memory_space<vmem>>) dst(%dma_wait3A_48 : memref<10240x128xf32, #tpu.memory_space<vmem_shared>>)
    }
    %scan3A_38 = arith.constant 80 : i32
    %barrier3A_39 = arith.constant 0 : index
    tpu.barrier barrier_id(%barrier3A_39)
    %mul3A_40 = arith.constant 640 : i32
    %mul3A_41 = arith.muli %mul3A_40, %arg1 : i32
    "tpu.region"() ({
      %run_scoped3A = tpu.sem_alloc : memref<!tpu.dma_semaphore, #tpu.memory_space<semaphore_mem>>
      %dma_start3A = arith.constant 0 : i32
      %dma_start3A_42 = tpu.memref_slice %arg5[%arg0, %mul3A_41, %dma_start3A] : memref<2x10240x128xf32, #tpu.memory_space<hbm>> -> memref<1x640x128xf32, #tpu.memory_space<hbm>>
      %dma_start3A_43 = tpu.memref_squeeze %dma_start3A_42 : memref<1x640x128xf32, #tpu.memory_space<hbm>> -> memref<640x128xf32, #tpu.memory_space<hbm>>
      %dma_start3A_44 = arith.constant 0 : i32
      %dma_start3A_45 = tpu.memref_slice %arg6[%mul3A_41, %dma_start3A_44] : memref<10240x128xf32, #tpu.memory_space<vmem_shared>> -> memref<640x128xf32, #tpu.memory_space<vmem_shared>>
      tpu.enqueue_dma source(%dma_start3A_45 : memref<640x128xf32, #tpu.memory_space<vmem_shared>>) target(%dma_start3A_43 : memref<640x128xf32, #tpu.memory_space<hbm>>) target_semaphore(%run_scoped3A : memref<!tpu.dma_semaphore, #tpu.memory_space<semaphore_mem>>)
      %dma_wait3A = arith.constant 0 : i32
      %dma_wait3A_46 = tpu.memref_slice %arg5[%arg0, %mul3A_41, %dma_wait3A] : memref<2x10240x128xf32, #tpu.memory_space<hbm>> -> memref<1x640x128xf32, #tpu.memory_space<hbm>>
      %dma_wait3A_47 = tpu.memref_squeeze %dma_wait3A_46 : memref<1x640x128xf32, #tpu.memory_space<hbm>> -> memref<640x128xf32, #tpu.memory_space<hbm>>
      %dma_wait3A_48 = arith.constant 0 : i32
      %dma_wait3A_49 = tpu.memref_slice %arg6[%mul3A_41, %dma_wait3A_48] : memref<10240x128xf32, #tpu.memory_space<vmem_shared>> -> memref<640x128xf32, #tpu.memory_space<vmem_shared>>
      tpu.wait_dma2 semaphore(%run_scoped3A : memref<!tpu.dma_semaphore, #tpu.memory_space<semaphore_mem>>) src(%dma_wait3A_49 : memref<640x128xf32, #tpu.memory_space<vmem_shared>>) dst(%dma_wait3A_47 : memref<640x128xf32, #tpu.memory_space<hbm>>)
      tpu.yield
    }) : () -> ()
    return
  }
}

#map = affine_map<(d0, d1) -> (0, 0)>
#map1 = affine_map<(d0, d1) -> (0, 0, 0)>
module attributes {stable_mosaic.version = 14 : i64} {
  func.func @_sc_msg_body(%arg0: i32, %arg1: i32, %arg2: memref<10112x128xf32, #tpu.memory_space<hbm>>, %arg3: memref<32x80x128xi32, #tpu.memory_space<hbm>>, %arg4: memref<32x80x128xi32, #tpu.memory_space<hbm>>, %arg5: memref<2x10240x128xf32, #tpu.memory_space<hbm>>, %arg6: memref<10240x128xf32, #tpu.memory_space<vmem_shared>>, %arg7: memref<80x128xi32, #tpu.memory_space<vmem>>, %arg8: memref<80x128xi32, #tpu.memory_space<vmem>>, %arg9: memref<128x128xf32, #tpu.memory_space<vmem>>, %arg10: memref<!tpu.dma_semaphore, #tpu.memory_space<semaphore_mem>>) attributes {dimension_semantics = [#tpu.dimension_semantics<core_parallel>, #tpu.dimension_semantics<subcore_parallel>], iteration_bounds = array<i64: 2, 16>, scalar_prefetch = 0 : i64, scratch_operands = 5 : i64, tpu.core_type = #tpu.core_type<sc_vector_subcore>, window_params = [{transform_indices = #map}, {transform_indices = #map1}, {transform_indices = #map1}, {transform_indices = #map1}]} {
    %mul3A = arith.constant 16 : i32
    %mul3A_0 = arith.muli %arg0, %mul3A : i32
    %add3A = arith.addi %mul3A_0, %arg1 : i32
    %broadcast_in_dim3A = arith.constant 0.000000e+00 : f32
    %broadcast_in_dim3A_1 = vector.broadcast %broadcast_in_dim3A : f32 to vector<16xf32>
    %scan3A = arith.constant 0 : i32
    %scan3A_2 = arith.constant 0 : i32
    %scan3A_3 = arith.constant 128 : i32
    %scan3A_4 = arith.addi %scan3A_2, %scan3A_3 : i32
    %scan3A_5 = arith.constant 1 : i32
    scf.for %scan3A_42 = %scan3A_2 to %scan3A_4 step %scan3A_5  : i32 {
      %swap3A = arith.index_cast %scan3A_42 : i32 to index
      %swap3A_43 = arith.constant 0 : index
      %swap3A_44 = tpu.vector_load %arg9[%swap3A, %swap3A_43] {strides = array<i32>} : memref<128x128xf32, #tpu.memory_space<vmem>>, vector<1x16xf32>,
      %swap3A_45 = vector.shape_cast %swap3A_44 : vector<1x16xf32> to vector<16xf32>
      %swap3A_46 = vector.shape_cast %broadcast_in_dim3A_1 : vector<16xf32> to vector<1x16xf32>
      tpu.vector_store %arg9[%swap3A, %swap3A_43], %swap3A_46 {strides = array<i32>} : memref<128x128xf32, #tpu.memory_space<vmem>>, vector<1x16xf32>,
      %swap3A_47 = arith.index_cast %scan3A_42 : i32 to index
      %swap3A_48 = arith.constant 16 : index
      %swap3A_49 = tpu.vector_load %arg9[%swap3A_47, %swap3A_48] {strides = array<i32>} : memref<128x128xf32, #tpu.memory_space<vmem>>, vector<1x16xf32>,
      %swap3A_50 = vector.shape_cast %swap3A_49 : vector<1x16xf32> to vector<16xf32>
      %swap3A_51 = vector.shape_cast %broadcast_in_dim3A_1 : vector<16xf32> to vector<1x16xf32>
      tpu.vector_store %arg9[%swap3A_47, %swap3A_48], %swap3A_51 {strides = array<i32>} : memref<128x128xf32, #tpu.memory_space<vmem>>, vector<1x16xf32>,
      %swap3A_52 = arith.index_cast %scan3A_42 : i32 to index
      %swap3A_53 = arith.constant 32 : index
      %swap3A_54 = tpu.vector_load %arg9[%swap3A_52, %swap3A_53] {strides = array<i32>} : memref<128x128xf32, #tpu.memory_space<vmem>>, vector<1x16xf32>,
      %swap3A_55 = vector.shape_cast %swap3A_54 : vector<1x16xf32> to vector<16xf32>
      %swap3A_56 = vector.shape_cast %broadcast_in_dim3A_1 : vector<16xf32> to vector<1x16xf32>
      tpu.vector_store %arg9[%swap3A_52, %swap3A_53], %swap3A_56 {strides = array<i32>} : memref<128x128xf32, #tpu.memory_space<vmem>>, vector<1x16xf32>,
      %swap3A_57 = arith.index_cast %scan3A_42 : i32 to index
      %swap3A_58 = arith.constant 48 : index
      %swap3A_59 = tpu.vector_load %arg9[%swap3A_57, %swap3A_58] {strides = array<i32>} : memref<128x128xf32, #tpu.memory_space<vmem>>, vector<1x16xf32>,
      %swap3A_60 = vector.shape_cast %swap3A_59 : vector<1x16xf32> to vector<16xf32>
      %swap3A_61 = vector.shape_cast %broadcast_in_dim3A_1 : vector<16xf32> to vector<1x16xf32>
      tpu.vector_store %arg9[%swap3A_57, %swap3A_58], %swap3A_61 {strides = array<i32>} : memref<128x128xf32, #tpu.memory_space<vmem>>, vector<1x16xf32>,
      %swap3A_62 = arith.index_cast %scan3A_42 : i32 to index
      %swap3A_63 = arith.constant 64 : index
      %swap3A_64 = tpu.vector_load %arg9[%swap3A_62, %swap3A_63] {strides = array<i32>} : memref<128x128xf32, #tpu.memory_space<vmem>>, vector<1x16xf32>,
      %swap3A_65 = vector.shape_cast %swap3A_64 : vector<1x16xf32> to vector<16xf32>
      %swap3A_66 = vector.shape_cast %broadcast_in_dim3A_1 : vector<16xf32> to vector<1x16xf32>
      tpu.vector_store %arg9[%swap3A_62, %swap3A_63], %swap3A_66 {strides = array<i32>} : memref<128x128xf32, #tpu.memory_space<vmem>>, vector<1x16xf32>,
      %swap3A_67 = arith.index_cast %scan3A_42 : i32 to index
      %swap3A_68 = arith.constant 80 : index
      %swap3A_69 = tpu.vector_load %arg9[%swap3A_67, %swap3A_68] {strides = array<i32>} : memref<128x128xf32, #tpu.memory_space<vmem>>, vector<1x16xf32>,
      %swap3A_70 = vector.shape_cast %swap3A_69 : vector<1x16xf32> to vector<16xf32>
      %swap3A_71 = vector.shape_cast %broadcast_in_dim3A_1 : vector<16xf32> to vector<1x16xf32>
      tpu.vector_store %arg9[%swap3A_67, %swap3A_68], %swap3A_71 {strides = array<i32>} : memref<128x128xf32, #tpu.memory_space<vmem>>, vector<1x16xf32>,
      %swap3A_72 = arith.index_cast %scan3A_42 : i32 to index
      %swap3A_73 = arith.constant 96 : index
      %swap3A_74 = tpu.vector_load %arg9[%swap3A_72, %swap3A_73] {strides = array<i32>} : memref<128x128xf32, #tpu.memory_space<vmem>>, vector<1x16xf32>,
      %swap3A_75 = vector.shape_cast %swap3A_74 : vector<1x16xf32> to vector<16xf32>
      %swap3A_76 = vector.shape_cast %broadcast_in_dim3A_1 : vector<16xf32> to vector<1x16xf32>
      tpu.vector_store %arg9[%swap3A_72, %swap3A_73], %swap3A_76 {strides = array<i32>} : memref<128x128xf32, #tpu.memory_space<vmem>>, vector<1x16xf32>,
      %swap3A_77 = arith.index_cast %scan3A_42 : i32 to index
      %swap3A_78 = arith.constant 112 : index
      %swap3A_79 = tpu.vector_load %arg9[%swap3A_77, %swap3A_78] {strides = array<i32>} : memref<128x128xf32, #tpu.memory_space<vmem>>, vector<1x16xf32>,
      %swap3A_80 = vector.shape_cast %swap3A_79 : vector<1x16xf32> to vector<16xf32>
      %swap3A_81 = vector.shape_cast %broadcast_in_dim3A_1 : vector<16xf32> to vector<1x16xf32>
      tpu.vector_store %arg9[%swap3A_77, %swap3A_78], %swap3A_81 {strides = array<i32>} : memref<128x128xf32, #tpu.memory_space<vmem>>, vector<1x16xf32>,
    }
    %scan3A_6 = arith.constant 128 : i32
    %mul3A_7 = arith.constant 640 : i32
    %mul3A_8 = arith.muli %mul3A_7, %arg1 : i32
    %add3A_9 = arith.constant 0 : i32
    %add3A_10 = arith.addi %mul3A_8, %add3A_9 : i32
    "tpu.region"() ({
      %run_scoped3A = tpu.sem_alloc : memref<!tpu.dma_semaphore, #tpu.memory_space<semaphore_mem>>
      %dma_start3A = arith.constant 0 : i32
      %dma_start3A_42 = tpu.memref_slice %arg6[%add3A_10, %dma_start3A] : memref<10240x128xf32, #tpu.memory_space<vmem_shared>> -> memref<128x128xf32, #tpu.memory_space<vmem_shared>>
      %dma_start3A_43 = arith.constant 0 : i32
      %dma_start3A_44 = tpu.memref_slice %arg6[%add3A_10, %dma_start3A_43] : memref<10240x128xf32, #tpu.memory_space<vmem_shared>> -> memref<128x128xf32, #tpu.memory_space<vmem_shared>>
      tpu.enqueue_dma source(%arg9 : memref<128x128xf32, #tpu.memory_space<vmem>>) target(%dma_start3A_44 : memref<128x128xf32, #tpu.memory_space<vmem_shared>>) target_semaphore(%run_scoped3A : memref<!tpu.dma_semaphore, #tpu.memory_space<semaphore_mem>>)
      %dma_wait3A = arith.constant 0 : i32
      %dma_wait3A_45 = tpu.memref_slice %arg6[%add3A_10, %dma_wait3A] : memref<10240x128xf32, #tpu.memory_space<vmem_shared>> -> memref<128x128xf32, #tpu.memory_space<vmem_shared>>
      %dma_wait3A_46 = arith.constant 0 : i32
      %dma_wait3A_47 = tpu.memref_slice %arg6[%add3A_10, %dma_wait3A_46] : memref<10240x128xf32, #tpu.memory_space<vmem_shared>> -> memref<128x128xf32, #tpu.memory_space<vmem_shared>>
      tpu.wait_dma2 semaphore(%run_scoped3A : memref<!tpu.dma_semaphore, #tpu.memory_space<semaphore_mem>>) src(%arg9 : memref<128x128xf32, #tpu.memory_space<vmem>>) dst(%dma_wait3A_47 : memref<128x128xf32, #tpu.memory_space<vmem_shared>>)
      tpu.yield
    }) : () -> ()
    %mul3A_11 = arith.constant 640 : i32
    %mul3A_12 = arith.muli %mul3A_11, %arg1 : i32
    %add3A_13 = arith.constant 128 : i32
    %add3A_14 = arith.addi %mul3A_12, %add3A_13 : i32
    "tpu.region"() ({
      %run_scoped3A = tpu.sem_alloc : memref<!tpu.dma_semaphore, #tpu.memory_space<semaphore_mem>>
      %dma_start3A = arith.constant 0 : i32
      %dma_start3A_42 = tpu.memref_slice %arg6[%add3A_14, %dma_start3A] : memref<10240x128xf32, #tpu.memory_space<vmem_shared>> -> memref<128x128xf32, #tpu.memory_space<vmem_shared>>
      %dma_start3A_43 = arith.constant 0 : i32
      %dma_start3A_44 = tpu.memref_slice %arg6[%add3A_14, %dma_start3A_43] : memref<10240x128xf32, #tpu.memory_space<vmem_shared>> -> memref<128x128xf32, #tpu.memory_space<vmem_shared>>
      tpu.enqueue_dma source(%arg9 : memref<128x128xf32, #tpu.memory_space<vmem>>) target(%dma_start3A_44 : memref<128x128xf32, #tpu.memory_space<vmem_shared>>) target_semaphore(%run_scoped3A : memref<!tpu.dma_semaphore, #tpu.memory_space<semaphore_mem>>)
      %dma_wait3A = arith.constant 0 : i32
      %dma_wait3A_45 = tpu.memref_slice %arg6[%add3A_14, %dma_wait3A] : memref<10240x128xf32, #tpu.memory_space<vmem_shared>> -> memref<128x128xf32, #tpu.memory_space<vmem_shared>>
      %dma_wait3A_46 = arith.constant 0 : i32
      %dma_wait3A_47 = tpu.memref_slice %arg6[%add3A_14, %dma_wait3A_46] : memref<10240x128xf32, #tpu.memory_space<vmem_shared>> -> memref<128x128xf32, #tpu.memory_space<vmem_shared>>
      tpu.wait_dma2 semaphore(%run_scoped3A : memref<!tpu.dma_semaphore, #tpu.memory_space<semaphore_mem>>) src(%arg9 : memref<128x128xf32, #tpu.memory_space<vmem>>) dst(%dma_wait3A_47 : memref<128x128xf32, #tpu.memory_space<vmem_shared>>)
      tpu.yield
    }) : () -> ()
    %mul3A_15 = arith.constant 640 : i32
    %mul3A_16 = arith.muli %mul3A_15, %arg1 : i32
    %add3A_17 = arith.constant 256 : i32
    %add3A_18 = arith.addi %mul3A_16, %add3A_17 : i32
    "tpu.region"() ({
      %run_scoped3A = tpu.sem_alloc : memref<!tpu.dma_semaphore, #tpu.memory_space<semaphore_mem>>
      %dma_start3A = arith.constant 0 : i32
      %dma_start3A_42 = tpu.memref_slice %arg6[%add3A_18, %dma_start3A] : memref<10240x128xf32, #tpu.memory_space<vmem_shared>> -> memref<128x128xf32, #tpu.memory_space<vmem_shared>>
      %dma_start3A_43 = arith.constant 0 : i32
      %dma_start3A_44 = tpu.memref_slice %arg6[%add3A_18, %dma_start3A_43] : memref<10240x128xf32, #tpu.memory_space<vmem_shared>> -> memref<128x128xf32, #tpu.memory_space<vmem_shared>>
      tpu.enqueue_dma source(%arg9 : memref<128x128xf32, #tpu.memory_space<vmem>>) target(%dma_start3A_44 : memref<128x128xf32, #tpu.memory_space<vmem_shared>>) target_semaphore(%run_scoped3A : memref<!tpu.dma_semaphore, #tpu.memory_space<semaphore_mem>>)
      %dma_wait3A = arith.constant 0 : i32
      %dma_wait3A_45 = tpu.memref_slice %arg6[%add3A_18, %dma_wait3A] : memref<10240x128xf32, #tpu.memory_space<vmem_shared>> -> memref<128x128xf32, #tpu.memory_space<vmem_shared>>
      %dma_wait3A_46 = arith.constant 0 : i32
      %dma_wait3A_47 = tpu.memref_slice %arg6[%add3A_18, %dma_wait3A_46] : memref<10240x128xf32, #tpu.memory_space<vmem_shared>> -> memref<128x128xf32, #tpu.memory_space<vmem_shared>>
      tpu.wait_dma2 semaphore(%run_scoped3A : memref<!tpu.dma_semaphore, #tpu.memory_space<semaphore_mem>>) src(%arg9 : memref<128x128xf32, #tpu.memory_space<vmem>>) dst(%dma_wait3A_47 : memref<128x128xf32, #tpu.memory_space<vmem_shared>>)
      tpu.yield
    }) : () -> ()
    %mul3A_19 = arith.constant 640 : i32
    %mul3A_20 = arith.muli %mul3A_19, %arg1 : i32
    %add3A_21 = arith.constant 384 : i32
    %add3A_22 = arith.addi %mul3A_20, %add3A_21 : i32
    "tpu.region"() ({
      %run_scoped3A = tpu.sem_alloc : memref<!tpu.dma_semaphore, #tpu.memory_space<semaphore_mem>>
      %dma_start3A = arith.constant 0 : i32
      %dma_start3A_42 = tpu.memref_slice %arg6[%add3A_22, %dma_start3A] : memref<10240x128xf32, #tpu.memory_space<vmem_shared>> -> memref<128x128xf32, #tpu.memory_space<vmem_shared>>
      %dma_start3A_43 = arith.constant 0 : i32
      %dma_start3A_44 = tpu.memref_slice %arg6[%add3A_22, %dma_start3A_43] : memref<10240x128xf32, #tpu.memory_space<vmem_shared>> -> memref<128x128xf32, #tpu.memory_space<vmem_shared>>
      tpu.enqueue_dma source(%arg9 : memref<128x128xf32, #tpu.memory_space<vmem>>) target(%dma_start3A_44 : memref<128x128xf32, #tpu.memory_space<vmem_shared>>) target_semaphore(%run_scoped3A : memref<!tpu.dma_semaphore, #tpu.memory_space<semaphore_mem>>)
      %dma_wait3A = arith.constant 0 : i32
      %dma_wait3A_45 = tpu.memref_slice %arg6[%add3A_22, %dma_wait3A] : memref<10240x128xf32, #tpu.memory_space<vmem_shared>> -> memref<128x128xf32, #tpu.memory_space<vmem_shared>>
      %dma_wait3A_46 = arith.constant 0 : i32
      %dma_wait3A_47 = tpu.memref_slice %arg6[%add3A_22, %dma_wait3A_46] : memref<10240x128xf32, #tpu.memory_space<vmem_shared>> -> memref<128x128xf32, #tpu.memory_space<vmem_shared>>
      tpu.wait_dma2 semaphore(%run_scoped3A : memref<!tpu.dma_semaphore, #tpu.memory_space<semaphore_mem>>) src(%arg9 : memref<128x128xf32, #tpu.memory_space<vmem>>) dst(%dma_wait3A_47 : memref<128x128xf32, #tpu.memory_space<vmem_shared>>)
      tpu.yield
    }) : () -> ()
    %mul3A_23 = arith.constant 640 : i32
    %mul3A_24 = arith.muli %mul3A_23, %arg1 : i32
    %add3A_25 = arith.constant 512 : i32
    %add3A_26 = arith.addi %mul3A_24, %add3A_25 : i32
    "tpu.region"() ({
      %run_scoped3A = tpu.sem_alloc : memref<!tpu.dma_semaphore, #tpu.memory_space<semaphore_mem>>
      %dma_start3A = arith.constant 0 : i32
      %dma_start3A_42 = tpu.memref_slice %arg6[%add3A_26, %dma_start3A] : memref<10240x128xf32, #tpu.memory_space<vmem_shared>> -> memref<128x128xf32, #tpu.memory_space<vmem_shared>>
      %dma_start3A_43 = arith.constant 0 : i32
      %dma_start3A_44 = tpu.memref_slice %arg6[%add3A_26, %dma_start3A_43] : memref<10240x128xf32, #tpu.memory_space<vmem_shared>> -> memref<128x128xf32, #tpu.memory_space<vmem_shared>>
      tpu.enqueue_dma source(%arg9 : memref<128x128xf32, #tpu.memory_space<vmem>>) target(%dma_start3A_44 : memref<128x128xf32, #tpu.memory_space<vmem_shared>>) target_semaphore(%run_scoped3A : memref<!tpu.dma_semaphore, #tpu.memory_space<semaphore_mem>>)
      %dma_wait3A = arith.constant 0 : i32
      %dma_wait3A_45 = tpu.memref_slice %arg6[%add3A_26, %dma_wait3A] : memref<10240x128xf32, #tpu.memory_space<vmem_shared>> -> memref<128x128xf32, #tpu.memory_space<vmem_shared>>
      %dma_wait3A_46 = arith.constant 0 : i32
      %dma_wait3A_47 = tpu.memref_slice %arg6[%add3A_26, %dma_wait3A_46] : memref<10240x128xf32, #tpu.memory_space<vmem_shared>> -> memref<128x128xf32, #tpu.memory_space<vmem_shared>>
      tpu.wait_dma2 semaphore(%run_scoped3A : memref<!tpu.dma_semaphore, #tpu.memory_space<semaphore_mem>>) src(%arg9 : memref<128x128xf32, #tpu.memory_space<vmem>>) dst(%dma_wait3A_47 : memref<128x128xf32, #tpu.memory_space<vmem_shared>>)
      tpu.yield
    }) : () -> ()
    %barrier3A = arith.constant 0 : index
    tpu.barrier barrier_id(%barrier3A)
    "tpu.region"() ({
      %run_scoped3A = tpu.sem_alloc : memref<!tpu.dma_semaphore, #tpu.memory_space<semaphore_mem>>
      %dma_start3A = arith.constant 0 : i32
      %dma_start3A_42 = arith.constant 0 : i32
      %dma_start3A_43 = tpu.memref_slice %arg3[%add3A, %dma_start3A, %dma_start3A_42] : memref<32x80x128xi32, #tpu.memory_space<hbm>> -> memref<1x80x128xi32, #tpu.memory_space<hbm>>
      %dma_start3A_44 = tpu.memref_squeeze %dma_start3A_43 : memref<1x80x128xi32, #tpu.memory_space<hbm>> -> memref<80x128xi32, #tpu.memory_space<hbm>>
      %dma_start3A_45 = arith.constant 0 : i32
      %dma_start3A_46 = arith.constant 0 : i32
      %dma_start3A_47 = tpu.memref_slice %arg3[%add3A, %dma_start3A_45, %dma_start3A_46] : memref<32x80x128xi32, #tpu.memory_space<hbm>> -> memref<1x80x128xi32, #tpu.memory_space<hbm>>
      %dma_start3A_48 = tpu.memref_squeeze %dma_start3A_47 : memref<1x80x128xi32, #tpu.memory_space<hbm>> -> memref<80x128xi32, #tpu.memory_space<hbm>>
      tpu.enqueue_dma source(%dma_start3A_48 : memref<80x128xi32, #tpu.memory_space<hbm>>) target(%arg7 : memref<80x128xi32, #tpu.memory_space<vmem>>) target_semaphore(%run_scoped3A : memref<!tpu.dma_semaphore, #tpu.memory_space<semaphore_mem>>)
      %dma_wait3A = arith.constant 0 : i32
      %dma_wait3A_49 = arith.constant 0 : i32
      %dma_wait3A_50 = tpu.memref_slice %arg3[%add3A, %dma_wait3A, %dma_wait3A_49] : memref<32x80x128xi32, #tpu.memory_space<hbm>> -> memref<1x80x128xi32, #tpu.memory_space<hbm>>
      %dma_wait3A_51 = tpu.memref_squeeze %dma_wait3A_50 : memref<1x80x128xi32, #tpu.memory_space<hbm>> -> memref<80x128xi32, #tpu.memory_space<hbm>>
      %dma_wait3A_52 = arith.constant 0 : i32
      %dma_wait3A_53 = arith.constant 0 : i32
      %dma_wait3A_54 = tpu.memref_slice %arg3[%add3A, %dma_wait3A_52, %dma_wait3A_53] : memref<32x80x128xi32, #tpu.memory_space<hbm>> -> memref<1x80x128xi32, #tpu.memory_space<hbm>>
      %dma_wait3A_55 = tpu.memref_squeeze %dma_wait3A_54 : memref<1x80x128xi32, #tpu.memory_space<hbm>> -> memref<80x128xi32, #tpu.memory_space<hbm>>
      tpu.wait_dma2 semaphore(%run_scoped3A : memref<!tpu.dma_semaphore, #tpu.memory_space<semaphore_mem>>) src(%dma_wait3A_55 : memref<80x128xi32, #tpu.memory_space<hbm>>) dst(%arg7 : memref<80x128xi32, #tpu.memory_space<vmem>>)
      tpu.yield
    }) : () -> ()
    "tpu.region"() ({
      %run_scoped3A = tpu.sem_alloc : memref<!tpu.dma_semaphore, #tpu.memory_space<semaphore_mem>>
      %dma_start3A = arith.constant 0 : i32
      %dma_start3A_42 = arith.constant 0 : i32
      %dma_start3A_43 = tpu.memref_slice %arg4[%add3A, %dma_start3A, %dma_start3A_42] : memref<32x80x128xi32, #tpu.memory_space<hbm>> -> memref<1x80x128xi32, #tpu.memory_space<hbm>>
      %dma_start3A_44 = tpu.memref_squeeze %dma_start3A_43 : memref<1x80x128xi32, #tpu.memory_space<hbm>> -> memref<80x128xi32, #tpu.memory_space<hbm>>
      %dma_start3A_45 = arith.constant 0 : i32
      %dma_start3A_46 = arith.constant 0 : i32
      %dma_start3A_47 = tpu.memref_slice %arg4[%add3A, %dma_start3A_45, %dma_start3A_46] : memref<32x80x128xi32, #tpu.memory_space<hbm>> -> memref<1x80x128xi32, #tpu.memory_space<hbm>>
      %dma_start3A_48 = tpu.memref_squeeze %dma_start3A_47 : memref<1x80x128xi32, #tpu.memory_space<hbm>> -> memref<80x128xi32, #tpu.memory_space<hbm>>
      tpu.enqueue_dma source(%dma_start3A_48 : memref<80x128xi32, #tpu.memory_space<hbm>>) target(%arg8 : memref<80x128xi32, #tpu.memory_space<vmem>>) target_semaphore(%run_scoped3A : memref<!tpu.dma_semaphore, #tpu.memory_space<semaphore_mem>>)
      %dma_wait3A = arith.constant 0 : i32
      %dma_wait3A_49 = arith.constant 0 : i32
      %dma_wait3A_50 = tpu.memref_slice %arg4[%add3A, %dma_wait3A, %dma_wait3A_49] : memref<32x80x128xi32, #tpu.memory_space<hbm>> -> memref<1x80x128xi32, #tpu.memory_space<hbm>>
      %dma_wait3A_51 = tpu.memref_squeeze %dma_wait3A_50 : memref<1x80x128xi32, #tpu.memory_space<hbm>> -> memref<80x128xi32, #tpu.memory_space<hbm>>
      %dma_wait3A_52 = arith.constant 0 : i32
      %dma_wait3A_53 = arith.constant 0 : i32
      %dma_wait3A_54 = tpu.memref_slice %arg4[%add3A, %dma_wait3A_52, %dma_wait3A_53] : memref<32x80x128xi32, #tpu.memory_space<hbm>> -> memref<1x80x128xi32, #tpu.memory_space<hbm>>
      %dma_wait3A_55 = tpu.memref_squeeze %dma_wait3A_54 : memref<1x80x128xi32, #tpu.memory_space<hbm>> -> memref<80x128xi32, #tpu.memory_space<hbm>>
      tpu.wait_dma2 semaphore(%run_scoped3A : memref<!tpu.dma_semaphore, #tpu.memory_space<semaphore_mem>>) src(%dma_wait3A_55 : memref<80x128xi32, #tpu.memory_space<hbm>>) dst(%arg8 : memref<80x128xi32, #tpu.memory_space<vmem>>)
      tpu.yield
    }) : () -> ()
    %scan3A_27 = arith.constant 0 : i32
    %scan3A_28 = arith.constant 0 : i32
    %scan3A_29 = arith.constant 80 : i32
    %scan3A_30 = arith.addi %scan3A_28, %scan3A_29 : i32
    %scan3A_31 = arith.constant 1 : i32
    scf.for %scan3A_42 = %scan3A_28 to %scan3A_30 step %scan3A_31  : i32 {
      "tpu.region"() ({
        %run_scoped3A = tpu.sem_alloc : memref<!tpu.dma_semaphore, #tpu.memory_space<semaphore_mem>>
        %dma_start3A_48 = arith.constant 0 : i32
        %dma_start3A_49 = tpu.memref_slice %arg7[%scan3A_42, %dma_start3A_48] : memref<80x128xi32, #tpu.memory_space<vmem>> -> memref<1x128xi32, #tpu.memory_space<vmem>>
        %dma_start3A_50 = tpu.memref_squeeze %dma_start3A_49 : memref<1x128xi32, #tpu.memory_space<vmem>> -> memref<128xi32, #tpu.memory_space<vmem>>
        %dma_start3A_51 = arith.constant 0 : i32
        %dma_start3A_52 = arith.constant 0 : i32
        %dma_start3A_53 = tpu.memref_slice %arg2[%dma_start3A_51, %dma_start3A_52] : memref<10112x128xf32, #tpu.memory_space<hbm>> -> memref<10112x128xf32, #tpu.memory_space<hbm>>
        tpu.enqueue_indirect_dma source(%dma_start3A_53 : memref<10112x128xf32, #tpu.memory_space<hbm>>) target(%arg9 : memref<128x128xf32, #tpu.memory_space<vmem>>) offsets(%dma_start3A_50 : memref<128xi32, #tpu.memory_space<vmem>>) semaphore(%run_scoped3A : memref<!tpu.dma_semaphore, #tpu.memory_space<semaphore_mem>>)
        %dma_wait3A = arith.constant 0 : i32
        %dma_wait3A_54 = tpu.memref_slice %arg7[%scan3A_42, %dma_wait3A] : memref<80x128xi32, #tpu.memory_space<vmem>> -> memref<1x128xi32, #tpu.memory_space<vmem>>
        %dma_wait3A_55 = tpu.memref_squeeze %dma_wait3A_54 : memref<1x128xi32, #tpu.memory_space<vmem>> -> memref<128xi32, #tpu.memory_space<vmem>>
        %dma_wait3A_56 = arith.constant 0 : i32
        %dma_wait3A_57 = arith.constant 0 : i32
        %dma_wait3A_58 = tpu.memref_slice %arg2[%dma_wait3A_56, %dma_wait3A_57] : memref<10112x128xf32, #tpu.memory_space<hbm>> -> memref<10112x128xf32, #tpu.memory_space<hbm>>
        tpu.wait_indirect_dma semaphore(%run_scoped3A : memref<!tpu.dma_semaphore, #tpu.memory_space<semaphore_mem>>) src(%dma_wait3A_58 : memref<10112x128xf32, #tpu.memory_space<hbm>>) dst(%arg9 : memref<128x128xf32, #tpu.memory_space<vmem>>)
        tpu.yield
      }) : () -> ()
      %dma_start3A = arith.constant 0 : i32
      %dma_start3A_43 = tpu.memref_slice %arg8[%scan3A_42, %dma_start3A] : memref<80x128xi32, #tpu.memory_space<vmem>> -> memref<1x128xi32, #tpu.memory_space<vmem>>
      %dma_start3A_44 = tpu.memref_squeeze %dma_start3A_43 : memref<1x128xi32, #tpu.memory_space<vmem>> -> memref<128xi32, #tpu.memory_space<vmem>>
      %dma_start3A_45 = arith.constant 0 : i32
      %dma_start3A_46 = arith.constant 0 : i32
      %dma_start3A_47 = tpu.memref_slice %arg6[%dma_start3A_45, %dma_start3A_46] : memref<10240x128xf32, #tpu.memory_space<vmem_shared>> -> memref<10240x128xf32, #tpu.memory_space<vmem_shared>>
      tpu.enqueue_indirect_dma source(%arg9 : memref<128x128xf32, #tpu.memory_space<vmem>>) target(%dma_start3A_47 : memref<10240x128xf32, #tpu.memory_space<vmem_shared>>) offsets(%dma_start3A_44 : memref<128xi32, #tpu.memory_space<vmem>>) semaphore(%arg10 : memref<!tpu.dma_semaphore, #tpu.memory_space<semaphore_mem>>) {add = true}
    }
    %scan3A_32 = arith.constant 80 : i32
    %scan3A_33 = arith.constant 0 : i32
    %scan3A_34 = arith.constant 0 : i32
    %scan3A_35 = arith.constant 80 : i32
    %scan3A_36 = arith.addi %scan3A_34, %scan3A_35 : i32
    %scan3A_37 = arith.constant 1 : i32
    scf.for %scan3A_42 = %scan3A_34 to %scan3A_36 step %scan3A_37  : i32 {
      %dma_wait3A = arith.constant 0 : i32
      %dma_wait3A_43 = arith.constant 0 : i32
      %dma_wait3A_44 = tpu.memref_slice %arg8[%dma_wait3A, %dma_wait3A_43] : memref<80x128xi32, #tpu.memory_space<vmem>> -> memref<1x128xi32, #tpu.memory_space<vmem>>
      %dma_wait3A_45 = tpu.memref_squeeze %dma_wait3A_44 : memref<1x128xi32, #tpu.memory_space<vmem>> -> memref<128xi32, #tpu.memory_space<vmem>>
      %dma_wait3A_46 = arith.constant 0 : i32
      %dma_wait3A_47 = arith.constant 0 : i32
      %dma_wait3A_48 = tpu.memref_slice %arg6[%dma_wait3A_46, %dma_wait3A_47] : memref<10240x128xf32, #tpu.memory_space<vmem_shared>> -> memref<10240x128xf32, #tpu.memory_space<vmem_shared>>
      tpu.wait_indirect_dma semaphore(%arg10 : memref<!tpu.dma_semaphore, #tpu.memory_space<semaphore_mem>>) src(%arg9 : memref<128x128xf32, #tpu.memory_space<vmem>>) dst(%dma_wait3A_48 : memref<10240x128xf32, #tpu.memory_space<vmem_shared>>)
    }
    %scan3A_38 = arith.constant 80 : i32
    %barrier3A_39 = arith.constant 0 : index
    tpu.barrier barrier_id(%barrier3A_39)
    %mul3A_40 = arith.constant 640 : i32
    %mul3A_41 = arith.muli %mul3A_40, %arg1 : i32
    "tpu.region"() ({
      %run_scoped3A = tpu.sem_alloc : memref<!tpu.dma_semaphore, #tpu.memory_space<semaphore_mem>>
      %dma_start3A = arith.constant 0 : i32
      %dma_start3A_42 = tpu.memref_slice %arg5[%arg0, %mul3A_41, %dma_start3A] : memref<2x10240x128xf32, #tpu.memory_space<hbm>> -> memref<1x640x128xf32, #tpu.memory_space<hbm>>
      %dma_start3A_43 = tpu.memref_squeeze %dma_start3A_42 : memref<1x640x128xf32, #tpu.memory_space<hbm>> -> memref<640x128xf32, #tpu.memory_space<hbm>>
      %dma_start3A_44 = arith.constant 0 : i32
      %dma_start3A_45 = tpu.memref_slice %arg6[%mul3A_41, %dma_start3A_44] : memref<10240x128xf32, #tpu.memory_space<vmem_shared>> -> memref<640x128xf32, #tpu.memory_space<vmem_shared>>
      tpu.enqueue_dma source(%dma_start3A_45 : memref<640x128xf32, #tpu.memory_space<vmem_shared>>) target(%dma_start3A_43 : memref<640x128xf32, #tpu.memory_space<hbm>>) target_semaphore(%run_scoped3A : memref<!tpu.dma_semaphore, #tpu.memory_space<semaphore_mem>>)
      %dma_wait3A = arith.constant 0 : i32
      %dma_wait3A_46 = tpu.memref_slice %arg5[%arg0, %mul3A_41, %dma_wait3A] : memref<2x10240x128xf32, #tpu.memory_space<hbm>> -> memref<1x640x128xf32, #tpu.memory_space<hbm>>
      %dma_wait3A_47 = tpu.memref_squeeze %dma_wait3A_46 : memref<1x640x128xf32, #tpu.memory_space<hbm>> -> memref<640x128xf32, #tpu.memory_space<hbm>>
      %dma_wait3A_48 = arith.constant 0 : i32
      %dma_wait3A_49 = tpu.memref_slice %arg6[%mul3A_41, %dma_wait3A_48] : memref<10240x128xf32, #tpu.memory_space<vmem_shared>> -> memref<640x128xf32, #tpu.memory_space<vmem_shared>>
      tpu.wait_dma2 semaphore(%run_scoped3A : memref<!tpu.dma_semaphore, #tpu.memory_space<semaphore_mem>>) src(%dma_wait3A_49 : memref<640x128xf32, #tpu.memory_space<vmem_shared>>) dst(%dma_wait3A_47 : memref<640x128xf32, #tpu.memory_space<hbm>>)
      tpu.yield
    }) : () -> ()
    return
  }
}

#map = affine_map<(d0, d1) -> (0, 0, 0)>
module attributes {stable_mosaic.version = 14 : i64} {
  func.func @_sc_prep_body(%arg0: i32, %arg1: i32, %arg2: memref<32x80x128xi32, #tpu.memory_space<hbm>>, %arg3: memref<32x80x128xi32, #tpu.memory_space<hbm>>, %arg4: memref<2x2x10240xf32, #tpu.memory_space<hbm>>, %arg5: memref<10240xf32, #tpu.memory_space<vmem_shared>>, %arg6: memref<10240xf32, #tpu.memory_space<vmem_shared>>, %arg7: memref<640xf32, #tpu.memory_space<vmem>>, %arg8: memref<128xf32, #tpu.memory_space<vmem>>, %arg9: memref<80x128xi32, #tpu.memory_space<vmem>>, %arg10: memref<80x128xi32, #tpu.memory_space<vmem>>, %arg11: memref<!tpu.dma_semaphore, #tpu.memory_space<semaphore_mem>>) attributes {dimension_semantics = [#tpu.dimension_semantics<core_parallel>, #tpu.dimension_semantics<subcore_parallel>], iteration_bounds = array<i64: 2, 16>, scalar_prefetch = 0 : i64, scratch_operands = 7 : i64, tpu.core_type = #tpu.core_type<sc_vector_subcore>, window_params = [{transform_indices = #map}, {transform_indices = #map}, {transform_indices = #map}]} {
    %mul3A = arith.constant 16 : i32
    %mul3A_0 = arith.muli %arg0, %mul3A : i32
    %add3A = arith.addi %mul3A_0, %arg1 : i32
    %broadcast_in_dim3A = arith.constant 0.000000e+00 : f32
    %broadcast_in_dim3A_1 = vector.broadcast %broadcast_in_dim3A : f32 to vector<16xf32>
    %broadcast_in_dim3A_2 = arith.constant 1.000000e+00 : f32
    %broadcast_in_dim3A_3 = vector.broadcast %broadcast_in_dim3A_2 : f32 to vector<16xf32>
    %swap3A = arith.constant 0 : index
    %swap3A_4 = tpu.vector_load %arg7[%swap3A] {strides = array<i32>} : memref<640xf32, #tpu.memory_space<vmem>>, vector<16xf32>,
    %swap3A_5 = vector.shape_cast %swap3A_4 : vector<16xf32> to vector<16xf32>
    %swap3A_6 = vector.shape_cast %broadcast_in_dim3A_1 : vector<16xf32> to vector<16xf32>
    tpu.vector_store %arg7[%swap3A], %swap3A_6 {strides = array<i32>} : memref<640xf32, #tpu.memory_space<vmem>>, vector<16xf32>,
    %swap3A_7 = arith.constant 16 : index
    %swap3A_8 = tpu.vector_load %arg7[%swap3A_7] {strides = array<i32>} : memref<640xf32, #tpu.memory_space<vmem>>, vector<16xf32>,
    %swap3A_9 = vector.shape_cast %swap3A_8 : vector<16xf32> to vector<16xf32>
    %swap3A_10 = vector.shape_cast %broadcast_in_dim3A_1 : vector<16xf32> to vector<16xf32>
    tpu.vector_store %arg7[%swap3A_7], %swap3A_10 {strides = array<i32>} : memref<640xf32, #tpu.memory_space<vmem>>, vector<16xf32>,
    %swap3A_11 = arith.constant 32 : index
    %swap3A_12 = tpu.vector_load %arg7[%swap3A_11] {strides = array<i32>} : memref<640xf32, #tpu.memory_space<vmem>>, vector<16xf32>,
    %swap3A_13 = vector.shape_cast %swap3A_12 : vector<16xf32> to vector<16xf32>
    %swap3A_14 = vector.shape_cast %broadcast_in_dim3A_1 : vector<16xf32> to vector<16xf32>
    tpu.vector_store %arg7[%swap3A_11], %swap3A_14 {strides = array<i32>} : memref<640xf32, #tpu.memory_space<vmem>>, vector<16xf32>,
    %swap3A_15 = arith.constant 48 : index
    %swap3A_16 = tpu.vector_load %arg7[%swap3A_15] {strides = array<i32>} : memref<640xf32, #tpu.memory_space<vmem>>, vector<16xf32>,
    %swap3A_17 = vector.shape_cast %swap3A_16 : vector<16xf32> to vector<16xf32>
    %swap3A_18 = vector.shape_cast %broadcast_in_dim3A_1 : vector<16xf32> to vector<16xf32>
    tpu.vector_store %arg7[%swap3A_15], %swap3A_18 {strides = array<i32>} : memref<640xf32, #tpu.memory_space<vmem>>, vector<16xf32>,
    %swap3A_19 = arith.constant 64 : index
    %swap3A_20 = tpu.vector_load %arg7[%swap3A_19] {strides = array<i32>} : memref<640xf32, #tpu.memory_space<vmem>>, vector<16xf32>,
    %swap3A_21 = vector.shape_cast %swap3A_20 : vector<16xf32> to vector<16xf32>
    %swap3A_22 = vector.shape_cast %broadcast_in_dim3A_1 : vector<16xf32> to vector<16xf32>
    tpu.vector_store %arg7[%swap3A_19], %swap3A_22 {strides = array<i32>} : memref<640xf32, #tpu.memory_space<vmem>>, vector<16xf32>,
    %swap3A_23 = arith.constant 80 : index
    %swap3A_24 = tpu.vector_load %arg7[%swap3A_23] {strides = array<i32>} : memref<640xf32, #tpu.memory_space<vmem>>, vector<16xf32>,
    %swap3A_25 = vector.shape_cast %swap3A_24 : vector<16xf32> to vector<16xf32>
    %swap3A_26 = vector.shape_cast %broadcast_in_dim3A_1 : vector<16xf32> to vector<16xf32>
    tpu.vector_store %arg7[%swap3A_23], %swap3A_26 {strides = array<i32>} : memref<640xf32, #tpu.memory_space<vmem>>, vector<16xf32>,
    %swap3A_27 = arith.constant 96 : index
    %swap3A_28 = tpu.vector_load %arg7[%swap3A_27] {strides = array<i32>} : memref<640xf32, #tpu.memory_space<vmem>>, vector<16xf32>,
    %swap3A_29 = vector.shape_cast %swap3A_28 : vector<16xf32> to vector<16xf32>
    %swap3A_30 = vector.shape_cast %broadcast_in_dim3A_1 : vector<16xf32> to vector<16xf32>
    tpu.vector_store %arg7[%swap3A_27], %swap3A_30 {strides = array<i32>} : memref<640xf32, #tpu.memory_space<vmem>>, vector<16xf32>,
    %swap3A_31 = arith.constant 112 : index
    %swap3A_32 = tpu.vector_load %arg7[%swap3A_31] {strides = array<i32>} : memref<640xf32, #tpu.memory_space<vmem>>, vector<16xf32>,
    %swap3A_33 = vector.shape_cast %swap3A_32 : vector<16xf32> to vector<16xf32>
    %swap3A_34 = vector.shape_cast %broadcast_in_dim3A_1 : vector<16xf32> to vector<16xf32>
    tpu.vector_store %arg7[%swap3A_31], %swap3A_34 {strides = array<i32>} : memref<640xf32, #tpu.memory_space<vmem>>, vector<16xf32>,
    %swap3A_35 = arith.constant 128 : index
    %swap3A_36 = tpu.vector_load %arg7[%swap3A_35] {strides = array<i32>} : memref<640xf32, #tpu.memory_space<vmem>>, vector<16xf32>,
    %swap3A_37 = vector.shape_cast %swap3A_36 : vector<16xf32> to vector<16xf32>
    %swap3A_38 = vector.shape_cast %broadcast_in_dim3A_1 : vector<16xf32> to vector<16xf32>
    tpu.vector_store %arg7[%swap3A_35], %swap3A_38 {strides = array<i32>} : memref<640xf32, #tpu.memory_space<vmem>>, vector<16xf32>,
    %swap3A_39 = arith.constant 144 : index
    %swap3A_40 = tpu.vector_load %arg7[%swap3A_39] {strides = array<i32>} : memref<640xf32, #tpu.memory_space<vmem>>, vector<16xf32>,
    %swap3A_41 = vector.shape_cast %swap3A_40 : vector<16xf32> to vector<16xf32>
    %swap3A_42 = vector.shape_cast %broadcast_in_dim3A_1 : vector<16xf32> to vector<16xf32>
    tpu.vector_store %arg7[%swap3A_39], %swap3A_42 {strides = array<i32>} : memref<640xf32, #tpu.memory_space<vmem>>, vector<16xf32>,
    %swap3A_43 = arith.constant 160 : index
    %swap3A_44 = tpu.vector_load %arg7[%swap3A_43] {strides = array<i32>} : memref<640xf32, #tpu.memory_space<vmem>>, vector<16xf32>,
    %swap3A_45 = vector.shape_cast %swap3A_44 : vector<16xf32> to vector<16xf32>
    %swap3A_46 = vector.shape_cast %broadcast_in_dim3A_1 : vector<16xf32> to vector<16xf32>
    tpu.vector_store %arg7[%swap3A_43], %swap3A_46 {strides = array<i32>} : memref<640xf32, #tpu.memory_space<vmem>>, vector<16xf32>,
    %swap3A_47 = arith.constant 176 : index
    %swap3A_48 = tpu.vector_load %arg7[%swap3A_47] {strides = array<i32>} : memref<640xf32, #tpu.memory_space<vmem>>, vector<16xf32>,
    %swap3A_49 = vector.shape_cast %swap3A_48 : vector<16xf32> to vector<16xf32>
    %swap3A_50 = vector.shape_cast %broadcast_in_dim3A_1 : vector<16xf32> to vector<16xf32>
    tpu.vector_store %arg7[%swap3A_47], %swap3A_50 {strides = array<i32>} : memref<640xf32, #tpu.memory_space<vmem>>, vector<16xf32>,
    %swap3A_51 = arith.constant 192 : index
    %swap3A_52 = tpu.vector_load %arg7[%swap3A_51] {strides = array<i32>} : memref<640xf32, #tpu.memory_space<vmem>>, vector<16xf32>,
    %swap3A_53 = vector.shape_cast %swap3A_52 : vector<16xf32> to vector<16xf32>
    %swap3A_54 = vector.shape_cast %broadcast_in_dim3A_1 : vector<16xf32> to vector<16xf32>
    tpu.vector_store %arg7[%swap3A_51], %swap3A_54 {strides = array<i32>} : memref<640xf32, #tpu.memory_space<vmem>>, vector<16xf32>,
    %swap3A_55 = arith.constant 208 : index
    %swap3A_56 = tpu.vector_load %arg7[%swap3A_55] {strides = array<i32>} : memref<640xf32, #tpu.memory_space<vmem>>, vector<16xf32>,
    %swap3A_57 = vector.shape_cast %swap3A_56 : vector<16xf32> to vector<16xf32>
    %swap3A_58 = vector.shape_cast %broadcast_in_dim3A_1 : vector<16xf32> to vector<16xf32>
    tpu.vector_store %arg7[%swap3A_55], %swap3A_58 {strides = array<i32>} : memref<640xf32, #tpu.memory_space<vmem>>, vector<16xf32>,
    %swap3A_59 = arith.constant 224 : index
    %swap3A_60 = tpu.vector_load %arg7[%swap3A_59] {strides = array<i32>} : memref<640xf32, #tpu.memory_space<vmem>>, vector<16xf32>,
    %swap3A_61 = vector.shape_cast %swap3A_60 : vector<16xf32> to vector<16xf32>
    %swap3A_62 = vector.shape_cast %broadcast_in_dim3A_1 : vector<16xf32> to vector<16xf32>
    tpu.vector_store %arg7[%swap3A_59], %swap3A_62 {strides = array<i32>} : memref<640xf32, #tpu.memory_space<vmem>>, vector<16xf32>,
    %swap3A_63 = arith.constant 240 : index
    %swap3A_64 = tpu.vector_load %arg7[%swap3A_63] {strides = array<i32>} : memref<640xf32, #tpu.memory_space<vmem>>, vector<16xf32>,
    %swap3A_65 = vector.shape_cast %swap3A_64 : vector<16xf32> to vector<16xf32>
    %swap3A_66 = vector.shape_cast %broadcast_in_dim3A_1 : vector<16xf32> to vector<16xf32>
    tpu.vector_store %arg7[%swap3A_63], %swap3A_66 {strides = array<i32>} : memref<640xf32, #tpu.memory_space<vmem>>, vector<16xf32>,
    %swap3A_67 = arith.constant 256 : index
    %swap3A_68 = tpu.vector_load %arg7[%swap3A_67] {strides = array<i32>} : memref<640xf32, #tpu.memory_space<vmem>>, vector<16xf32>,
    %swap3A_69 = vector.shape_cast %swap3A_68 : vector<16xf32> to vector<16xf32>
    %swap3A_70 = vector.shape_cast %broadcast_in_dim3A_1 : vector<16xf32> to vector<16xf32>
    tpu.vector_store %arg7[%swap3A_67], %swap3A_70 {strides = array<i32>} : memref<640xf32, #tpu.memory_space<vmem>>, vector<16xf32>,
    %swap3A_71 = arith.constant 272 : index
    %swap3A_72 = tpu.vector_load %arg7[%swap3A_71] {strides = array<i32>} : memref<640xf32, #tpu.memory_space<vmem>>, vector<16xf32>,
    %swap3A_73 = vector.shape_cast %swap3A_72 : vector<16xf32> to vector<16xf32>
    %swap3A_74 = vector.shape_cast %broadcast_in_dim3A_1 : vector<16xf32> to vector<16xf32>
    tpu.vector_store %arg7[%swap3A_71], %swap3A_74 {strides = array<i32>} : memref<640xf32, #tpu.memory_space<vmem>>, vector<16xf32>,
    %swap3A_75 = arith.constant 288 : index
    %swap3A_76 = tpu.vector_load %arg7[%swap3A_75] {strides = array<i32>} : memref<640xf32, #tpu.memory_space<vmem>>, vector<16xf32>,
    %swap3A_77 = vector.shape_cast %swap3A_76 : vector<16xf32> to vector<16xf32>
    %swap3A_78 = vector.shape_cast %broadcast_in_dim3A_1 : vector<16xf32> to vector<16xf32>
    tpu.vector_store %arg7[%swap3A_75], %swap3A_78 {strides = array<i32>} : memref<640xf32, #tpu.memory_space<vmem>>, vector<16xf32>,
    %swap3A_79 = arith.constant 304 : index
    %swap3A_80 = tpu.vector_load %arg7[%swap3A_79] {strides = array<i32>} : memref<640xf32, #tpu.memory_space<vmem>>, vector<16xf32>,
    %swap3A_81 = vector.shape_cast %swap3A_80 : vector<16xf32> to vector<16xf32>
    %swap3A_82 = vector.shape_cast %broadcast_in_dim3A_1 : vector<16xf32> to vector<16xf32>
    tpu.vector_store %arg7[%swap3A_79], %swap3A_82 {strides = array<i32>} : memref<640xf32, #tpu.memory_space<vmem>>, vector<16xf32>,
    %swap3A_83 = arith.constant 320 : index
    %swap3A_84 = tpu.vector_load %arg7[%swap3A_83] {strides = array<i32>} : memref<640xf32, #tpu.memory_space<vmem>>, vector<16xf32>,
    %swap3A_85 = vector.shape_cast %swap3A_84 : vector<16xf32> to vector<16xf32>
    %swap3A_86 = vector.shape_cast %broadcast_in_dim3A_1 : vector<16xf32> to vector<16xf32>
    tpu.vector_store %arg7[%swap3A_83], %swap3A_86 {strides = array<i32>} : memref<640xf32, #tpu.memory_space<vmem>>, vector<16xf32>,
    %swap3A_87 = arith.constant 336 : index
    %swap3A_88 = tpu.vector_load %arg7[%swap3A_87] {strides = array<i32>} : memref<640xf32, #tpu.memory_space<vmem>>, vector<16xf32>,
    %swap3A_89 = vector.shape_cast %swap3A_88 : vector<16xf32> to vector<16xf32>
    %swap3A_90 = vector.shape_cast %broadcast_in_dim3A_1 : vector<16xf32> to vector<16xf32>
    tpu.vector_store %arg7[%swap3A_87], %swap3A_90 {strides = array<i32>} : memref<640xf32, #tpu.memory_space<vmem>>, vector<16xf32>,
    %swap3A_91 = arith.constant 352 : index
    %swap3A_92 = tpu.vector_load %arg7[%swap3A_91] {strides = array<i32>} : memref<640xf32, #tpu.memory_space<vmem>>, vector<16xf32>,
    %swap3A_93 = vector.shape_cast %swap3A_92 : vector<16xf32> to vector<16xf32>
    %swap3A_94 = vector.shape_cast %broadcast_in_dim3A_1 : vector<16xf32> to vector<16xf32>
    tpu.vector_store %arg7[%swap3A_91], %swap3A_94 {strides = array<i32>} : memref<640xf32, #tpu.memory_space<vmem>>, vector<16xf32>,
    %swap3A_95 = arith.constant 368 : index
    %swap3A_96 = tpu.vector_load %arg7[%swap3A_95] {strides = array<i32>} : memref<640xf32, #tpu.memory_space<vmem>>, vector<16xf32>,
    %swap3A_97 = vector.shape_cast %swap3A_96 : vector<16xf32> to vector<16xf32>
    %swap3A_98 = vector.shape_cast %broadcast_in_dim3A_1 : vector<16xf32> to vector<16xf32>
    tpu.vector_store %arg7[%swap3A_95], %swap3A_98 {strides = array<i32>} : memref<640xf32, #tpu.memory_space<vmem>>, vector<16xf32>,
    %swap3A_99 = arith.constant 384 : index
    %swap3A_100 = tpu.vector_load %arg7[%swap3A_99] {strides = array<i32>} : memref<640xf32, #tpu.memory_space<vmem>>, vector<16xf32>,
    %swap3A_101 = vector.shape_cast %swap3A_100 : vector<16xf32> to vector<16xf32>
    %swap3A_102 = vector.shape_cast %broadcast_in_dim3A_1 : vector<16xf32> to vector<16xf32>
    tpu.vector_store %arg7[%swap3A_99], %swap3A_102 {strides = array<i32>} : memref<640xf32, #tpu.memory_space<vmem>>, vector<16xf32>,
    %swap3A_103 = arith.constant 400 : index
    %swap3A_104 = tpu.vector_load %arg7[%swap3A_103] {strides = array<i32>} : memref<640xf32, #tpu.memory_space<vmem>>, vector<16xf32>,
    %swap3A_105 = vector.shape_cast %swap3A_104 : vector<16xf32> to vector<16xf32>
    %swap3A_106 = vector.shape_cast %broadcast_in_dim3A_1 : vector<16xf32> to vector<16xf32>
    tpu.vector_store %arg7[%swap3A_103], %swap3A_106 {strides = array<i32>} : memref<640xf32, #tpu.memory_space<vmem>>, vector<16xf32>,
    %swap3A_107 = arith.constant 416 : index
    %swap3A_108 = tpu.vector_load %arg7[%swap3A_107] {strides = array<i32>} : memref<640xf32, #tpu.memory_space<vmem>>, vector<16xf32>,
    %swap3A_109 = vector.shape_cast %swap3A_108 : vector<16xf32> to vector<16xf32>
    %swap3A_110 = vector.shape_cast %broadcast_in_dim3A_1 : vector<16xf32> to vector<16xf32>
    tpu.vector_store %arg7[%swap3A_107], %swap3A_110 {strides = array<i32>} : memref<640xf32, #tpu.memory_space<vmem>>, vector<16xf32>,
    %swap3A_111 = arith.constant 432 : index
    %swap3A_112 = tpu.vector_load %arg7[%swap3A_111] {strides = array<i32>} : memref<640xf32, #tpu.memory_space<vmem>>, vector<16xf32>,
    %swap3A_113 = vector.shape_cast %swap3A_112 : vector<16xf32> to vector<16xf32>
    %swap3A_114 = vector.shape_cast %broadcast_in_dim3A_1 : vector<16xf32> to vector<16xf32>
    tpu.vector_store %arg7[%swap3A_111], %swap3A_114 {strides = array<i32>} : memref<640xf32, #tpu.memory_space<vmem>>, vector<16xf32>,
    %swap3A_115 = arith.constant 448 : index
    %swap3A_116 = tpu.vector_load %arg7[%swap3A_115] {strides = array<i32>} : memref<640xf32, #tpu.memory_space<vmem>>, vector<16xf32>,
    %swap3A_117 = vector.shape_cast %swap3A_116 : vector<16xf32> to vector<16xf32>
    %swap3A_118 = vector.shape_cast %broadcast_in_dim3A_1 : vector<16xf32> to vector<16xf32>
    tpu.vector_store %arg7[%swap3A_115], %swap3A_118 {strides = array<i32>} : memref<640xf32, #tpu.memory_space<vmem>>, vector<16xf32>,
    %swap3A_119 = arith.constant 464 : index
    %swap3A_120 = tpu.vector_load %arg7[%swap3A_119] {strides = array<i32>} : memref<640xf32, #tpu.memory_space<vmem>>, vector<16xf32>,
    %swap3A_121 = vector.shape_cast %swap3A_120 : vector<16xf32> to vector<16xf32>
    %swap3A_122 = vector.shape_cast %broadcast_in_dim3A_1 : vector<16xf32> to vector<16xf32>
    tpu.vector_store %arg7[%swap3A_119], %swap3A_122 {strides = array<i32>} : memref<640xf32, #tpu.memory_space<vmem>>, vector<16xf32>,
    %swap3A_123 = arith.constant 480 : index
    %swap3A_124 = tpu.vector_load %arg7[%swap3A_123] {strides = array<i32>} : memref<640xf32, #tpu.memory_space<vmem>>, vector<16xf32>,
    %swap3A_125 = vector.shape_cast %swap3A_124 : vector<16xf32> to vector<16xf32>
    %swap3A_126 = vector.shape_cast %broadcast_in_dim3A_1 : vector<16xf32> to vector<16xf32>
    tpu.vector_store %arg7[%swap3A_123], %swap3A_126 {strides = array<i32>} : memref<640xf32, #tpu.memory_space<vmem>>, vector<16xf32>,
    %swap3A_127 = arith.constant 496 : index
    %swap3A_128 = tpu.vector_load %arg7[%swap3A_127] {strides = array<i32>} : memref<640xf32, #tpu.memory_space<vmem>>, vector<16xf32>,
    %swap3A_129 = vector.shape_cast %swap3A_128 : vector<16xf32> to vector<16xf32>
    %swap3A_130 = vector.shape_cast %broadcast_in_dim3A_1 : vector<16xf32> to vector<16xf32>
    tpu.vector_store %arg7[%swap3A_127], %swap3A_130 {strides = array<i32>} : memref<640xf32, #tpu.memory_space<vmem>>, vector<16xf32>,
    %swap3A_131 = arith.constant 512 : index
    %swap3A_132 = tpu.vector_load %arg7[%swap3A_131] {strides = array<i32>} : memref<640xf32, #tpu.memory_space<vmem>>, vector<16xf32>,
    %swap3A_133 = vector.shape_cast %swap3A_132 : vector<16xf32> to vector<16xf32>
    %swap3A_134 = vector.shape_cast %broadcast_in_dim3A_1 : vector<16xf32> to vector<16xf32>
    tpu.vector_store %arg7[%swap3A_131], %swap3A_134 {strides = array<i32>} : memref<640xf32, #tpu.memory_space<vmem>>, vector<16xf32>,
    %swap3A_135 = arith.constant 528 : index
    %swap3A_136 = tpu.vector_load %arg7[%swap3A_135] {strides = array<i32>} : memref<640xf32, #tpu.memory_space<vmem>>, vector<16xf32>,
    %swap3A_137 = vector.shape_cast %swap3A_136 : vector<16xf32> to vector<16xf32>
    %swap3A_138 = vector.shape_cast %broadcast_in_dim3A_1 : vector<16xf32> to vector<16xf32>
    tpu.vector_store %arg7[%swap3A_135], %swap3A_138 {strides = array<i32>} : memref<640xf32, #tpu.memory_space<vmem>>, vector<16xf32>,
    %swap3A_139 = arith.constant 544 : index
    %swap3A_140 = tpu.vector_load %arg7[%swap3A_139] {strides = array<i32>} : memref<640xf32, #tpu.memory_space<vmem>>, vector<16xf32>,
    %swap3A_141 = vector.shape_cast %swap3A_140 : vector<16xf32> to vector<16xf32>
    %swap3A_142 = vector.shape_cast %broadcast_in_dim3A_1 : vector<16xf32> to vector<16xf32>
    tpu.vector_store %arg7[%swap3A_139], %swap3A_142 {strides = array<i32>} : memref<640xf32, #tpu.memory_space<vmem>>, vector<16xf32>,
    %swap3A_143 = arith.constant 560 : index
    %swap3A_144 = tpu.vector_load %arg7[%swap3A_143] {strides = array<i32>} : memref<640xf32, #tpu.memory_space<vmem>>, vector<16xf32>,
    %swap3A_145 = vector.shape_cast %swap3A_144 : vector<16xf32> to vector<16xf32>
    %swap3A_146 = vector.shape_cast %broadcast_in_dim3A_1 : vector<16xf32> to vector<16xf32>
    tpu.vector_store %arg7[%swap3A_143], %swap3A_146 {strides = array<i32>} : memref<640xf32, #tpu.memory_space<vmem>>, vector<16xf32>,
    %swap3A_147 = arith.constant 576 : index
    %swap3A_148 = tpu.vector_load %arg7[%swap3A_147] {strides = array<i32>} : memref<640xf32, #tpu.memory_space<vmem>>, vector<16xf32>,
    %swap3A_149 = vector.shape_cast %swap3A_148 : vector<16xf32> to vector<16xf32>
    %swap3A_150 = vector.shape_cast %broadcast_in_dim3A_1 : vector<16xf32> to vector<16xf32>
    tpu.vector_store %arg7[%swap3A_147], %swap3A_150 {strides = array<i32>} : memref<640xf32, #tpu.memory_space<vmem>>, vector<16xf32>,
    %swap3A_151 = arith.constant 592 : index
    %swap3A_152 = tpu.vector_load %arg7[%swap3A_151] {strides = array<i32>} : memref<640xf32, #tpu.memory_space<vmem>>, vector<16xf32>,
    %swap3A_153 = vector.shape_cast %swap3A_152 : vector<16xf32> to vector<16xf32>
    %swap3A_154 = vector.shape_cast %broadcast_in_dim3A_1 : vector<16xf32> to vector<16xf32>
    tpu.vector_store %arg7[%swap3A_151], %swap3A_154 {strides = array<i32>} : memref<640xf32, #tpu.memory_space<vmem>>, vector<16xf32>,
    %swap3A_155 = arith.constant 608 : index
    %swap3A_156 = tpu.vector_load %arg7[%swap3A_155] {strides = array<i32>} : memref<640xf32, #tpu.memory_space<vmem>>, vector<16xf32>,
    %swap3A_157 = vector.shape_cast %swap3A_156 : vector<16xf32> to vector<16xf32>
    %swap3A_158 = vector.shape_cast %broadcast_in_dim3A_1 : vector<16xf32> to vector<16xf32>
    tpu.vector_store %arg7[%swap3A_155], %swap3A_158 {strides = array<i32>} : memref<640xf32, #tpu.memory_space<vmem>>, vector<16xf32>,
    %swap3A_159 = arith.constant 624 : index
    %swap3A_160 = tpu.vector_load %arg7[%swap3A_159] {strides = array<i32>} : memref<640xf32, #tpu.memory_space<vmem>>, vector<16xf32>,
    %swap3A_161 = vector.shape_cast %swap3A_160 : vector<16xf32> to vector<16xf32>
    %swap3A_162 = vector.shape_cast %broadcast_in_dim3A_1 : vector<16xf32> to vector<16xf32>
    tpu.vector_store %arg7[%swap3A_159], %swap3A_162 {strides = array<i32>} : memref<640xf32, #tpu.memory_space<vmem>>, vector<16xf32>,
    %swap3A_163 = arith.constant 0 : index
    %swap3A_164 = tpu.vector_load %arg8[%swap3A_163] {strides = array<i32>} : memref<128xf32, #tpu.memory_space<vmem>>, vector<16xf32>,
    %swap3A_165 = vector.shape_cast %swap3A_164 : vector<16xf32> to vector<16xf32>
    %swap3A_166 = vector.shape_cast %broadcast_in_dim3A_3 : vector<16xf32> to vector<16xf32>
    tpu.vector_store %arg8[%swap3A_163], %swap3A_166 {strides = array<i32>} : memref<128xf32, #tpu.memory_space<vmem>>, vector<16xf32>,
    %swap3A_167 = arith.constant 16 : index
    %swap3A_168 = tpu.vector_load %arg8[%swap3A_167] {strides = array<i32>} : memref<128xf32, #tpu.memory_space<vmem>>, vector<16xf32>,
    %swap3A_169 = vector.shape_cast %swap3A_168 : vector<16xf32> to vector<16xf32>
    %swap3A_170 = vector.shape_cast %broadcast_in_dim3A_3 : vector<16xf32> to vector<16xf32>
    tpu.vector_store %arg8[%swap3A_167], %swap3A_170 {strides = array<i32>} : memref<128xf32, #tpu.memory_space<vmem>>, vector<16xf32>,
    %swap3A_171 = arith.constant 32 : index
    %swap3A_172 = tpu.vector_load %arg8[%swap3A_171] {strides = array<i32>} : memref<128xf32, #tpu.memory_space<vmem>>, vector<16xf32>,
    %swap3A_173 = vector.shape_cast %swap3A_172 : vector<16xf32> to vector<16xf32>
    %swap3A_174 = vector.shape_cast %broadcast_in_dim3A_3 : vector<16xf32> to vector<16xf32>
    tpu.vector_store %arg8[%swap3A_171], %swap3A_174 {strides = array<i32>} : memref<128xf32, #tpu.memory_space<vmem>>, vector<16xf32>,
    %swap3A_175 = arith.constant 48 : index
    %swap3A_176 = tpu.vector_load %arg8[%swap3A_175] {strides = array<i32>} : memref<128xf32, #tpu.memory_space<vmem>>, vector<16xf32>,
    %swap3A_177 = vector.shape_cast %swap3A_176 : vector<16xf32> to vector<16xf32>
    %swap3A_178 = vector.shape_cast %broadcast_in_dim3A_3 : vector<16xf32> to vector<16xf32>
    tpu.vector_store %arg8[%swap3A_175], %swap3A_178 {strides = array<i32>} : memref<128xf32, #tpu.memory_space<vmem>>, vector<16xf32>,
    %swap3A_179 = arith.constant 64 : index
    %swap3A_180 = tpu.vector_load %arg8[%swap3A_179] {strides = array<i32>} : memref<128xf32, #tpu.memory_space<vmem>>, vector<16xf32>,
    %swap3A_181 = vector.shape_cast %swap3A_180 : vector<16xf32> to vector<16xf32>
    %swap3A_182 = vector.shape_cast %broadcast_in_dim3A_3 : vector<16xf32> to vector<16xf32>
    tpu.vector_store %arg8[%swap3A_179], %swap3A_182 {strides = array<i32>} : memref<128xf32, #tpu.memory_space<vmem>>, vector<16xf32>,
    %swap3A_183 = arith.constant 80 : index
    %swap3A_184 = tpu.vector_load %arg8[%swap3A_183] {strides = array<i32>} : memref<128xf32, #tpu.memory_space<vmem>>, vector<16xf32>,
    %swap3A_185 = vector.shape_cast %swap3A_184 : vector<16xf32> to vector<16xf32>
    %swap3A_186 = vector.shape_cast %broadcast_in_dim3A_3 : vector<16xf32> to vector<16xf32>
    tpu.vector_store %arg8[%swap3A_183], %swap3A_186 {strides = array<i32>} : memref<128xf32, #tpu.memory_space<vmem>>, vector<16xf32>,
    %swap3A_187 = arith.constant 96 : index
    %swap3A_188 = tpu.vector_load %arg8[%swap3A_187] {strides = array<i32>} : memref<128xf32, #tpu.memory_space<vmem>>, vector<16xf32>,
    %swap3A_189 = vector.shape_cast %swap3A_188 : vector<16xf32> to vector<16xf32>
    %swap3A_190 = vector.shape_cast %broadcast_in_dim3A_3 : vector<16xf32> to vector<16xf32>
    tpu.vector_store %arg8[%swap3A_187], %swap3A_190 {strides = array<i32>} : memref<128xf32, #tpu.memory_space<vmem>>, vector<16xf32>,
    %swap3A_191 = arith.constant 112 : index
    %swap3A_192 = tpu.vector_load %arg8[%swap3A_191] {strides = array<i32>} : memref<128xf32, #tpu.memory_space<vmem>>, vector<16xf32>,
    %swap3A_193 = vector.shape_cast %swap3A_192 : vector<16xf32> to vector<16xf32>
    %swap3A_194 = vector.shape_cast %broadcast_in_dim3A_3 : vector<16xf32> to vector<16xf32>
    tpu.vector_store %arg8[%swap3A_191], %swap3A_194 {strides = array<i32>} : memref<128xf32, #tpu.memory_space<vmem>>, vector<16xf32>,
    %mul3A_195 = arith.constant 640 : i32
    %mul3A_196 = arith.muli %mul3A_195, %arg1 : i32
    "tpu.region"() ({
      %run_scoped3A_208 = tpu.sem_alloc : memref<!tpu.dma_semaphore, #tpu.memory_space<semaphore_mem>>
      %dma_start3A = tpu.memref_slice %arg5[%mul3A_196] : memref<10240xf32, #tpu.memory_space<vmem_shared>> -> memref<640xf32, #tpu.memory_space<vmem_shared>>
      %dma_start3A_209 = tpu.memref_slice %arg5[%mul3A_196] : memref<10240xf32, #tpu.memory_space<vmem_shared>> -> memref<640xf32, #tpu.memory_space<vmem_shared>>
      tpu.enqueue_dma source(%arg7 : memref<640xf32, #tpu.memory_space<vmem>>) target(%dma_start3A_209 : memref<640xf32, #tpu.memory_space<vmem_shared>>) target_semaphore(%run_scoped3A_208 : memref<!tpu.dma_semaphore, #tpu.memory_space<semaphore_mem>>)
      %dma_wait3A = tpu.memref_slice %arg5[%mul3A_196] : memref<10240xf32, #tpu.memory_space<vmem_shared>> -> memref<640xf32, #tpu.memory_space<vmem_shared>>
      %dma_wait3A_210 = tpu.memref_slice %arg5[%mul3A_196] : memref<10240xf32, #tpu.memory_space<vmem_shared>> -> memref<640xf32, #tpu.memory_space<vmem_shared>>
      tpu.wait_dma2 semaphore(%run_scoped3A_208 : memref<!tpu.dma_semaphore, #tpu.memory_space<semaphore_mem>>) src(%arg7 : memref<640xf32, #tpu.memory_space<vmem>>) dst(%dma_wait3A_210 : memref<640xf32, #tpu.memory_space<vmem_shared>>)
      tpu.yield
    }) : () -> ()
    %mul3A_197 = arith.constant 640 : i32
    %mul3A_198 = arith.muli %mul3A_197, %arg1 : i32
    "tpu.region"() ({
      %run_scoped3A_208 = tpu.sem_alloc : memref<!tpu.dma_semaphore, #tpu.memory_space<semaphore_mem>>
      %dma_start3A = tpu.memref_slice %arg6[%mul3A_198] : memref<10240xf32, #tpu.memory_space<vmem_shared>> -> memref<640xf32, #tpu.memory_space<vmem_shared>>
      %dma_start3A_209 = tpu.memref_slice %arg6[%mul3A_198] : memref<10240xf32, #tpu.memory_space<vmem_shared>> -> memref<640xf32, #tpu.memory_space<vmem_shared>>
      tpu.enqueue_dma source(%arg7 : memref<640xf32, #tpu.memory_space<vmem>>) target(%dma_start3A_209 : memref<640xf32, #tpu.memory_space<vmem_shared>>) target_semaphore(%run_scoped3A_208 : memref<!tpu.dma_semaphore, #tpu.memory_space<semaphore_mem>>)
      %dma_wait3A = tpu.memref_slice %arg6[%mul3A_198] : memref<10240xf32, #tpu.memory_space<vmem_shared>> -> memref<640xf32, #tpu.memory_space<vmem_shared>>
      %dma_wait3A_210 = tpu.memref_slice %arg6[%mul3A_198] : memref<10240xf32, #tpu.memory_space<vmem_shared>> -> memref<640xf32, #tpu.memory_space<vmem_shared>>
      tpu.wait_dma2 semaphore(%run_scoped3A_208 : memref<!tpu.dma_semaphore, #tpu.memory_space<semaphore_mem>>) src(%arg7 : memref<640xf32, #tpu.memory_space<vmem>>) dst(%dma_wait3A_210 : memref<640xf32, #tpu.memory_space<vmem_shared>>)
      tpu.yield
    }) : () -> ()
    "tpu.region"() ({
      %run_scoped3A_208 = tpu.sem_alloc : memref<!tpu.dma_semaphore, #tpu.memory_space<semaphore_mem>>
      %dma_start3A = arith.constant 0 : i32
      %dma_start3A_209 = arith.constant 0 : i32
      %dma_start3A_210 = tpu.memref_slice %arg2[%add3A, %dma_start3A, %dma_start3A_209] : memref<32x80x128xi32, #tpu.memory_space<hbm>> -> memref<1x80x128xi32, #tpu.memory_space<hbm>>
      %dma_start3A_211 = tpu.memref_squeeze %dma_start3A_210 : memref<1x80x128xi32, #tpu.memory_space<hbm>> -> memref<80x128xi32, #tpu.memory_space<hbm>>
      %dma_start3A_212 = arith.constant 0 : i32
      %dma_start3A_213 = arith.constant 0 : i32
      %dma_start3A_214 = tpu.memref_slice %arg2[%add3A, %dma_start3A_212, %dma_start3A_213] : memref<32x80x128xi32, #tpu.memory_space<hbm>> -> memref<1x80x128xi32, #tpu.memory_space<hbm>>
      %dma_start3A_215 = tpu.memref_squeeze %dma_start3A_214 : memref<1x80x128xi32, #tpu.memory_space<hbm>> -> memref<80x128xi32, #tpu.memory_space<hbm>>
      tpu.enqueue_dma source(%dma_start3A_215 : memref<80x128xi32, #tpu.memory_space<hbm>>) target(%arg9 : memref<80x128xi32, #tpu.memory_space<vmem>>) target_semaphore(%run_scoped3A_208 : memref<!tpu.dma_semaphore, #tpu.memory_space<semaphore_mem>>)
      %dma_wait3A = arith.constant 0 : i32
      %dma_wait3A_216 = arith.constant 0 : i32
      %dma_wait3A_217 = tpu.memref_slice %arg2[%add3A, %dma_wait3A, %dma_wait3A_216] : memref<32x80x128xi32, #tpu.memory_space<hbm>> -> memref<1x80x128xi32, #tpu.memory_space<hbm>>
      %dma_wait3A_218 = tpu.memref_squeeze %dma_wait3A_217 : memref<1x80x128xi32, #tpu.memory_space<hbm>> -> memref<80x128xi32, #tpu.memory_space<hbm>>
      %dma_wait3A_219 = arith.constant 0 : i32
      %dma_wait3A_220 = arith.constant 0 : i32
      %dma_wait3A_221 = tpu.memref_slice %arg2[%add3A, %dma_wait3A_219, %dma_wait3A_220] : memref<32x80x128xi32, #tpu.memory_space<hbm>> -> memref<1x80x128xi32, #tpu.memory_space<hbm>>
      %dma_wait3A_222 = tpu.memref_squeeze %dma_wait3A_221 : memref<1x80x128xi32, #tpu.memory_space<hbm>> -> memref<80x128xi32, #tpu.memory_space<hbm>>
      tpu.wait_dma2 semaphore(%run_scoped3A_208 : memref<!tpu.dma_semaphore, #tpu.memory_space<semaphore_mem>>) src(%dma_wait3A_222 : memref<80x128xi32, #tpu.memory_space<hbm>>) dst(%arg9 : memref<80x128xi32, #tpu.memory_space<vmem>>)
      tpu.yield
    }) : () -> ()
    "tpu.region"() ({
      %run_scoped3A_208 = tpu.sem_alloc : memref<!tpu.dma_semaphore, #tpu.memory_space<semaphore_mem>>
      %dma_start3A = arith.constant 0 : i32
      %dma_start3A_209 = arith.constant 0 : i32
      %dma_start3A_210 = tpu.memref_slice %arg3[%add3A, %dma_start3A, %dma_start3A_209] : memref<32x80x128xi32, #tpu.memory_space<hbm>> -> memref<1x80x128xi32, #tpu.memory_space<hbm>>
      %dma_start3A_211 = tpu.memref_squeeze %dma_start3A_210 : memref<1x80x128xi32, #tpu.memory_space<hbm>> -> memref<80x128xi32, #tpu.memory_space<hbm>>
      %dma_start3A_212 = arith.constant 0 : i32
      %dma_start3A_213 = arith.constant 0 : i32
      %dma_start3A_214 = tpu.memref_slice %arg3[%add3A, %dma_start3A_212, %dma_start3A_213] : memref<32x80x128xi32, #tpu.memory_space<hbm>> -> memref<1x80x128xi32, #tpu.memory_space<hbm>>
      %dma_start3A_215 = tpu.memref_squeeze %dma_start3A_214 : memref<1x80x128xi32, #tpu.memory_space<hbm>> -> memref<80x128xi32, #tpu.memory_space<hbm>>
      tpu.enqueue_dma source(%dma_start3A_215 : memref<80x128xi32, #tpu.memory_space<hbm>>) target(%arg10 : memref<80x128xi32, #tpu.memory_space<vmem>>) target_semaphore(%run_scoped3A_208 : memref<!tpu.dma_semaphore, #tpu.memory_space<semaphore_mem>>)
      %dma_wait3A = arith.constant 0 : i32
      %dma_wait3A_216 = arith.constant 0 : i32
      %dma_wait3A_217 = tpu.memref_slice %arg3[%add3A, %dma_wait3A, %dma_wait3A_216] : memref<32x80x128xi32, #tpu.memory_space<hbm>> -> memref<1x80x128xi32, #tpu.memory_space<hbm>>
      %dma_wait3A_218 = tpu.memref_squeeze %dma_wait3A_217 : memref<1x80x128xi32, #tpu.memory_space<hbm>> -> memref<80x128xi32, #tpu.memory_space<hbm>>
      %dma_wait3A_219 = arith.constant 0 : i32
      %dma_wait3A_220 = arith.constant 0 : i32
      %dma_wait3A_221 = tpu.memref_slice %arg3[%add3A, %dma_wait3A_219, %dma_wait3A_220] : memref<32x80x128xi32, #tpu.memory_space<hbm>> -> memref<1x80x128xi32, #tpu.memory_space<hbm>>
      %dma_wait3A_222 = tpu.memref_squeeze %dma_wait3A_221 : memref<1x80x128xi32, #tpu.memory_space<hbm>> -> memref<80x128xi32, #tpu.memory_space<hbm>>
      tpu.wait_dma2 semaphore(%run_scoped3A_208 : memref<!tpu.dma_semaphore, #tpu.memory_space<semaphore_mem>>) src(%dma_wait3A_222 : memref<80x128xi32, #tpu.memory_space<hbm>>) dst(%arg10 : memref<80x128xi32, #tpu.memory_space<vmem>>)
      tpu.yield
    }) : () -> ()
    %barrier3A = arith.constant 0 : index
    tpu.barrier barrier_id(%barrier3A)
    %scan3A = arith.constant 0 : i32
    %scan3A_199 = arith.constant 0 : i32
    %scan3A_200 = arith.constant 10 : i32
    %scan3A_201 = arith.addi %scan3A_199, %scan3A_200 : i32
    %scan3A_202 = arith.constant 1 : i32
    scf.for %scan3A_208 = %scan3A_199 to %scan3A_201 step %scan3A_202  : i32 {
      %mul3A_209 = arith.constant 8 : i32
      %mul3A_210 = arith.muli %mul3A_209, %scan3A_208 : i32
      %add3A_211 = arith.constant 0 : i32
      %add3A_212 = arith.addi %mul3A_210, %add3A_211 : i32
      %dma_start3A = arith.constant 0 : i32
      %dma_start3A_213 = tpu.memref_slice %arg9[%add3A_212, %dma_start3A] : memref<80x128xi32, #tpu.memory_space<vmem>> -> memref<1x128xi32, #tpu.memory_space<vmem>>
      %dma_start3A_214 = tpu.memref_squeeze %dma_start3A_213 : memref<1x128xi32, #tpu.memory_space<vmem>> -> memref<128xi32, #tpu.memory_space<vmem>>
      %dma_start3A_215 = arith.constant 0 : i32
      %dma_start3A_216 = tpu.memref_slice %arg5[%dma_start3A_215] : memref<10240xf32, #tpu.memory_space<vmem_shared>> -> memref<10240xf32, #tpu.memory_space<vmem_shared>>
      tpu.enqueue_indirect_dma source(%arg8 : memref<128xf32, #tpu.memory_space<vmem>>) target(%dma_start3A_216 : memref<10240xf32, #tpu.memory_space<vmem_shared>>) offsets(%dma_start3A_214 : memref<128xi32, #tpu.memory_space<vmem>>) semaphore(%arg11 : memref<!tpu.dma_semaphore, #tpu.memory_space<semaphore_mem>>) {add = true}
      %dma_start3A_217 = arith.constant 0 : i32
      %dma_start3A_218 = tpu.memref_slice %arg10[%add3A_212, %dma_start3A_217] : memref<80x128xi32, #tpu.memory_space<vmem>> -> memref<1x128xi32, #tpu.memory_space<vmem>>
      %dma_start3A_219 = tpu.memref_squeeze %dma_start3A_218 : memref<1x128xi32, #tpu.memory_space<vmem>> -> memref<128xi32, #tpu.memory_space<vmem>>
      %dma_start3A_220 = arith.constant 0 : i32
      %dma_start3A_221 = tpu.memref_slice %arg6[%dma_start3A_220] : memref<10240xf32, #tpu.memory_space<vmem_shared>> -> memref<10240xf32, #tpu.memory_space<vmem_shared>>
      tpu.enqueue_indirect_dma source(%arg8 : memref<128xf32, #tpu.memory_space<vmem>>) target(%dma_start3A_221 : memref<10240xf32, #tpu.memory_space<vmem_shared>>) offsets(%dma_start3A_219 : memref<128xi32, #tpu.memory_space<vmem>>) semaphore(%arg11 : memref<!tpu.dma_semaphore, #tpu.memory_space<semaphore_mem>>) {add = true}
      %mul3A_222 = arith.constant 8 : i32
      %mul3A_223 = arith.muli %mul3A_222, %scan3A_208 : i32
      %add3A_224 = arith.constant 1 : i32
      %add3A_225 = arith.addi %mul3A_223, %add3A_224 : i32
      %dma_start3A_226 = arith.constant 0 : i32
      %dma_start3A_227 = tpu.memref_slice %arg9[%add3A_225, %dma_start3A_226] : memref<80x128xi32, #tpu.memory_space<vmem>> -> memref<1x128xi32, #tpu.memory_space<vmem>>
      %dma_start3A_228 = tpu.memref_squeeze %dma_start3A_227 : memref<1x128xi32, #tpu.memory_space<vmem>> -> memref<128xi32, #tpu.memory_space<vmem>>
      %dma_start3A_229 = arith.constant 0 : i32
      %dma_start3A_230 = tpu.memref_slice %arg5[%dma_start3A_229] : memref<10240xf32, #tpu.memory_space<vmem_shared>> -> memref<10240xf32, #tpu.memory_space<vmem_shared>>
      tpu.enqueue_indirect_dma source(%arg8 : memref<128xf32, #tpu.memory_space<vmem>>) target(%dma_start3A_230 : memref<10240xf32, #tpu.memory_space<vmem_shared>>) offsets(%dma_start3A_228 : memref<128xi32, #tpu.memory_space<vmem>>) semaphore(%arg11 : memref<!tpu.dma_semaphore, #tpu.memory_space<semaphore_mem>>) {add = true}
      %dma_start3A_231 = arith.constant 0 : i32
      %dma_start3A_232 = tpu.memref_slice %arg10[%add3A_225, %dma_start3A_231] : memref<80x128xi32, #tpu.memory_space<vmem>> -> memref<1x128xi32, #tpu.memory_space<vmem>>
      %dma_start3A_233 = tpu.memref_squeeze %dma_start3A_232 : memref<1x128xi32, #tpu.memory_space<vmem>> -> memref<128xi32, #tpu.memory_space<vmem>>
      %dma_start3A_234 = arith.constant 0 : i32
      %dma_start3A_235 = tpu.memref_slice %arg6[%dma_start3A_234] : memref<10240xf32, #tpu.memory_space<vmem_shared>> -> memref<10240xf32, #tpu.memory_space<vmem_shared>>
      tpu.enqueue_indirect_dma source(%arg8 : memref<128xf32, #tpu.memory_space<vmem>>) target(%dma_start3A_235 : memref<10240xf32, #tpu.memory_space<vmem_shared>>) offsets(%dma_start3A_233 : memref<128xi32, #tpu.memory_space<vmem>>) semaphore(%arg11 : memref<!tpu.dma_semaphore, #tpu.memory_space<semaphore_mem>>) {add = true}
      %mul3A_236 = arith.constant 8 : i32
      %mul3A_237 = arith.muli %mul3A_236, %scan3A_208 : i32
      %add3A_238 = arith.constant 2 : i32
      %add3A_239 = arith.addi %mul3A_237, %add3A_238 : i32
      %dma_start3A_240 = arith.constant 0 : i32
      %dma_start3A_241 = tpu.memref_slice %arg9[%add3A_239, %dma_start3A_240] : memref<80x128xi32, #tpu.memory_space<vmem>> -> memref<1x128xi32, #tpu.memory_space<vmem>>
      %dma_start3A_242 = tpu.memref_squeeze %dma_start3A_241 : memref<1x128xi32, #tpu.memory_space<vmem>> -> memref<128xi32, #tpu.memory_space<vmem>>
      %dma_start3A_243 = arith.constant 0 : i32
      %dma_start3A_244 = tpu.memref_slice %arg5[%dma_start3A_243] : memref<10240xf32, #tpu.memory_space<vmem_shared>> -> memref<10240xf32, #tpu.memory_space<vmem_shared>>
      tpu.enqueue_indirect_dma source(%arg8 : memref<128xf32, #tpu.memory_space<vmem>>) target(%dma_start3A_244 : memref<10240xf32, #tpu.memory_space<vmem_shared>>) offsets(%dma_start3A_242 : memref<128xi32, #tpu.memory_space<vmem>>) semaphore(%arg11 : memref<!tpu.dma_semaphore, #tpu.memory_space<semaphore_mem>>) {add = true}
      %dma_start3A_245 = arith.constant 0 : i32
      %dma_start3A_246 = tpu.memref_slice %arg10[%add3A_239, %dma_start3A_245] : memref<80x128xi32, #tpu.memory_space<vmem>> -> memref<1x128xi32, #tpu.memory_space<vmem>>
      %dma_start3A_247 = tpu.memref_squeeze %dma_start3A_246 : memref<1x128xi32, #tpu.memory_space<vmem>> -> memref<128xi32, #tpu.memory_space<vmem>>
      %dma_start3A_248 = arith.constant 0 : i32
      %dma_start3A_249 = tpu.memref_slice %arg6[%dma_start3A_248] : memref<10240xf32, #tpu.memory_space<vmem_shared>> -> memref<10240xf32, #tpu.memory_space<vmem_shared>>
      tpu.enqueue_indirect_dma source(%arg8 : memref<128xf32, #tpu.memory_space<vmem>>) target(%dma_start3A_249 : memref<10240xf32, #tpu.memory_space<vmem_shared>>) offsets(%dma_start3A_247 : memref<128xi32, #tpu.memory_space<vmem>>) semaphore(%arg11 : memref<!tpu.dma_semaphore, #tpu.memory_space<semaphore_mem>>) {add = true}
      %mul3A_250 = arith.constant 8 : i32
      %mul3A_251 = arith.muli %mul3A_250, %scan3A_208 : i32
      %add3A_252 = arith.constant 3 : i32
      %add3A_253 = arith.addi %mul3A_251, %add3A_252 : i32
      %dma_start3A_254 = arith.constant 0 : i32
      %dma_start3A_255 = tpu.memref_slice %arg9[%add3A_253, %dma_start3A_254] : memref<80x128xi32, #tpu.memory_space<vmem>> -> memref<1x128xi32, #tpu.memory_space<vmem>>
      %dma_start3A_256 = tpu.memref_squeeze %dma_start3A_255 : memref<1x128xi32, #tpu.memory_space<vmem>> -> memref<128xi32, #tpu.memory_space<vmem>>
      %dma_start3A_257 = arith.constant 0 : i32
      %dma_start3A_258 = tpu.memref_slice %arg5[%dma_start3A_257] : memref<10240xf32, #tpu.memory_space<vmem_shared>> -> memref<10240xf32, #tpu.memory_space<vmem_shared>>
      tpu.enqueue_indirect_dma source(%arg8 : memref<128xf32, #tpu.memory_space<vmem>>) target(%dma_start3A_258 : memref<10240xf32, #tpu.memory_space<vmem_shared>>) offsets(%dma_start3A_256 : memref<128xi32, #tpu.memory_space<vmem>>) semaphore(%arg11 : memref<!tpu.dma_semaphore, #tpu.memory_space<semaphore_mem>>) {add = true}
      %dma_start3A_259 = arith.constant 0 : i32
      %dma_start3A_260 = tpu.memref_slice %arg10[%add3A_253, %dma_start3A_259] : memref<80x128xi32, #tpu.memory_space<vmem>> -> memref<1x128xi32, #tpu.memory_space<vmem>>
      %dma_start3A_261 = tpu.memref_squeeze %dma_start3A_260 : memref<1x128xi32, #tpu.memory_space<vmem>> -> memref<128xi32, #tpu.memory_space<vmem>>
      %dma_start3A_262 = arith.constant 0 : i32
      %dma_start3A_263 = tpu.memref_slice %arg6[%dma_start3A_262] : memref<10240xf32, #tpu.memory_space<vmem_shared>> -> memref<10240xf32, #tpu.memory_space<vmem_shared>>
      tpu.enqueue_indirect_dma source(%arg8 : memref<128xf32, #tpu.memory_space<vmem>>) target(%dma_start3A_263 : memref<10240xf32, #tpu.memory_space<vmem_shared>>) offsets(%dma_start3A_261 : memref<128xi32, #tpu.memory_space<vmem>>) semaphore(%arg11 : memref<!tpu.dma_semaphore, #tpu.memory_space<semaphore_mem>>) {add = true}
      %mul3A_264 = arith.constant 8 : i32
      %mul3A_265 = arith.muli %mul3A_264, %scan3A_208 : i32
      %add3A_266 = arith.constant 4 : i32
      %add3A_267 = arith.addi %mul3A_265, %add3A_266 : i32
      %dma_start3A_268 = arith.constant 0 : i32
      %dma_start3A_269 = tpu.memref_slice %arg9[%add3A_267, %dma_start3A_268] : memref<80x128xi32, #tpu.memory_space<vmem>> -> memref<1x128xi32, #tpu.memory_space<vmem>>
      %dma_start3A_270 = tpu.memref_squeeze %dma_start3A_269 : memref<1x128xi32, #tpu.memory_space<vmem>> -> memref<128xi32, #tpu.memory_space<vmem>>
      %dma_start3A_271 = arith.constant 0 : i32
      %dma_start3A_272 = tpu.memref_slice %arg5[%dma_start3A_271] : memref<10240xf32, #tpu.memory_space<vmem_shared>> -> memref<10240xf32, #tpu.memory_space<vmem_shared>>
      tpu.enqueue_indirect_dma source(%arg8 : memref<128xf32, #tpu.memory_space<vmem>>) target(%dma_start3A_272 : memref<10240xf32, #tpu.memory_space<vmem_shared>>) offsets(%dma_start3A_270 : memref<128xi32, #tpu.memory_space<vmem>>) semaphore(%arg11 : memref<!tpu.dma_semaphore, #tpu.memory_space<semaphore_mem>>) {add = true}
      %dma_start3A_273 = arith.constant 0 : i32
      %dma_start3A_274 = tpu.memref_slice %arg10[%add3A_267, %dma_start3A_273] : memref<80x128xi32, #tpu.memory_space<vmem>> -> memref<1x128xi32, #tpu.memory_space<vmem>>
      %dma_start3A_275 = tpu.memref_squeeze %dma_start3A_274 : memref<1x128xi32, #tpu.memory_space<vmem>> -> memref<128xi32, #tpu.memory_space<vmem>>
      %dma_start3A_276 = arith.constant 0 : i32
      %dma_start3A_277 = tpu.memref_slice %arg6[%dma_start3A_276] : memref<10240xf32, #tpu.memory_space<vmem_shared>> -> memref<10240xf32, #tpu.memory_space<vmem_shared>>
      tpu.enqueue_indirect_dma source(%arg8 : memref<128xf32, #tpu.memory_space<vmem>>) target(%dma_start3A_277 : memref<10240xf32, #tpu.memory_space<vmem_shared>>) offsets(%dma_start3A_275 : memref<128xi32, #tpu.memory_space<vmem>>) semaphore(%arg11 : memref<!tpu.dma_semaphore, #tpu.memory_space<semaphore_mem>>) {add = true}
      %mul3A_278 = arith.constant 8 : i32
      %mul3A_279 = arith.muli %mul3A_278, %scan3A_208 : i32
      %add3A_280 = arith.constant 5 : i32
      %add3A_281 = arith.addi %mul3A_279, %add3A_280 : i32
      %dma_start3A_282 = arith.constant 0 : i32
      %dma_start3A_283 = tpu.memref_slice %arg9[%add3A_281, %dma_start3A_282] : memref<80x128xi32, #tpu.memory_space<vmem>> -> memref<1x128xi32, #tpu.memory_space<vmem>>
      %dma_start3A_284 = tpu.memref_squeeze %dma_start3A_283 : memref<1x128xi32, #tpu.memory_space<vmem>> -> memref<128xi32, #tpu.memory_space<vmem>>
      %dma_start3A_285 = arith.constant 0 : i32
      %dma_start3A_286 = tpu.memref_slice %arg5[%dma_start3A_285] : memref<10240xf32, #tpu.memory_space<vmem_shared>> -> memref<10240xf32, #tpu.memory_space<vmem_shared>>
      tpu.enqueue_indirect_dma source(%arg8 : memref<128xf32, #tpu.memory_space<vmem>>) target(%dma_start3A_286 : memref<10240xf32, #tpu.memory_space<vmem_shared>>) offsets(%dma_start3A_284 : memref<128xi32, #tpu.memory_space<vmem>>) semaphore(%arg11 : memref<!tpu.dma_semaphore, #tpu.memory_space<semaphore_mem>>) {add = true}
      %dma_start3A_287 = arith.constant 0 : i32
      %dma_start3A_288 = tpu.memref_slice %arg10[%add3A_281, %dma_start3A_287] : memref<80x128xi32, #tpu.memory_space<vmem>> -> memref<1x128xi32, #tpu.memory_space<vmem>>
      %dma_start3A_289 = tpu.memref_squeeze %dma_start3A_288 : memref<1x128xi32, #tpu.memory_space<vmem>> -> memref<128xi32, #tpu.memory_space<vmem>>
      %dma_start3A_290 = arith.constant 0 : i32
      %dma_start3A_291 = tpu.memref_slice %arg6[%dma_start3A_290] : memref<10240xf32, #tpu.memory_space<vmem_shared>> -> memref<10240xf32, #tpu.memory_space<vmem_shared>>
      tpu.enqueue_indirect_dma source(%arg8 : memref<128xf32, #tpu.memory_space<vmem>>) target(%dma_start3A_291 : memref<10240xf32, #tpu.memory_space<vmem_shared>>) offsets(%dma_start3A_289 : memref<128xi32, #tpu.memory_space<vmem>>) semaphore(%arg11 : memref<!tpu.dma_semaphore, #tpu.memory_space<semaphore_mem>>) {add = true}
      %mul3A_292 = arith.constant 8 : i32
      %mul3A_293 = arith.muli %mul3A_292, %scan3A_208 : i32
      %add3A_294 = arith.constant 6 : i32
      %add3A_295 = arith.addi %mul3A_293, %add3A_294 : i32
      %dma_start3A_296 = arith.constant 0 : i32
      %dma_start3A_297 = tpu.memref_slice %arg9[%add3A_295, %dma_start3A_296] : memref<80x128xi32, #tpu.memory_space<vmem>> -> memref<1x128xi32, #tpu.memory_space<vmem>>
      %dma_start3A_298 = tpu.memref_squeeze %dma_start3A_297 : memref<1x128xi32, #tpu.memory_space<vmem>> -> memref<128xi32, #tpu.memory_space<vmem>>
      %dma_start3A_299 = arith.constant 0 : i32
      %dma_start3A_300 = tpu.memref_slice %arg5[%dma_start3A_299] : memref<10240xf32, #tpu.memory_space<vmem_shared>> -> memref<10240xf32, #tpu.memory_space<vmem_shared>>
      tpu.enqueue_indirect_dma source(%arg8 : memref<128xf32, #tpu.memory_space<vmem>>) target(%dma_start3A_300 : memref<10240xf32, #tpu.memory_space<vmem_shared>>) offsets(%dma_start3A_298 : memref<128xi32, #tpu.memory_space<vmem>>) semaphore(%arg11 : memref<!tpu.dma_semaphore, #tpu.memory_space<semaphore_mem>>) {add = true}
      %dma_start3A_301 = arith.constant 0 : i32
      %dma_start3A_302 = tpu.memref_slice %arg10[%add3A_295, %dma_start3A_301] : memref<80x128xi32, #tpu.memory_space<vmem>> -> memref<1x128xi32, #tpu.memory_space<vmem>>
      %dma_start3A_303 = tpu.memref_squeeze %dma_start3A_302 : memref<1x128xi32, #tpu.memory_space<vmem>> -> memref<128xi32, #tpu.memory_space<vmem>>
      %dma_start3A_304 = arith.constant 0 : i32
      %dma_start3A_305 = tpu.memref_slice %arg6[%dma_start3A_304] : memref<10240xf32, #tpu.memory_space<vmem_shared>> -> memref<10240xf32, #tpu.memory_space<vmem_shared>>
      tpu.enqueue_indirect_dma source(%arg8 : memref<128xf32, #tpu.memory_space<vmem>>) target(%dma_start3A_305 : memref<10240xf32, #tpu.memory_space<vmem_shared>>) offsets(%dma_start3A_303 : memref<128xi32, #tpu.memory_space<vmem>>) semaphore(%arg11 : memref<!tpu.dma_semaphore, #tpu.memory_space<semaphore_mem>>) {add = true}
      %mul3A_306 = arith.constant 8 : i32
      %mul3A_307 = arith.muli %mul3A_306, %scan3A_208 : i32
      %add3A_308 = arith.constant 7 : i32
      %add3A_309 = arith.addi %mul3A_307, %add3A_308 : i32
      %dma_start3A_310 = arith.constant 0 : i32
      %dma_start3A_311 = tpu.memref_slice %arg9[%add3A_309, %dma_start3A_310] : memref<80x128xi32, #tpu.memory_space<vmem>> -> memref<1x128xi32, #tpu.memory_space<vmem>>
      %dma_start3A_312 = tpu.memref_squeeze %dma_start3A_311 : memref<1x128xi32, #tpu.memory_space<vmem>> -> memref<128xi32, #tpu.memory_space<vmem>>
      %dma_start3A_313 = arith.constant 0 : i32
      %dma_start3A_314 = tpu.memref_slice %arg5[%dma_start3A_313] : memref<10240xf32, #tpu.memory_space<vmem_shared>> -> memref<10240xf32, #tpu.memory_space<vmem_shared>>
      tpu.enqueue_indirect_dma source(%arg8 : memref<128xf32, #tpu.memory_space<vmem>>) target(%dma_start3A_314 : memref<10240xf32, #tpu.memory_space<vmem_shared>>) offsets(%dma_start3A_312 : memref<128xi32, #tpu.memory_space<vmem>>) semaphore(%arg11 : memref<!tpu.dma_semaphore, #tpu.memory_space<semaphore_mem>>) {add = true}
      %dma_start3A_315 = arith.constant 0 : i32
      %dma_start3A_316 = tpu.memref_slice %arg10[%add3A_309, %dma_start3A_315] : memref<80x128xi32, #tpu.memory_space<vmem>> -> memref<1x128xi32, #tpu.memory_space<vmem>>
      %dma_start3A_317 = tpu.memref_squeeze %dma_start3A_316 : memref<1x128xi32, #tpu.memory_space<vmem>> -> memref<128xi32, #tpu.memory_space<vmem>>
      %dma_start3A_318 = arith.constant 0 : i32
      %dma_start3A_319 = tpu.memref_slice %arg6[%dma_start3A_318] : memref<10240xf32, #tpu.memory_space<vmem_shared>> -> memref<10240xf32, #tpu.memory_space<vmem_shared>>
      tpu.enqueue_indirect_dma source(%arg8 : memref<128xf32, #tpu.memory_space<vmem>>) target(%dma_start3A_319 : memref<10240xf32, #tpu.memory_space<vmem_shared>>) offsets(%dma_start3A_317 : memref<128xi32, #tpu.memory_space<vmem>>) semaphore(%arg11 : memref<!tpu.dma_semaphore, #tpu.memory_space<semaphore_mem>>) {add = true}
      %dma_wait3A = arith.constant 0 : i32
      %dma_wait3A_320 = arith.constant 0 : i32
      %dma_wait3A_321 = tpu.memref_slice %arg9[%dma_wait3A, %dma_wait3A_320] : memref<80x128xi32, #tpu.memory_space<vmem>> -> memref<1x128xi32, #tpu.memory_space<vmem>>
      %dma_wait3A_322 = tpu.memref_squeeze %dma_wait3A_321 : memref<1x128xi32, #tpu.memory_space<vmem>> -> memref<128xi32, #tpu.memory_space<vmem>>
      %dma_wait3A_323 = arith.constant 0 : i32
      %dma_wait3A_324 = tpu.memref_slice %arg5[%dma_wait3A_323] : memref<10240xf32, #tpu.memory_space<vmem_shared>> -> memref<10240xf32, #tpu.memory_space<vmem_shared>>
      tpu.wait_indirect_dma semaphore(%arg11 : memref<!tpu.dma_semaphore, #tpu.memory_space<semaphore_mem>>) src(%arg8 : memref<128xf32, #tpu.memory_space<vmem>>) dst(%dma_wait3A_324 : memref<10240xf32, #tpu.memory_space<vmem_shared>>)
      %dma_wait3A_325 = arith.constant 0 : i32
      %dma_wait3A_326 = arith.constant 0 : i32
      %dma_wait3A_327 = tpu.memref_slice %arg9[%dma_wait3A_325, %dma_wait3A_326] : memref<80x128xi32, #tpu.memory_space<vmem>> -> memref<1x128xi32, #tpu.memory_space<vmem>>
      %dma_wait3A_328 = tpu.memref_squeeze %dma_wait3A_327 : memref<1x128xi32, #tpu.memory_space<vmem>> -> memref<128xi32, #tpu.memory_space<vmem>>
      %dma_wait3A_329 = arith.constant 0 : i32
      %dma_wait3A_330 = tpu.memref_slice %arg5[%dma_wait3A_329] : memref<10240xf32, #tpu.memory_space<vmem_shared>> -> memref<10240xf32, #tpu.memory_space<vmem_shared>>
      tpu.wait_indirect_dma semaphore(%arg11 : memref<!tpu.dma_semaphore, #tpu.memory_space<semaphore_mem>>) src(%arg8 : memref<128xf32, #tpu.memory_space<vmem>>) dst(%dma_wait3A_330 : memref<10240xf32, #tpu.memory_space<vmem_shared>>)
      %dma_wait3A_331 = arith.constant 0 : i32
      %dma_wait3A_332 = arith.constant 0 : i32
      %dma_wait3A_333 = tpu.memref_slice %arg9[%dma_wait3A_331, %dma_wait3A_332] : memref<80x128xi32, #tpu.memory_space<vmem>> -> memref<1x128xi32, #tpu.memory_space<vmem>>
      %dma_wait3A_334 = tpu.memref_squeeze %dma_wait3A_333 : memref<1x128xi32, #tpu.memory_space<vmem>> -> memref<128xi32, #tpu.memory_space<vmem>>
      %dma_wait3A_335 = arith.constant 0 : i32
      %dma_wait3A_336 = tpu.memref_slice %arg5[%dma_wait3A_335] : memref<10240xf32, #tpu.memory_space<vmem_shared>> -> memref<10240xf32, #tpu.memory_space<vmem_shared>>
      tpu.wait_indirect_dma semaphore(%arg11 : memref<!tpu.dma_semaphore, #tpu.memory_space<semaphore_mem>>) src(%arg8 : memref<128xf32, #tpu.memory_space<vmem>>) dst(%dma_wait3A_336 : memref<10240xf32, #tpu.memory_space<vmem_shared>>)
      %dma_wait3A_337 = arith.constant 0 : i32
      %dma_wait3A_338 = arith.constant 0 : i32
      %dma_wait3A_339 = tpu.memref_slice %arg9[%dma_wait3A_337, %dma_wait3A_338] : memref<80x128xi32, #tpu.memory_space<vmem>> -> memref<1x128xi32, #tpu.memory_space<vmem>>
      %dma_wait3A_340 = tpu.memref_squeeze %dma_wait3A_339 : memref<1x128xi32, #tpu.memory_space<vmem>> -> memref<128xi32, #tpu.memory_space<vmem>>
      %dma_wait3A_341 = arith.constant 0 : i32
      %dma_wait3A_342 = tpu.memref_slice %arg5[%dma_wait3A_341] : memref<10240xf32, #tpu.memory_space<vmem_shared>> -> memref<10240xf32, #tpu.memory_space<vmem_shared>>
      tpu.wait_indirect_dma semaphore(%arg11 : memref<!tpu.dma_semaphore, #tpu.memory_space<semaphore_mem>>) src(%arg8 : memref<128xf32, #tpu.memory_space<vmem>>) dst(%dma_wait3A_342 : memref<10240xf32, #tpu.memory_space<vmem_shared>>)
      %dma_wait3A_343 = arith.constant 0 : i32
      %dma_wait3A_344 = arith.constant 0 : i32
      %dma_wait3A_345 = tpu.memref_slice %arg9[%dma_wait3A_343, %dma_wait3A_344] : memref<80x128xi32, #tpu.memory_space<vmem>> -> memref<1x128xi32, #tpu.memory_space<vmem>>
      %dma_wait3A_346 = tpu.memref_squeeze %dma_wait3A_345 : memref<1x128xi32, #tpu.memory_space<vmem>> -> memref<128xi32, #tpu.memory_space<vmem>>
      %dma_wait3A_347 = arith.constant 0 : i32
      %dma_wait3A_348 = tpu.memref_slice %arg5[%dma_wait3A_347] : memref<10240xf32, #tpu.memory_space<vmem_shared>> -> memref<10240xf32, #tpu.memory_space<vmem_shared>>
      tpu.wait_indirect_dma semaphore(%arg11 : memref<!tpu.dma_semaphore, #tpu.memory_space<semaphore_mem>>) src(%arg8 : memref<128xf32, #tpu.memory_space<vmem>>) dst(%dma_wait3A_348 : memref<10240xf32, #tpu.memory_space<vmem_shared>>)
      %dma_wait3A_349 = arith.constant 0 : i32
      %dma_wait3A_350 = arith.constant 0 : i32
      %dma_wait3A_351 = tpu.memref_slice %arg9[%dma_wait3A_349, %dma_wait3A_350] : memref<80x128xi32, #tpu.memory_space<vmem>> -> memref<1x128xi32, #tpu.memory_space<vmem>>
      %dma_wait3A_352 = tpu.memref_squeeze %dma_wait3A_351 : memref<1x128xi32, #tpu.memory_space<vmem>> -> memref<128xi32, #tpu.memory_space<vmem>>
      %dma_wait3A_353 = arith.constant 0 : i32
      %dma_wait3A_354 = tpu.memref_slice %arg5[%dma_wait3A_353] : memref<10240xf32, #tpu.memory_space<vmem_shared>> -> memref<10240xf32, #tpu.memory_space<vmem_shared>>
      tpu.wait_indirect_dma semaphore(%arg11 : memref<!tpu.dma_semaphore, #tpu.memory_space<semaphore_mem>>) src(%arg8 : memref<128xf32, #tpu.memory_space<vmem>>) dst(%dma_wait3A_354 : memref<10240xf32, #tpu.memory_space<vmem_shared>>)
      %dma_wait3A_355 = arith.constant 0 : i32
      %dma_wait3A_356 = arith.constant 0 : i32
      %dma_wait3A_357 = tpu.memref_slice %arg9[%dma_wait3A_355, %dma_wait3A_356] : memref<80x128xi32, #tpu.memory_space<vmem>> -> memref<1x128xi32, #tpu.memory_space<vmem>>
      %dma_wait3A_358 = tpu.memref_squeeze %dma_wait3A_357 : memref<1x128xi32, #tpu.memory_space<vmem>> -> memref<128xi32, #tpu.memory_space<vmem>>
      %dma_wait3A_359 = arith.constant 0 : i32
      %dma_wait3A_360 = tpu.memref_slice %arg5[%dma_wait3A_359] : memref<10240xf32, #tpu.memory_space<vmem_shared>> -> memref<10240xf32, #tpu.memory_space<vmem_shared>>
      tpu.wait_indirect_dma semaphore(%arg11 : memref<!tpu.dma_semaphore, #tpu.memory_space<semaphore_mem>>) src(%arg8 : memref<128xf32, #tpu.memory_space<vmem>>) dst(%dma_wait3A_360 : memref<10240xf32, #tpu.memory_space<vmem_shared>>)
      %dma_wait3A_361 = arith.constant 0 : i32
      %dma_wait3A_362 = arith.constant 0 : i32
      %dma_wait3A_363 = tpu.memref_slice %arg9[%dma_wait3A_361, %dma_wait3A_362] : memref<80x128xi32, #tpu.memory_space<vmem>> -> memref<1x128xi32, #tpu.memory_space<vmem>>
      %dma_wait3A_364 = tpu.memref_squeeze %dma_wait3A_363 : memref<1x128xi32, #tpu.memory_space<vmem>> -> memref<128xi32, #tpu.memory_space<vmem>>
      %dma_wait3A_365 = arith.constant 0 : i32
      %dma_wait3A_366 = tpu.memref_slice %arg5[%dma_wait3A_365] : memref<10240xf32, #tpu.memory_space<vmem_shared>> -> memref<10240xf32, #tpu.memory_space<vmem_shared>>
      tpu.wait_indirect_dma semaphore(%arg11 : memref<!tpu.dma_semaphore, #tpu.memory_space<semaphore_mem>>) src(%arg8 : memref<128xf32, #tpu.memory_space<vmem>>) dst(%dma_wait3A_366 : memref<10240xf32, #tpu.memory_space<vmem_shared>>)
      %dma_wait3A_367 = arith.constant 0 : i32
      %dma_wait3A_368 = arith.constant 0 : i32
      %dma_wait3A_369 = tpu.memref_slice %arg9[%dma_wait3A_367, %dma_wait3A_368] : memref<80x128xi32, #tpu.memory_space<vmem>> -> memref<1x128xi32, #tpu.memory_space<vmem>>
      %dma_wait3A_370 = tpu.memref_squeeze %dma_wait3A_369 : memref<1x128xi32, #tpu.memory_space<vmem>> -> memref<128xi32, #tpu.memory_space<vmem>>
      %dma_wait3A_371 = arith.constant 0 : i32
      %dma_wait3A_372 = tpu.memref_slice %arg5[%dma_wait3A_371] : memref<10240xf32, #tpu.memory_space<vmem_shared>> -> memref<10240xf32, #tpu.memory_space<vmem_shared>>
      tpu.wait_indirect_dma semaphore(%arg11 : memref<!tpu.dma_semaphore, #tpu.memory_space<semaphore_mem>>) src(%arg8 : memref<128xf32, #tpu.memory_space<vmem>>) dst(%dma_wait3A_372 : memref<10240xf32, #tpu.memory_space<vmem_shared>>)
      %dma_wait3A_373 = arith.constant 0 : i32
      %dma_wait3A_374 = arith.constant 0 : i32
      %dma_wait3A_375 = tpu.memref_slice %arg9[%dma_wait3A_373, %dma_wait3A_374] : memref<80x128xi32, #tpu.memory_space<vmem>> -> memref<1x128xi32, #tpu.memory_space<vmem>>
      %dma_wait3A_376 = tpu.memref_squeeze %dma_wait3A_375 : memref<1x128xi32, #tpu.memory_space<vmem>> -> memref<128xi32, #tpu.memory_space<vmem>>
      %dma_wait3A_377 = arith.constant 0 : i32
      %dma_wait3A_378 = tpu.memref_slice %arg5[%dma_wait3A_377] : memref<10240xf32, #tpu.memory_space<vmem_shared>> -> memref<10240xf32, #tpu.memory_space<vmem_shared>>
      tpu.wait_indirect_dma semaphore(%arg11 : memref<!tpu.dma_semaphore, #tpu.memory_space<semaphore_mem>>) src(%arg8 : memref<128xf32, #tpu.memory_space<vmem>>) dst(%dma_wait3A_378 : memref<10240xf32, #tpu.memory_space<vmem_shared>>)
      %dma_wait3A_379 = arith.constant 0 : i32
      %dma_wait3A_380 = arith.constant 0 : i32
      %dma_wait3A_381 = tpu.memref_slice %arg9[%dma_wait3A_379, %dma_wait3A_380] : memref<80x128xi32, #tpu.memory_space<vmem>> -> memref<1x128xi32, #tpu.memory_space<vmem>>
      %dma_wait3A_382 = tpu.memref_squeeze %dma_wait3A_381 : memref<1x128xi32, #tpu.memory_space<vmem>> -> memref<128xi32, #tpu.memory_space<vmem>>
      %dma_wait3A_383 = arith.constant 0 : i32
      %dma_wait3A_384 = tpu.memref_slice %arg5[%dma_wait3A_383] : memref<10240xf32, #tpu.memory_space<vmem_shared>> -> memref<10240xf32, #tpu.memory_space<vmem_shared>>
      tpu.wait_indirect_dma semaphore(%arg11 : memref<!tpu.dma_semaphore, #tpu.memory_space<semaphore_mem>>) src(%arg8 : memref<128xf32, #tpu.memory_space<vmem>>) dst(%dma_wait3A_384 : memref<10240xf32, #tpu.memory_space<vmem_shared>>)
      %dma_wait3A_385 = arith.constant 0 : i32
      %dma_wait3A_386 = arith.constant 0 : i32
      %dma_wait3A_387 = tpu.memref_slice %arg9[%dma_wait3A_385, %dma_wait3A_386] : memref<80x128xi32, #tpu.memory_space<vmem>> -> memref<1x128xi32, #tpu.memory_space<vmem>>
      %dma_wait3A_388 = tpu.memref_squeeze %dma_wait3A_387 : memref<1x128xi32, #tpu.memory_space<vmem>> -> memref<128xi32, #tpu.memory_space<vmem>>
      %dma_wait3A_389 = arith.constant 0 : i32
      %dma_wait3A_390 = tpu.memref_slice %arg5[%dma_wait3A_389] : memref<10240xf32, #tpu.memory_space<vmem_shared>> -> memref<10240xf32, #tpu.memory_space<vmem_shared>>
      tpu.wait_indirect_dma semaphore(%arg11 : memref<!tpu.dma_semaphore, #tpu.memory_space<semaphore_mem>>) src(%arg8 : memref<128xf32, #tpu.memory_space<vmem>>) dst(%dma_wait3A_390 : memref<10240xf32, #tpu.memory_space<vmem_shared>>)
      %dma_wait3A_391 = arith.constant 0 : i32
      %dma_wait3A_392 = arith.constant 0 : i32
      %dma_wait3A_393 = tpu.memref_slice %arg9[%dma_wait3A_391, %dma_wait3A_392] : memref<80x128xi32, #tpu.memory_space<vmem>> -> memref<1x128xi32, #tpu.memory_space<vmem>>
      %dma_wait3A_394 = tpu.memref_squeeze %dma_wait3A_393 : memref<1x128xi32, #tpu.memory_space<vmem>> -> memref<128xi32, #tpu.memory_space<vmem>>
      %dma_wait3A_395 = arith.constant 0 : i32
      %dma_wait3A_396 = tpu.memref_slice %arg5[%dma_wait3A_395] : memref<10240xf32, #tpu.memory_space<vmem_shared>> -> memref<10240xf32, #tpu.memory_space<vmem_shared>>
      tpu.wait_indirect_dma semaphore(%arg11 : memref<!tpu.dma_semaphore, #tpu.memory_space<semaphore_mem>>) src(%arg8 : memref<128xf32, #tpu.memory_space<vmem>>) dst(%dma_wait3A_396 : memref<10240xf32, #tpu.memory_space<vmem_shared>>)
      %dma_wait3A_397 = arith.constant 0 : i32
      %dma_wait3A_398 = arith.constant 0 : i32
      %dma_wait3A_399 = tpu.memref_slice %arg9[%dma_wait3A_397, %dma_wait3A_398] : memref<80x128xi32, #tpu.memory_space<vmem>> -> memref<1x128xi32, #tpu.memory_space<vmem>>
      %dma_wait3A_400 = tpu.memref_squeeze %dma_wait3A_399 : memref<1x128xi32, #tpu.memory_space<vmem>> -> memref<128xi32, #tpu.memory_space<vmem>>
      %dma_wait3A_401 = arith.constant 0 : i32
      %dma_wait3A_402 = tpu.memref_slice %arg5[%dma_wait3A_401] : memref<10240xf32, #tpu.memory_space<vmem_shared>> -> memref<10240xf32, #tpu.memory_space<vmem_shared>>
      tpu.wait_indirect_dma semaphore(%arg11 : memref<!tpu.dma_semaphore, #tpu.memory_space<semaphore_mem>>) src(%arg8 : memref<128xf32, #tpu.memory_space<vmem>>) dst(%dma_wait3A_402 : memref<10240xf32, #tpu.memory_space<vmem_shared>>)
      %dma_wait3A_403 = arith.constant 0 : i32
      %dma_wait3A_404 = arith.constant 0 : i32
      %dma_wait3A_405 = tpu.memref_slice %arg9[%dma_wait3A_403, %dma_wait3A_404] : memref<80x128xi32, #tpu.memory_space<vmem>> -> memref<1x128xi32, #tpu.memory_space<vmem>>
      %dma_wait3A_406 = tpu.memref_squeeze %dma_wait3A_405 : memref<1x128xi32, #tpu.memory_space<vmem>> -> memref<128xi32, #tpu.memory_space<vmem>>
      %dma_wait3A_407 = arith.constant 0 : i32
      %dma_wait3A_408 = tpu.memref_slice %arg5[%dma_wait3A_407] : memref<10240xf32, #tpu.memory_space<vmem_shared>> -> memref<10240xf32, #tpu.memory_space<vmem_shared>>
      tpu.wait_indirect_dma semaphore(%arg11 : memref<!tpu.dma_semaphore, #tpu.memory_space<semaphore_mem>>) src(%arg8 : memref<128xf32, #tpu.memory_space<vmem>>) dst(%dma_wait3A_408 : memref<10240xf32, #tpu.memory_space<vmem_shared>>)
      %dma_wait3A_409 = arith.constant 0 : i32
      %dma_wait3A_410 = arith.constant 0 : i32
      %dma_wait3A_411 = tpu.memref_slice %arg9[%dma_wait3A_409, %dma_wait3A_410] : memref<80x128xi32, #tpu.memory_space<vmem>> -> memref<1x128xi32, #tpu.memory_space<vmem>>
      %dma_wait3A_412 = tpu.memref_squeeze %dma_wait3A_411 : memref<1x128xi32, #tpu.memory_space<vmem>> -> memref<128xi32, #tpu.memory_space<vmem>>
      %dma_wait3A_413 = arith.constant 0 : i32
      %dma_wait3A_414 = tpu.memref_slice %arg5[%dma_wait3A_413] : memref<10240xf32, #tpu.memory_space<vmem_shared>> -> memref<10240xf32, #tpu.memory_space<vmem_shared>>
      tpu.wait_indirect_dma semaphore(%arg11 : memref<!tpu.dma_semaphore, #tpu.memory_space<semaphore_mem>>) src(%arg8 : memref<128xf32, #tpu.memory_space<vmem>>) dst(%dma_wait3A_414 : memref<10240xf32, #tpu.memory_space<vmem_shared>>)
    }
    %scan3A_203 = arith.constant 10 : i32
    %barrier3A_204 = arith.constant 0 : index
    tpu.barrier barrier_id(%barrier3A_204)
    %mul3A_205 = arith.constant 640 : i32
    %mul3A_206 = arith.muli %mul3A_205, %arg1 : i32
    %run_scoped3A = arith.constant 0 : i32
    "tpu.region"() ({
      %run_scoped3A_208 = tpu.sem_alloc : memref<!tpu.dma_semaphore, #tpu.memory_space<semaphore_mem>>
      %dma_start3A = tpu.memref_slice %arg4[%arg0, %run_scoped3A, %mul3A_206] : memref<2x2x10240xf32, #tpu.memory_space<hbm>> -> memref<1x1x640xf32, #tpu.memory_space<hbm>>
      %dma_start3A_209 = tpu.memref_squeeze %dma_start3A : memref<1x1x640xf32, #tpu.memory_space<hbm>> -> memref<640xf32, #tpu.memory_space<hbm>>
      %dma_start3A_210 = tpu.memref_slice %arg5[%mul3A_206] : memref<10240xf32, #tpu.memory_space<vmem_shared>> -> memref<640xf32, #tpu.memory_space<vmem_shared>>
      tpu.enqueue_dma source(%dma_start3A_210 : memref<640xf32, #tpu.memory_space<vmem_shared>>) target(%dma_start3A_209 : memref<640xf32, #tpu.memory_space<hbm>>) target_semaphore(%run_scoped3A_208 : memref<!tpu.dma_semaphore, #tpu.memory_space<semaphore_mem>>)
      %dma_wait3A = tpu.memref_slice %arg4[%arg0, %run_scoped3A, %mul3A_206] : memref<2x2x10240xf32, #tpu.memory_space<hbm>> -> memref<1x1x640xf32, #tpu.memory_space<hbm>>
      %dma_wait3A_211 = tpu.memref_squeeze %dma_wait3A : memref<1x1x640xf32, #tpu.memory_space<hbm>> -> memref<640xf32, #tpu.memory_space<hbm>>
      %dma_wait3A_212 = tpu.memref_slice %arg5[%mul3A_206] : memref<10240xf32, #tpu.memory_space<vmem_shared>> -> memref<640xf32, #tpu.memory_space<vmem_shared>>
      tpu.wait_dma2 semaphore(%run_scoped3A_208 : memref<!tpu.dma_semaphore, #tpu.memory_space<semaphore_mem>>) src(%dma_wait3A_212 : memref<640xf32, #tpu.memory_space<vmem_shared>>) dst(%dma_wait3A_211 : memref<640xf32, #tpu.memory_space<hbm>>)
      tpu.yield
    }) : () -> ()
    %run_scoped3A_207 = arith.constant 1 : i32
    "tpu.region"() ({
      %run_scoped3A_208 = tpu.sem_alloc : memref<!tpu.dma_semaphore, #tpu.memory_space<semaphore_mem>>
      %dma_start3A = tpu.memref_slice %arg4[%arg0, %run_scoped3A_207, %mul3A_206] : memref<2x2x10240xf32, #tpu.memory_space<hbm>> -> memref<1x1x640xf32, #tpu.memory_space<hbm>>
      %dma_start3A_209 = tpu.memref_squeeze %dma_start3A : memref<1x1x640xf32, #tpu.memory_space<hbm>> -> memref<640xf32, #tpu.memory_space<hbm>>
      %dma_start3A_210 = tpu.memref_slice %arg6[%mul3A_206] : memref<10240xf32, #tpu.memory_space<vmem_shared>> -> memref<640xf32, #tpu.memory_space<vmem_shared>>
      tpu.enqueue_dma source(%dma_start3A_210 : memref<640xf32, #tpu.memory_space<vmem_shared>>) target(%dma_start3A_209 : memref<640xf32, #tpu.memory_space<hbm>>) target_semaphore(%run_scoped3A_208 : memref<!tpu.dma_semaphore, #tpu.memory_space<semaphore_mem>>)
      %dma_wait3A = tpu.memref_slice %arg4[%arg0, %run_scoped3A_207, %mul3A_206] : memref<2x2x10240xf32, #tpu.memory_space<hbm>> -> memref<1x1x640xf32, #tpu.memory_space<hbm>>
      %dma_wait3A_211 = tpu.memref_squeeze %dma_wait3A : memref<1x1x640xf32, #tpu.memory_space<hbm>> -> memref<640xf32, #tpu.memory_space<hbm>>
      %dma_wait3A_212 = tpu.memref_slice %arg6[%mul3A_206] : memref<10240xf32, #tpu.memory_space<vmem_shared>> -> memref<640xf32, #tpu.memory_space<vmem_shared>>
      tpu.wait_dma2 semaphore(%run_scoped3A_208 : memref<!tpu.dma_semaphore, #tpu.memory_space<semaphore_mem>>) src(%dma_wait3A_212 : memref<640xf32, #tpu.memory_space<vmem_shared>>) dst(%dma_wait3A_211 : memref<640xf32, #tpu.memory_space<hbm>>)
      tpu.yield
    }) : () -> ()
    return
  }
}

#map = affine_map<(d0, d1) -> (0, 0)>
#map1 = affine_map<(d0, d1) -> (0, 0, 0)>
module attributes {stable_mosaic.version = 14 : i64} {
  func.func @_sc_msg_body(%arg0: i32, %arg1: i32, %arg2: memref<10112x128xf32, #tpu.memory_space<hbm>>, %arg3: memref<32x80x128xi32, #tpu.memory_space<hbm>>, %arg4: memref<32x80x128xi32, #tpu.memory_space<hbm>>, %arg5: memref<2x10240x128xf32, #tpu.memory_space<hbm>>, %arg6: memref<10240x128xf32, #tpu.memory_space<vmem_shared>>, %arg7: memref<80x128xi32, #tpu.memory_space<vmem>>, %arg8: memref<80x128xi32, #tpu.memory_space<vmem>>, %arg9: memref<128x128xf32, #tpu.memory_space<vmem>>, %arg10: memref<!tpu.dma_semaphore, #tpu.memory_space<semaphore_mem>>) attributes {dimension_semantics = [#tpu.dimension_semantics<core_parallel>, #tpu.dimension_semantics<subcore_parallel>], iteration_bounds = array<i64: 2, 16>, scalar_prefetch = 0 : i64, scratch_operands = 5 : i64, tpu.core_type = #tpu.core_type<sc_vector_subcore>, window_params = [{transform_indices = #map}, {transform_indices = #map1}, {transform_indices = #map1}, {transform_indices = #map1}]} {
    %mul3A = arith.constant 16 : i32
    %mul3A_0 = arith.muli %arg0, %mul3A : i32
    %add3A = arith.addi %mul3A_0, %arg1 : i32
    %broadcast_in_dim3A = arith.constant 0.000000e+00 : f32
    %broadcast_in_dim3A_1 = vector.broadcast %broadcast_in_dim3A : f32 to vector<16xf32>
    %scan3A = arith.constant 0 : i32
    %scan3A_2 = arith.constant 0 : i32
    %scan3A_3 = arith.constant 128 : i32
    %scan3A_4 = arith.addi %scan3A_2, %scan3A_3 : i32
    %scan3A_5 = arith.constant 1 : i32
    scf.for %scan3A_42 = %scan3A_2 to %scan3A_4 step %scan3A_5  : i32 {
      %swap3A = arith.index_cast %scan3A_42 : i32 to index
      %swap3A_43 = arith.constant 0 : index
      %swap3A_44 = tpu.vector_load %arg9[%swap3A, %swap3A_43] {strides = array<i32>} : memref<128x128xf32, #tpu.memory_space<vmem>>, vector<1x16xf32>,
      %swap3A_45 = vector.shape_cast %swap3A_44 : vector<1x16xf32> to vector<16xf32>
      %swap3A_46 = vector.shape_cast %broadcast_in_dim3A_1 : vector<16xf32> to vector<1x16xf32>
      tpu.vector_store %arg9[%swap3A, %swap3A_43], %swap3A_46 {strides = array<i32>} : memref<128x128xf32, #tpu.memory_space<vmem>>, vector<1x16xf32>,
      %swap3A_47 = arith.index_cast %scan3A_42 : i32 to index
      %swap3A_48 = arith.constant 16 : index
      %swap3A_49 = tpu.vector_load %arg9[%swap3A_47, %swap3A_48] {strides = array<i32>} : memref<128x128xf32, #tpu.memory_space<vmem>>, vector<1x16xf32>,
      %swap3A_50 = vector.shape_cast %swap3A_49 : vector<1x16xf32> to vector<16xf32>
      %swap3A_51 = vector.shape_cast %broadcast_in_dim3A_1 : vector<16xf32> to vector<1x16xf32>
      tpu.vector_store %arg9[%swap3A_47, %swap3A_48], %swap3A_51 {strides = array<i32>} : memref<128x128xf32, #tpu.memory_space<vmem>>, vector<1x16xf32>,
      %swap3A_52 = arith.index_cast %scan3A_42 : i32 to index
      %swap3A_53 = arith.constant 32 : index
      %swap3A_54 = tpu.vector_load %arg9[%swap3A_52, %swap3A_53] {strides = array<i32>} : memref<128x128xf32, #tpu.memory_space<vmem>>, vector<1x16xf32>,
      %swap3A_55 = vector.shape_cast %swap3A_54 : vector<1x16xf32> to vector<16xf32>
      %swap3A_56 = vector.shape_cast %broadcast_in_dim3A_1 : vector<16xf32> to vector<1x16xf32>
      tpu.vector_store %arg9[%swap3A_52, %swap3A_53], %swap3A_56 {strides = array<i32>} : memref<128x128xf32, #tpu.memory_space<vmem>>, vector<1x16xf32>,
      %swap3A_57 = arith.index_cast %scan3A_42 : i32 to index
      %swap3A_58 = arith.constant 48 : index
      %swap3A_59 = tpu.vector_load %arg9[%swap3A_57, %swap3A_58] {strides = array<i32>} : memref<128x128xf32, #tpu.memory_space<vmem>>, vector<1x16xf32>,
      %swap3A_60 = vector.shape_cast %swap3A_59 : vector<1x16xf32> to vector<16xf32>
      %swap3A_61 = vector.shape_cast %broadcast_in_dim3A_1 : vector<16xf32> to vector<1x16xf32>
      tpu.vector_store %arg9[%swap3A_57, %swap3A_58], %swap3A_61 {strides = array<i32>} : memref<128x128xf32, #tpu.memory_space<vmem>>, vector<1x16xf32>,
      %swap3A_62 = arith.index_cast %scan3A_42 : i32 to index
      %swap3A_63 = arith.constant 64 : index
      %swap3A_64 = tpu.vector_load %arg9[%swap3A_62, %swap3A_63] {strides = array<i32>} : memref<128x128xf32, #tpu.memory_space<vmem>>, vector<1x16xf32>,
      %swap3A_65 = vector.shape_cast %swap3A_64 : vector<1x16xf32> to vector<16xf32>
      %swap3A_66 = vector.shape_cast %broadcast_in_dim3A_1 : vector<16xf32> to vector<1x16xf32>
      tpu.vector_store %arg9[%swap3A_62, %swap3A_63], %swap3A_66 {strides = array<i32>} : memref<128x128xf32, #tpu.memory_space<vmem>>, vector<1x16xf32>,
      %swap3A_67 = arith.index_cast %scan3A_42 : i32 to index
      %swap3A_68 = arith.constant 80 : index
      %swap3A_69 = tpu.vector_load %arg9[%swap3A_67, %swap3A_68] {strides = array<i32>} : memref<128x128xf32, #tpu.memory_space<vmem>>, vector<1x16xf32>,
      %swap3A_70 = vector.shape_cast %swap3A_69 : vector<1x16xf32> to vector<16xf32>
      %swap3A_71 = vector.shape_cast %broadcast_in_dim3A_1 : vector<16xf32> to vector<1x16xf32>
      tpu.vector_store %arg9[%swap3A_67, %swap3A_68], %swap3A_71 {strides = array<i32>} : memref<128x128xf32, #tpu.memory_space<vmem>>, vector<1x16xf32>,
      %swap3A_72 = arith.index_cast %scan3A_42 : i32 to index
      %swap3A_73 = arith.constant 96 : index
      %swap3A_74 = tpu.vector_load %arg9[%swap3A_72, %swap3A_73] {strides = array<i32>} : memref<128x128xf32, #tpu.memory_space<vmem>>, vector<1x16xf32>,
      %swap3A_75 = vector.shape_cast %swap3A_74 : vector<1x16xf32> to vector<16xf32>
      %swap3A_76 = vector.shape_cast %broadcast_in_dim3A_1 : vector<16xf32> to vector<1x16xf32>
      tpu.vector_store %arg9[%swap3A_72, %swap3A_73], %swap3A_76 {strides = array<i32>} : memref<128x128xf32, #tpu.memory_space<vmem>>, vector<1x16xf32>,
      %swap3A_77 = arith.index_cast %scan3A_42 : i32 to index
      %swap3A_78 = arith.constant 112 : index
      %swap3A_79 = tpu.vector_load %arg9[%swap3A_77, %swap3A_78] {strides = array<i32>} : memref<128x128xf32, #tpu.memory_space<vmem>>, vector<1x16xf32>,
      %swap3A_80 = vector.shape_cast %swap3A_79 : vector<1x16xf32> to vector<16xf32>
      %swap3A_81 = vector.shape_cast %broadcast_in_dim3A_1 : vector<16xf32> to vector<1x16xf32>
      tpu.vector_store %arg9[%swap3A_77, %swap3A_78], %swap3A_81 {strides = array<i32>} : memref<128x128xf32, #tpu.memory_space<vmem>>, vector<1x16xf32>,
    }
    %scan3A_6 = arith.constant 128 : i32
    %mul3A_7 = arith.constant 640 : i32
    %mul3A_8 = arith.muli %mul3A_7, %arg1 : i32
    %add3A_9 = arith.constant 0 : i32
    %add3A_10 = arith.addi %mul3A_8, %add3A_9 : i32
    "tpu.region"() ({
      %run_scoped3A = tpu.sem_alloc : memref<!tpu.dma_semaphore, #tpu.memory_space<semaphore_mem>>
      %dma_start3A = arith.constant 0 : i32
      %dma_start3A_42 = tpu.memref_slice %arg6[%add3A_10, %dma_start3A] : memref<10240x128xf32, #tpu.memory_space<vmem_shared>> -> memref<128x128xf32, #tpu.memory_space<vmem_shared>>
      %dma_start3A_43 = arith.constant 0 : i32
      %dma_start3A_44 = tpu.memref_slice %arg6[%add3A_10, %dma_start3A_43] : memref<10240x128xf32, #tpu.memory_space<vmem_shared>> -> memref<128x128xf32, #tpu.memory_space<vmem_shared>>
      tpu.enqueue_dma source(%arg9 : memref<128x128xf32, #tpu.memory_space<vmem>>) target(%dma_start3A_44 : memref<128x128xf32, #tpu.memory_space<vmem_shared>>) target_semaphore(%run_scoped3A : memref<!tpu.dma_semaphore, #tpu.memory_space<semaphore_mem>>)
      %dma_wait3A = arith.constant 0 : i32
      %dma_wait3A_45 = tpu.memref_slice %arg6[%add3A_10, %dma_wait3A] : memref<10240x128xf32, #tpu.memory_space<vmem_shared>> -> memref<128x128xf32, #tpu.memory_space<vmem_shared>>
      %dma_wait3A_46 = arith.constant 0 : i32
      %dma_wait3A_47 = tpu.memref_slice %arg6[%add3A_10, %dma_wait3A_46] : memref<10240x128xf32, #tpu.memory_space<vmem_shared>> -> memref<128x128xf32, #tpu.memory_space<vmem_shared>>
      tpu.wait_dma2 semaphore(%run_scoped3A : memref<!tpu.dma_semaphore, #tpu.memory_space<semaphore_mem>>) src(%arg9 : memref<128x128xf32, #tpu.memory_space<vmem>>) dst(%dma_wait3A_47 : memref<128x128xf32, #tpu.memory_space<vmem_shared>>)
      tpu.yield
    }) : () -> ()
    %mul3A_11 = arith.constant 640 : i32
    %mul3A_12 = arith.muli %mul3A_11, %arg1 : i32
    %add3A_13 = arith.constant 128 : i32
    %add3A_14 = arith.addi %mul3A_12, %add3A_13 : i32
    "tpu.region"() ({
      %run_scoped3A = tpu.sem_alloc : memref<!tpu.dma_semaphore, #tpu.memory_space<semaphore_mem>>
      %dma_start3A = arith.constant 0 : i32
      %dma_start3A_42 = tpu.memref_slice %arg6[%add3A_14, %dma_start3A] : memref<10240x128xf32, #tpu.memory_space<vmem_shared>> -> memref<128x128xf32, #tpu.memory_space<vmem_shared>>
      %dma_start3A_43 = arith.constant 0 : i32
      %dma_start3A_44 = tpu.memref_slice %arg6[%add3A_14, %dma_start3A_43] : memref<10240x128xf32, #tpu.memory_space<vmem_shared>> -> memref<128x128xf32, #tpu.memory_space<vmem_shared>>
      tpu.enqueue_dma source(%arg9 : memref<128x128xf32, #tpu.memory_space<vmem>>) target(%dma_start3A_44 : memref<128x128xf32, #tpu.memory_space<vmem_shared>>) target_semaphore(%run_scoped3A : memref<!tpu.dma_semaphore, #tpu.memory_space<semaphore_mem>>)
      %dma_wait3A = arith.constant 0 : i32
      %dma_wait3A_45 = tpu.memref_slice %arg6[%add3A_14, %dma_wait3A] : memref<10240x128xf32, #tpu.memory_space<vmem_shared>> -> memref<128x128xf32, #tpu.memory_space<vmem_shared>>
      %dma_wait3A_46 = arith.constant 0 : i32
      %dma_wait3A_47 = tpu.memref_slice %arg6[%add3A_14, %dma_wait3A_46] : memref<10240x128xf32, #tpu.memory_space<vmem_shared>> -> memref<128x128xf32, #tpu.memory_space<vmem_shared>>
      tpu.wait_dma2 semaphore(%run_scoped3A : memref<!tpu.dma_semaphore, #tpu.memory_space<semaphore_mem>>) src(%arg9 : memref<128x128xf32, #tpu.memory_space<vmem>>) dst(%dma_wait3A_47 : memref<128x128xf32, #tpu.memory_space<vmem_shared>>)
      tpu.yield
    }) : () -> ()
    %mul3A_15 = arith.constant 640 : i32
    %mul3A_16 = arith.muli %mul3A_15, %arg1 : i32
    %add3A_17 = arith.constant 256 : i32
    %add3A_18 = arith.addi %mul3A_16, %add3A_17 : i32
    "tpu.region"() ({
      %run_scoped3A = tpu.sem_alloc : memref<!tpu.dma_semaphore, #tpu.memory_space<semaphore_mem>>
      %dma_start3A = arith.constant 0 : i32
      %dma_start3A_42 = tpu.memref_slice %arg6[%add3A_18, %dma_start3A] : memref<10240x128xf32, #tpu.memory_space<vmem_shared>> -> memref<128x128xf32, #tpu.memory_space<vmem_shared>>
      %dma_start3A_43 = arith.constant 0 : i32
      %dma_start3A_44 = tpu.memref_slice %arg6[%add3A_18, %dma_start3A_43] : memref<10240x128xf32, #tpu.memory_space<vmem_shared>> -> memref<128x128xf32, #tpu.memory_space<vmem_shared>>
      tpu.enqueue_dma source(%arg9 : memref<128x128xf32, #tpu.memory_space<vmem>>) target(%dma_start3A_44 : memref<128x128xf32, #tpu.memory_space<vmem_shared>>) target_semaphore(%run_scoped3A : memref<!tpu.dma_semaphore, #tpu.memory_space<semaphore_mem>>)
      %dma_wait3A = arith.constant 0 : i32
      %dma_wait3A_45 = tpu.memref_slice %arg6[%add3A_18, %dma_wait3A] : memref<10240x128xf32, #tpu.memory_space<vmem_shared>> -> memref<128x128xf32, #tpu.memory_space<vmem_shared>>
      %dma_wait3A_46 = arith.constant 0 : i32
      %dma_wait3A_47 = tpu.memref_slice %arg6[%add3A_18, %dma_wait3A_46] : memref<10240x128xf32, #tpu.memory_space<vmem_shared>> -> memref<128x128xf32, #tpu.memory_space<vmem_shared>>
      tpu.wait_dma2 semaphore(%run_scoped3A : memref<!tpu.dma_semaphore, #tpu.memory_space<semaphore_mem>>) src(%arg9 : memref<128x128xf32, #tpu.memory_space<vmem>>) dst(%dma_wait3A_47 : memref<128x128xf32, #tpu.memory_space<vmem_shared>>)
      tpu.yield
    }) : () -> ()
    %mul3A_19 = arith.constant 640 : i32
    %mul3A_20 = arith.muli %mul3A_19, %arg1 : i32
    %add3A_21 = arith.constant 384 : i32
    %add3A_22 = arith.addi %mul3A_20, %add3A_21 : i32
    "tpu.region"() ({
      %run_scoped3A = tpu.sem_alloc : memref<!tpu.dma_semaphore, #tpu.memory_space<semaphore_mem>>
      %dma_start3A = arith.constant 0 : i32
      %dma_start3A_42 = tpu.memref_slice %arg6[%add3A_22, %dma_start3A] : memref<10240x128xf32, #tpu.memory_space<vmem_shared>> -> memref<128x128xf32, #tpu.memory_space<vmem_shared>>
      %dma_start3A_43 = arith.constant 0 : i32
      %dma_start3A_44 = tpu.memref_slice %arg6[%add3A_22, %dma_start3A_43] : memref<10240x128xf32, #tpu.memory_space<vmem_shared>> -> memref<128x128xf32, #tpu.memory_space<vmem_shared>>
      tpu.enqueue_dma source(%arg9 : memref<128x128xf32, #tpu.memory_space<vmem>>) target(%dma_start3A_44 : memref<128x128xf32, #tpu.memory_space<vmem_shared>>) target_semaphore(%run_scoped3A : memref<!tpu.dma_semaphore, #tpu.memory_space<semaphore_mem>>)
      %dma_wait3A = arith.constant 0 : i32
      %dma_wait3A_45 = tpu.memref_slice %arg6[%add3A_22, %dma_wait3A] : memref<10240x128xf32, #tpu.memory_space<vmem_shared>> -> memref<128x128xf32, #tpu.memory_space<vmem_shared>>
      %dma_wait3A_46 = arith.constant 0 : i32
      %dma_wait3A_47 = tpu.memref_slice %arg6[%add3A_22, %dma_wait3A_46] : memref<10240x128xf32, #tpu.memory_space<vmem_shared>> -> memref<128x128xf32, #tpu.memory_space<vmem_shared>>
      tpu.wait_dma2 semaphore(%run_scoped3A : memref<!tpu.dma_semaphore, #tpu.memory_space<semaphore_mem>>) src(%arg9 : memref<128x128xf32, #tpu.memory_space<vmem>>) dst(%dma_wait3A_47 : memref<128x128xf32, #tpu.memory_space<vmem_shared>>)
      tpu.yield
    }) : () -> ()
    %mul3A_23 = arith.constant 640 : i32
    %mul3A_24 = arith.muli %mul3A_23, %arg1 : i32
    %add3A_25 = arith.constant 512 : i32
    %add3A_26 = arith.addi %mul3A_24, %add3A_25 : i32
    "tpu.region"() ({
      %run_scoped3A = tpu.sem_alloc : memref<!tpu.dma_semaphore, #tpu.memory_space<semaphore_mem>>
      %dma_start3A = arith.constant 0 : i32
      %dma_start3A_42 = tpu.memref_slice %arg6[%add3A_26, %dma_start3A] : memref<10240x128xf32, #tpu.memory_space<vmem_shared>> -> memref<128x128xf32, #tpu.memory_space<vmem_shared>>
      %dma_start3A_43 = arith.constant 0 : i32
      %dma_start3A_44 = tpu.memref_slice %arg6[%add3A_26, %dma_start3A_43] : memref<10240x128xf32, #tpu.memory_space<vmem_shared>> -> memref<128x128xf32, #tpu.memory_space<vmem_shared>>
      tpu.enqueue_dma source(%arg9 : memref<128x128xf32, #tpu.memory_space<vmem>>) target(%dma_start3A_44 : memref<128x128xf32, #tpu.memory_space<vmem_shared>>) target_semaphore(%run_scoped3A : memref<!tpu.dma_semaphore, #tpu.memory_space<semaphore_mem>>)
      %dma_wait3A = arith.constant 0 : i32
      %dma_wait3A_45 = tpu.memref_slice %arg6[%add3A_26, %dma_wait3A] : memref<10240x128xf32, #tpu.memory_space<vmem_shared>> -> memref<128x128xf32, #tpu.memory_space<vmem_shared>>
      %dma_wait3A_46 = arith.constant 0 : i32
      %dma_wait3A_47 = tpu.memref_slice %arg6[%add3A_26, %dma_wait3A_46] : memref<10240x128xf32, #tpu.memory_space<vmem_shared>> -> memref<128x128xf32, #tpu.memory_space<vmem_shared>>
      tpu.wait_dma2 semaphore(%run_scoped3A : memref<!tpu.dma_semaphore, #tpu.memory_space<semaphore_mem>>) src(%arg9 : memref<128x128xf32, #tpu.memory_space<vmem>>) dst(%dma_wait3A_47 : memref<128x128xf32, #tpu.memory_space<vmem_shared>>)
      tpu.yield
    }) : () -> ()
    %barrier3A = arith.constant 0 : index
    tpu.barrier barrier_id(%barrier3A)
    "tpu.region"() ({
      %run_scoped3A = tpu.sem_alloc : memref<!tpu.dma_semaphore, #tpu.memory_space<semaphore_mem>>
      %dma_start3A = arith.constant 0 : i32
      %dma_start3A_42 = arith.constant 0 : i32
      %dma_start3A_43 = tpu.memref_slice %arg3[%add3A, %dma_start3A, %dma_start3A_42] : memref<32x80x128xi32, #tpu.memory_space<hbm>> -> memref<1x80x128xi32, #tpu.memory_space<hbm>>
      %dma_start3A_44 = tpu.memref_squeeze %dma_start3A_43 : memref<1x80x128xi32, #tpu.memory_space<hbm>> -> memref<80x128xi32, #tpu.memory_space<hbm>>
      %dma_start3A_45 = arith.constant 0 : i32
      %dma_start3A_46 = arith.constant 0 : i32
      %dma_start3A_47 = tpu.memref_slice %arg3[%add3A, %dma_start3A_45, %dma_start3A_46] : memref<32x80x128xi32, #tpu.memory_space<hbm>> -> memref<1x80x128xi32, #tpu.memory_space<hbm>>
      %dma_start3A_48 = tpu.memref_squeeze %dma_start3A_47 : memref<1x80x128xi32, #tpu.memory_space<hbm>> -> memref<80x128xi32, #tpu.memory_space<hbm>>
      tpu.enqueue_dma source(%dma_start3A_48 : memref<80x128xi32, #tpu.memory_space<hbm>>) target(%arg7 : memref<80x128xi32, #tpu.memory_space<vmem>>) target_semaphore(%run_scoped3A : memref<!tpu.dma_semaphore, #tpu.memory_space<semaphore_mem>>)
      %dma_wait3A = arith.constant 0 : i32
      %dma_wait3A_49 = arith.constant 0 : i32
      %dma_wait3A_50 = tpu.memref_slice %arg3[%add3A, %dma_wait3A, %dma_wait3A_49] : memref<32x80x128xi32, #tpu.memory_space<hbm>> -> memref<1x80x128xi32, #tpu.memory_space<hbm>>
      %dma_wait3A_51 = tpu.memref_squeeze %dma_wait3A_50 : memref<1x80x128xi32, #tpu.memory_space<hbm>> -> memref<80x128xi32, #tpu.memory_space<hbm>>
      %dma_wait3A_52 = arith.constant 0 : i32
      %dma_wait3A_53 = arith.constant 0 : i32
      %dma_wait3A_54 = tpu.memref_slice %arg3[%add3A, %dma_wait3A_52, %dma_wait3A_53] : memref<32x80x128xi32, #tpu.memory_space<hbm>> -> memref<1x80x128xi32, #tpu.memory_space<hbm>>
      %dma_wait3A_55 = tpu.memref_squeeze %dma_wait3A_54 : memref<1x80x128xi32, #tpu.memory_space<hbm>> -> memref<80x128xi32, #tpu.memory_space<hbm>>
      tpu.wait_dma2 semaphore(%run_scoped3A : memref<!tpu.dma_semaphore, #tpu.memory_space<semaphore_mem>>) src(%dma_wait3A_55 : memref<80x128xi32, #tpu.memory_space<hbm>>) dst(%arg7 : memref<80x128xi32, #tpu.memory_space<vmem>>)
      tpu.yield
    }) : () -> ()
    "tpu.region"() ({
      %run_scoped3A = tpu.sem_alloc : memref<!tpu.dma_semaphore, #tpu.memory_space<semaphore_mem>>
      %dma_start3A = arith.constant 0 : i32
      %dma_start3A_42 = arith.constant 0 : i32
      %dma_start3A_43 = tpu.memref_slice %arg4[%add3A, %dma_start3A, %dma_start3A_42] : memref<32x80x128xi32, #tpu.memory_space<hbm>> -> memref<1x80x128xi32, #tpu.memory_space<hbm>>
      %dma_start3A_44 = tpu.memref_squeeze %dma_start3A_43 : memref<1x80x128xi32, #tpu.memory_space<hbm>> -> memref<80x128xi32, #tpu.memory_space<hbm>>
      %dma_start3A_45 = arith.constant 0 : i32
      %dma_start3A_46 = arith.constant 0 : i32
      %dma_start3A_47 = tpu.memref_slice %arg4[%add3A, %dma_start3A_45, %dma_start3A_46] : memref<32x80x128xi32, #tpu.memory_space<hbm>> -> memref<1x80x128xi32, #tpu.memory_space<hbm>>
      %dma_start3A_48 = tpu.memref_squeeze %dma_start3A_47 : memref<1x80x128xi32, #tpu.memory_space<hbm>> -> memref<80x128xi32, #tpu.memory_space<hbm>>
      tpu.enqueue_dma source(%dma_start3A_48 : memref<80x128xi32, #tpu.memory_space<hbm>>) target(%arg8 : memref<80x128xi32, #tpu.memory_space<vmem>>) target_semaphore(%run_scoped3A : memref<!tpu.dma_semaphore, #tpu.memory_space<semaphore_mem>>)
      %dma_wait3A = arith.constant 0 : i32
      %dma_wait3A_49 = arith.constant 0 : i32
      %dma_wait3A_50 = tpu.memref_slice %arg4[%add3A, %dma_wait3A, %dma_wait3A_49] : memref<32x80x128xi32, #tpu.memory_space<hbm>> -> memref<1x80x128xi32, #tpu.memory_space<hbm>>
      %dma_wait3A_51 = tpu.memref_squeeze %dma_wait3A_50 : memref<1x80x128xi32, #tpu.memory_space<hbm>> -> memref<80x128xi32, #tpu.memory_space<hbm>>
      %dma_wait3A_52 = arith.constant 0 : i32
      %dma_wait3A_53 = arith.constant 0 : i32
      %dma_wait3A_54 = tpu.memref_slice %arg4[%add3A, %dma_wait3A_52, %dma_wait3A_53] : memref<32x80x128xi32, #tpu.memory_space<hbm>> -> memref<1x80x128xi32, #tpu.memory_space<hbm>>
      %dma_wait3A_55 = tpu.memref_squeeze %dma_wait3A_54 : memref<1x80x128xi32, #tpu.memory_space<hbm>> -> memref<80x128xi32, #tpu.memory_space<hbm>>
      tpu.wait_dma2 semaphore(%run_scoped3A : memref<!tpu.dma_semaphore, #tpu.memory_space<semaphore_mem>>) src(%dma_wait3A_55 : memref<80x128xi32, #tpu.memory_space<hbm>>) dst(%arg8 : memref<80x128xi32, #tpu.memory_space<vmem>>)
      tpu.yield
    }) : () -> ()
    %scan3A_27 = arith.constant 0 : i32
    %scan3A_28 = arith.constant 0 : i32
    %scan3A_29 = arith.constant 80 : i32
    %scan3A_30 = arith.addi %scan3A_28, %scan3A_29 : i32
    %scan3A_31 = arith.constant 1 : i32
    scf.for %scan3A_42 = %scan3A_28 to %scan3A_30 step %scan3A_31  : i32 {
      "tpu.region"() ({
        %run_scoped3A = tpu.sem_alloc : memref<!tpu.dma_semaphore, #tpu.memory_space<semaphore_mem>>
        %dma_start3A_48 = arith.constant 0 : i32
        %dma_start3A_49 = tpu.memref_slice %arg7[%scan3A_42, %dma_start3A_48] : memref<80x128xi32, #tpu.memory_space<vmem>> -> memref<1x128xi32, #tpu.memory_space<vmem>>
        %dma_start3A_50 = tpu.memref_squeeze %dma_start3A_49 : memref<1x128xi32, #tpu.memory_space<vmem>> -> memref<128xi32, #tpu.memory_space<vmem>>
        %dma_start3A_51 = arith.constant 0 : i32
        %dma_start3A_52 = arith.constant 0 : i32
        %dma_start3A_53 = tpu.memref_slice %arg2[%dma_start3A_51, %dma_start3A_52] : memref<10112x128xf32, #tpu.memory_space<hbm>> -> memref<10112x128xf32, #tpu.memory_space<hbm>>
        tpu.enqueue_indirect_dma source(%dma_start3A_53 : memref<10112x128xf32, #tpu.memory_space<hbm>>) target(%arg9 : memref<128x128xf32, #tpu.memory_space<vmem>>) offsets(%dma_start3A_50 : memref<128xi32, #tpu.memory_space<vmem>>) semaphore(%run_scoped3A : memref<!tpu.dma_semaphore, #tpu.memory_space<semaphore_mem>>)
        %dma_wait3A = arith.constant 0 : i32
        %dma_wait3A_54 = tpu.memref_slice %arg7[%scan3A_42, %dma_wait3A] : memref<80x128xi32, #tpu.memory_space<vmem>> -> memref<1x128xi32, #tpu.memory_space<vmem>>
        %dma_wait3A_55 = tpu.memref_squeeze %dma_wait3A_54 : memref<1x128xi32, #tpu.memory_space<vmem>> -> memref<128xi32, #tpu.memory_space<vmem>>
        %dma_wait3A_56 = arith.constant 0 : i32
        %dma_wait3A_57 = arith.constant 0 : i32
        %dma_wait3A_58 = tpu.memref_slice %arg2[%dma_wait3A_56, %dma_wait3A_57] : memref<10112x128xf32, #tpu.memory_space<hbm>> -> memref<10112x128xf32, #tpu.memory_space<hbm>>
        tpu.wait_indirect_dma semaphore(%run_scoped3A : memref<!tpu.dma_semaphore, #tpu.memory_space<semaphore_mem>>) src(%dma_wait3A_58 : memref<10112x128xf32, #tpu.memory_space<hbm>>) dst(%arg9 : memref<128x128xf32, #tpu.memory_space<vmem>>)
        tpu.yield
      }) : () -> ()
      %dma_start3A = arith.constant 0 : i32
      %dma_start3A_43 = tpu.memref_slice %arg8[%scan3A_42, %dma_start3A] : memref<80x128xi32, #tpu.memory_space<vmem>> -> memref<1x128xi32, #tpu.memory_space<vmem>>
      %dma_start3A_44 = tpu.memref_squeeze %dma_start3A_43 : memref<1x128xi32, #tpu.memory_space<vmem>> -> memref<128xi32, #tpu.memory_space<vmem>>
      %dma_start3A_45 = arith.constant 0 : i32
      %dma_start3A_46 = arith.constant 0 : i32
      %dma_start3A_47 = tpu.memref_slice %arg6[%dma_start3A_45, %dma_start3A_46] : memref<10240x128xf32, #tpu.memory_space<vmem_shared>> -> memref<10240x128xf32, #tpu.memory_space<vmem_shared>>
      tpu.enqueue_indirect_dma source(%arg9 : memref<128x128xf32, #tpu.memory_space<vmem>>) target(%dma_start3A_47 : memref<10240x128xf32, #tpu.memory_space<vmem_shared>>) offsets(%dma_start3A_44 : memref<128xi32, #tpu.memory_space<vmem>>) semaphore(%arg10 : memref<!tpu.dma_semaphore, #tpu.memory_space<semaphore_mem>>) {add = true}
    }
    %scan3A_32 = arith.constant 80 : i32
    %scan3A_33 = arith.constant 0 : i32
    %scan3A_34 = arith.constant 0 : i32
    %scan3A_35 = arith.constant 80 : i32
    %scan3A_36 = arith.addi %scan3A_34, %scan3A_35 : i32
    %scan3A_37 = arith.constant 1 : i32
    scf.for %scan3A_42 = %scan3A_34 to %scan3A_36 step %scan3A_37  : i32 {
      %dma_wait3A = arith.constant 0 : i32
      %dma_wait3A_43 = arith.constant 0 : i32
      %dma_wait3A_44 = tpu.memref_slice %arg8[%dma_wait3A, %dma_wait3A_43] : memref<80x128xi32, #tpu.memory_space<vmem>> -> memref<1x128xi32, #tpu.memory_space<vmem>>
      %dma_wait3A_45 = tpu.memref_squeeze %dma_wait3A_44 : memref<1x128xi32, #tpu.memory_space<vmem>> -> memref<128xi32, #tpu.memory_space<vmem>>
      %dma_wait3A_46 = arith.constant 0 : i32
      %dma_wait3A_47 = arith.constant 0 : i32
      %dma_wait3A_48 = tpu.memref_slice %arg6[%dma_wait3A_46, %dma_wait3A_47] : memref<10240x128xf32, #tpu.memory_space<vmem_shared>> -> memref<10240x128xf32, #tpu.memory_space<vmem_shared>>
      tpu.wait_indirect_dma semaphore(%arg10 : memref<!tpu.dma_semaphore, #tpu.memory_space<semaphore_mem>>) src(%arg9 : memref<128x128xf32, #tpu.memory_space<vmem>>) dst(%dma_wait3A_48 : memref<10240x128xf32, #tpu.memory_space<vmem_shared>>)
    }
    %scan3A_38 = arith.constant 80 : i32
    %barrier3A_39 = arith.constant 0 : index
    tpu.barrier barrier_id(%barrier3A_39)
    %mul3A_40 = arith.constant 640 : i32
    %mul3A_41 = arith.muli %mul3A_40, %arg1 : i32
    "tpu.region"() ({
      %run_scoped3A = tpu.sem_alloc : memref<!tpu.dma_semaphore, #tpu.memory_space<semaphore_mem>>
      %dma_start3A = arith.constant 0 : i32
      %dma_start3A_42 = tpu.memref_slice %arg5[%arg0, %mul3A_41, %dma_start3A] : memref<2x10240x128xf32, #tpu.memory_space<hbm>> -> memref<1x640x128xf32, #tpu.memory_space<hbm>>
      %dma_start3A_43 = tpu.memref_squeeze %dma_start3A_42 : memref<1x640x128xf32, #tpu.memory_space<hbm>> -> memref<640x128xf32, #tpu.memory_space<hbm>>
      %dma_start3A_44 = arith.constant 0 : i32
      %dma_start3A_45 = tpu.memref_slice %arg6[%mul3A_41, %dma_start3A_44] : memref<10240x128xf32, #tpu.memory_space<vmem_shared>> -> memref<640x128xf32, #tpu.memory_space<vmem_shared>>
      tpu.enqueue_dma source(%dma_start3A_45 : memref<640x128xf32, #tpu.memory_space<vmem_shared>>) target(%dma_start3A_43 : memref<640x128xf32, #tpu.memory_space<hbm>>) target_semaphore(%run_scoped3A : memref<!tpu.dma_semaphore, #tpu.memory_space<semaphore_mem>>)
      %dma_wait3A = arith.constant 0 : i32
      %dma_wait3A_46 = tpu.memref_slice %arg5[%arg0, %mul3A_41, %dma_wait3A] : memref<2x10240x128xf32, #tpu.memory_space<hbm>> -> memref<1x640x128xf32, #tpu.memory_space<hbm>>
      %dma_wait3A_47 = tpu.memref_squeeze %dma_wait3A_46 : memref<1x640x128xf32, #tpu.memory_space<hbm>> -> memref<640x128xf32, #tpu.memory_space<hbm>>
      %dma_wait3A_48 = arith.constant 0 : i32
      %dma_wait3A_49 = tpu.memref_slice %arg6[%mul3A_41, %dma_wait3A_48] : memref<10240x128xf32, #tpu.memory_space<vmem_shared>> -> memref<640x128xf32, #tpu.memory_space<vmem_shared>>
      tpu.wait_dma2 semaphore(%run_scoped3A : memref<!tpu.dma_semaphore, #tpu.memory_space<semaphore_mem>>) src(%dma_wait3A_49 : memref<640x128xf32, #tpu.memory_space<vmem_shared>>) dst(%dma_wait3A_47 : memref<640x128xf32, #tpu.memory_space<hbm>>)
      tpu.yield
    }) : () -> ()
    return
  }
}

module attributes {stable_mosaic.version = 14 : i64} {
  func.func @_tc_prep_body(%arg0: i32, %arg1: memref<2x128x1xf32, #tpu.memory_space<vmem>>, %arg2: memref<2x128x1xf32, #tpu.memory_space<vmem>>, %arg3: memref<128x1xi32, #tpu.memory_space<vmem>>, %arg4: memref<128x1xi32, #tpu.memory_space<vmem>>, %arg5: memref<120x128xf32, #tpu.memory_space<vmem>>, %arg6: memref<64x128xf32, #tpu.memory_space<vmem>>, %arg7: memref<128x128xf32, #tpu.memory_space<vmem>>, %arg8: memref<128x1xf32, #tpu.memory_space<vmem>>, %arg9: memref<128x1xf32, #tpu.memory_space<vmem>>) attributes {dimension_semantics = [#tpu.dimension_semantics<arbitrary>], iteration_bounds = array<i64: 79>, scalar_prefetch = 0 : i64, scratch_operands = 0 : i64, tpu.core_type = #tpu.core_type<tc>, window_params = [{transform_indices = @transform_0, window_bounds = array<i64: 2, 128, 1>}, {transform_indices = @transform_1, window_bounds = array<i64: 2, 128, 1>}, {transform_indices = @transform_2, window_bounds = array<i64: 128, 1>}, {transform_indices = @transform_3, window_bounds = array<i64: 128, 1>}, {pipeline_mode = #tpu.pipeline_mode<synchronous>, transform_indices = @transform_4, window_bounds = array<i64: 120, 128>}, {pipeline_mode = #tpu.pipeline_mode<synchronous>, transform_indices = @transform_5, window_bounds = array<i64: 64, 128>}, {transform_indices = @transform_6, window_bounds = array<i64: 128, 128>}, {transform_indices = @transform_7, window_bounds = array<i64: 128, 1>}, {transform_indices = @transform_8, window_bounds = array<i64: 128, 1>}]} {
    %get3A = arith.constant 0 : index
    %get3A_0 = arith.constant 0 : index
    %get3A_1 = arith.constant 0 : index
    %get3A_2 = vector.load %arg1[%get3A, %get3A_0, %get3A_1] : memref<2x128x1xf32, #tpu.memory_space<vmem>>, vector<1x128x1xf32>
    %get3A_3 = vector.shape_cast %get3A_2 : vector<1x128x1xf32> to vector<128x1xf32>
    %get3A_4 = arith.constant 1 : index
    %get3A_5 = arith.constant 0 : index
    %get3A_6 = arith.constant 0 : index
    %get3A_7 = vector.load %arg1[%get3A_4, %get3A_5, %get3A_6] : memref<2x128x1xf32, #tpu.memory_space<vmem>>, vector<1x128x1xf32>
    %get3A_8 = vector.shape_cast %get3A_7 : vector<1x128x1xf32> to vector<128x1xf32>
    %add3A = arith.addf %get3A_3, %get3A_8 : vector<128x1xf32>
    %get3A_9 = arith.constant 0 : index
    %get3A_10 = arith.constant 0 : index
    %get3A_11 = arith.constant 0 : index
    %get3A_12 = vector.load %arg2[%get3A_9, %get3A_10, %get3A_11] : memref<2x128x1xf32, #tpu.memory_space<vmem>>, vector<1x128x1xf32>
    %get3A_13 = vector.shape_cast %get3A_12 : vector<1x128x1xf32> to vector<128x1xf32>
    %get3A_14 = arith.constant 1 : index
    %get3A_15 = arith.constant 0 : index
    %get3A_16 = arith.constant 0 : index
    %get3A_17 = vector.load %arg2[%get3A_14, %get3A_15, %get3A_16] : memref<2x128x1xf32, #tpu.memory_space<vmem>>, vector<1x128x1xf32>
    %get3A_18 = vector.shape_cast %get3A_17 : vector<1x128x1xf32> to vector<128x1xf32>
    %add3A_19 = arith.addf %get3A_13, %get3A_18 : vector<128x1xf32>
    %max3A = arith.constant 1.000000e+00 : f32
    %max3A_20 = vector.broadcast %max3A : f32 to vector<128x1xf32>
    %max3A_21 = arith.maximumf %add3A, %max3A_20 : vector<128x1xf32>
    %rsqrt3A = math.rsqrt %max3A_21 : vector<128x1xf32>
    %max3A_22 = arith.constant 1.000000e+00 : f32
    %max3A_23 = vector.broadcast %max3A_22 : f32 to vector<128x1xf32>
    %max3A_24 = arith.maximumf %add3A_19, %max3A_23 : vector<128x1xf32>
    %rsqrt3A_25 = math.rsqrt %max3A_24 : vector<128x1xf32>
    %swap3A = arith.constant 0 : index
    %swap3A_26 = arith.constant 0 : index
    %swap3A_27 = vector.load %arg9[%swap3A, %swap3A_26] : memref<128x1xf32, #tpu.memory_space<vmem>>, vector<128x1xf32>
    tpu.vector_store %arg9[%swap3A, %swap3A_26], %rsqrt3A {strides = array<i32>} : memref<128x1xf32, #tpu.memory_space<vmem>>, vector<128x1xf32>,
    %swap3A_28 = arith.constant 0 : index
    %swap3A_29 = arith.constant 0 : index
    %swap3A_30 = vector.load %arg8[%swap3A_28, %swap3A_29] : memref<128x1xf32, #tpu.memory_space<vmem>>, vector<128x1xf32>
    tpu.vector_store %arg8[%swap3A_28, %swap3A_29], %rsqrt3A_25 {strides = array<i32>} : memref<128x1xf32, #tpu.memory_space<vmem>>, vector<128x1xf32>,
    %get3A_31 = arith.constant 0 : index
    %get3A_32 = arith.constant 0 : index
    %get3A_33 = vector.load %arg3[%get3A_31, %get3A_32] : memref<128x1xi32, #tpu.memory_space<vmem>>, vector<128x1xi32>
    %iota3A = tpu.iota {dimensions = array<i32: 1>} : vector<128x120xi32>
    %eq3A = vector.broadcast %get3A_33 : vector<128x1xi32> to vector<128x120xi32>
    %eq3A_34 = arith.cmpi eq, %eq3A, %iota3A : vector<128x120xi32>
    %convert_element_type3A = arith.extui %eq3A_34 : vector<128x120xi1> to vector<128x120xi32>
    %convert_element_type3A_35 = arith.sitofp %convert_element_type3A : vector<128x120xi32> to vector<128x120xf32>
    %get3A_36 = arith.constant 0 : index
    %get3A_37 = arith.constant 0 : index
    %get3A_38 = vector.load %arg4[%get3A_36, %get3A_37] : memref<128x1xi32, #tpu.memory_space<vmem>>, vector<128x1xi32>
    %iota3A_39 = tpu.iota {dimensions = array<i32: 1>} : vector<128x64xi32>
    %eq3A_40 = vector.broadcast %get3A_38 : vector<128x1xi32> to vector<128x64xi32>
    %eq3A_41 = arith.cmpi eq, %eq3A_40, %iota3A_39 : vector<128x64xi32>
    %convert_element_type3A_42 = arith.extui %eq3A_41 : vector<128x64xi1> to vector<128x64xi32>
    %convert_element_type3A_43 = arith.sitofp %convert_element_type3A_42 : vector<128x64xi32> to vector<128x64xf32>
    %get3A_44 = arith.constant 0 : index
    %get3A_45 = arith.constant 0 : index
    %get3A_46 = vector.load %arg5[%get3A_44, %get3A_45] : memref<120x128xf32, #tpu.memory_space<vmem>>, vector<120x128xf32>
    %dot_general3A = arith.constant dense<0.000000e+00> : vector<128x128xf32>
    %dot_general3A_47 = tpu.matmul %convert_element_type3A_35, %get3A_46, %dot_general3A {dimension_numbers = #tpu.dot_dimension_numbers<[1], [0], [0], [1], [0, 0, 1, 1], [], []>, transpose_lhs_hint = false} : vector<128x120xf32>, vector<120x128xf32>, vector<128x128xf32> -> vector<128x128xf32>
    %get3A_48 = arith.constant 0 : index
    %get3A_49 = arith.constant 0 : index
    %get3A_50 = vector.load %arg6[%get3A_48, %get3A_49] : memref<64x128xf32, #tpu.memory_space<vmem>>, vector<64x128xf32>
    %dot_general3A_51 = arith.constant dense<0.000000e+00> : vector<128x128xf32>
    %dot_general3A_52 = tpu.matmul %convert_element_type3A_43, %get3A_50, %dot_general3A_51 {dimension_numbers = #tpu.dot_dimension_numbers<[1], [0], [0], [1], [0, 0, 1, 1], [], []>, transpose_lhs_hint = false} : vector<128x64xf32>, vector<64x128xf32>, vector<128x128xf32> -> vector<128x128xf32>
    %add3A_53 = arith.addf %dot_general3A_47, %dot_general3A_52 : vector<128x128xf32>
    %mul3A = vector.broadcast %rsqrt3A : vector<128x1xf32> to vector<128x128xf32>
    %mul3A_54 = arith.mulf %add3A_53, %mul3A : vector<128x128xf32>
    %swap3A_55 = arith.constant 0 : index
    %swap3A_56 = arith.constant 0 : index
    %swap3A_57 = vector.load %arg7[%swap3A_55, %swap3A_56] : memref<128x128xf32, #tpu.memory_space<vmem>>, vector<128x128xf32>
    tpu.vector_store %arg7[%swap3A_55, %swap3A_56], %mul3A_54 {strides = array<i32>} : memref<128x128xf32, #tpu.memory_space<vmem>>, vector<128x128xf32>,
    return
  }
  func.func @transform_0(%arg0: i32) -> (i32, i32, i32) {
    %c0_i32 = arith.constant 0 : i32
    %c0_i32_0 = arith.constant 0 : i32
    %c0_i32_1 = arith.constant 0 : i32
    return %c0_i32, %arg0, %c0_i32_0 : i32, i32, i32
  }
  func.func @transform_1(%arg0: i32) -> (i32, i32, i32) {
    %c0_i32 = arith.constant 0 : i32
    %c0_i32_0 = arith.constant 0 : i32
    %c0_i32_1 = arith.constant 0 : i32
    return %c0_i32, %arg0, %c0_i32_0 : i32, i32, i32
  }
  func.func @transform_2(%arg0: i32) -> (i32, i32) {
    %c0_i32 = arith.constant 0 : i32
    %c0_i32_0 = arith.constant 0 : i32
    return %arg0, %c0_i32 : i32, i32
  }
  func.func @transform_3(%arg0: i32) -> (i32, i32) {
    %c0_i32 = arith.constant 0 : i32
    %c0_i32_0 = arith.constant 0 : i32
    return %arg0, %c0_i32 : i32, i32
  }
  func.func @transform_4(%arg0: i32) -> (i32, i32) {
    %c0_i32 = arith.constant 0 : i32
    %c0_i32_0 = arith.constant 0 : i32
    %c0_i32_1 = arith.constant 0 : i32
    return %c0_i32, %c0_i32_0 : i32, i32
  }
  func.func @transform_5(%arg0: i32) -> (i32, i32) {
    %c0_i32 = arith.constant 0 : i32
    %c0_i32_0 = arith.constant 0 : i32
    %c0_i32_1 = arith.constant 0 : i32
    return %c0_i32, %c0_i32_0 : i32, i32
  }
  func.func @transform_6(%arg0: i32) -> (i32, i32) {
    %c0_i32 = arith.constant 0 : i32
    %c0_i32_0 = arith.constant 0 : i32
    return %arg0, %c0_i32 : i32, i32
  }
  func.func @transform_7(%arg0: i32) -> (i32, i32) {
    %c0_i32 = arith.constant 0 : i32
    %c0_i32_0 = arith.constant 0 : i32
    return %arg0, %c0_i32 : i32, i32
  }
  func.func @transform_8(%arg0: i32) -> (i32, i32) {
    %c0_i32 = arith.constant 0 : i32
    %c0_i32_0 = arith.constant 0 : i32
    return %arg0, %c0_i32 : i32, i32
  }
}

module attributes {stable_mosaic.version = 14 : i64} {
  func.func @_tc_dense_body(%arg0: i32, %arg1: memref<2x128x128xf32, #tpu.memory_space<vmem>>, %arg2: memref<128x1xf32, #tpu.memory_space<vmem>>, %arg3: memref<128x1xf32, #tpu.memory_space<vmem>>, %arg4: memref<128x128xf32, #tpu.memory_space<vmem>>, %arg5: memref<1x128xf32, #tpu.memory_space<vmem>>, %arg6: memref<128x128xf32, #tpu.memory_space<vmem>>) attributes {dimension_semantics = [#tpu.dimension_semantics<arbitrary>], iteration_bounds = array<i64: 79>, scalar_prefetch = 0 : i64, scratch_operands = 0 : i64, tpu.core_type = #tpu.core_type<tc>, window_params = [{transform_indices = @transform_0, window_bounds = array<i64: 2, 128, 128>}, {transform_indices = @transform_1, window_bounds = array<i64: 128, 1>}, {transform_indices = @transform_2, window_bounds = array<i64: 128, 1>}, {pipeline_mode = #tpu.pipeline_mode<synchronous>, transform_indices = @transform_3, window_bounds = array<i64: 128, 128>}, {pipeline_mode = #tpu.pipeline_mode<synchronous>, transform_indices = @transform_4, window_bounds = array<i64: 1, 128>}, {transform_indices = @transform_5, window_bounds = array<i64: 128, 128>}]} {
    %get3A = arith.constant 0 : index
    %get3A_0 = arith.constant 0 : index
    %get3A_1 = arith.constant 0 : index
    %get3A_2 = vector.load %arg1[%get3A, %get3A_0, %get3A_1] : memref<2x128x128xf32, #tpu.memory_space<vmem>>, vector<1x128x128xf32>
    %get3A_3 = vector.shape_cast %get3A_2 : vector<1x128x128xf32> to vector<128x128xf32>
    %get3A_4 = arith.constant 1 : index
    %get3A_5 = arith.constant 0 : index
    %get3A_6 = arith.constant 0 : index
    %get3A_7 = vector.load %arg1[%get3A_4, %get3A_5, %get3A_6] : memref<2x128x128xf32, #tpu.memory_space<vmem>>, vector<1x128x128xf32>
    %get3A_8 = vector.shape_cast %get3A_7 : vector<1x128x128xf32> to vector<128x128xf32>
    %add3A = arith.addf %get3A_3, %get3A_8 : vector<128x128xf32>
    %get3A_9 = arith.constant 0 : index
    %get3A_10 = arith.constant 0 : index
    %get3A_11 = vector.load %arg2[%get3A_9, %get3A_10] : memref<128x1xf32, #tpu.memory_space<vmem>>, vector<128x1xf32>
    %mul3A = vector.broadcast %get3A_11 : vector<128x1xf32> to vector<128x128xf32>
    %mul3A_12 = arith.mulf %add3A, %mul3A : vector<128x128xf32>
    %get3A_13 = arith.constant 0 : index
    %get3A_14 = arith.constant 0 : index
    %get3A_15 = vector.load %arg4[%get3A_13, %get3A_14] : memref<128x128xf32, #tpu.memory_space<vmem>>, vector<128x128xf32>
    %dot_general3A = arith.constant dense<0.000000e+00> : vector<128x128xf32>
    %dot_general3A_16 = tpu.matmul %mul3A_12, %get3A_15, %dot_general3A {dimension_numbers = #tpu.dot_dimension_numbers<[1], [0], [0], [1], [0, 0, 1, 1], [], []>, transpose_lhs_hint = false} : vector<128x128xf32>, vector<128x128xf32>, vector<128x128xf32> -> vector<128x128xf32>
    %get3A_17 = arith.constant 0 : index
    %get3A_18 = arith.constant 0 : index
    %get3A_19 = vector.load %arg5[%get3A_17, %get3A_18] : memref<1x128xf32, #tpu.memory_space<vmem>>, vector<1x128xf32>
    %add3A_20 = vector.broadcast %get3A_19 : vector<1x128xf32> to vector<128x128xf32>
    %add3A_21 = arith.addf %dot_general3A_16, %add3A_20 : vector<128x128xf32>
    %max3A = arith.constant 0.000000e+00 : f32
    %max3A_22 = vector.broadcast %max3A : f32 to vector<128x128xf32>
    %max3A_23 = arith.maximumf %add3A_21, %max3A_22 : vector<128x128xf32>
    %get3A_24 = arith.constant 0 : index
    %get3A_25 = arith.constant 0 : index
    %get3A_26 = vector.load %arg3[%get3A_24, %get3A_25] : memref<128x1xf32, #tpu.memory_space<vmem>>, vector<128x1xf32>
    %mul3A_27 = vector.broadcast %get3A_26 : vector<128x1xf32> to vector<128x128xf32>
    %mul3A_28 = arith.mulf %max3A_23, %mul3A_27 : vector<128x128xf32>
    %swap3A = arith.constant 0 : index
    %swap3A_29 = arith.constant 0 : index
    %swap3A_30 = vector.load %arg6[%swap3A, %swap3A_29] : memref<128x128xf32, #tpu.memory_space<vmem>>, vector<128x128xf32>
    tpu.vector_store %arg6[%swap3A, %swap3A_29], %mul3A_28 {strides = array<i32>} : memref<128x128xf32, #tpu.memory_space<vmem>>, vector<128x128xf32>,
    return
  }
  func.func @transform_0(%arg0: i32) -> (i32, i32, i32) {
    %c0_i32 = arith.constant 0 : i32
    %c0_i32_0 = arith.constant 0 : i32
    %c0_i32_1 = arith.constant 0 : i32
    return %c0_i32, %arg0, %c0_i32_0 : i32, i32, i32
  }
  func.func @transform_1(%arg0: i32) -> (i32, i32) {
    %c0_i32 = arith.constant 0 : i32
    %c0_i32_0 = arith.constant 0 : i32
    return %arg0, %c0_i32 : i32, i32
  }
  func.func @transform_2(%arg0: i32) -> (i32, i32) {
    %c0_i32 = arith.constant 0 : i32
    %c0_i32_0 = arith.constant 0 : i32
    return %arg0, %c0_i32 : i32, i32
  }
  func.func @transform_3(%arg0: i32) -> (i32, i32) {
    %c0_i32 = arith.constant 0 : i32
    %c0_i32_0 = arith.constant 0 : i32
    %c0_i32_1 = arith.constant 0 : i32
    return %c0_i32, %c0_i32_0 : i32, i32
  }
  func.func @transform_4(%arg0: i32) -> (i32, i32) {
    %c0_i32 = arith.constant 0 : i32
    %c0_i32_0 = arith.constant 0 : i32
    %c0_i32_1 = arith.constant 0 : i32
    return %c0_i32, %c0_i32_0 : i32, i32
  }
  func.func @transform_5(%arg0: i32) -> (i32, i32) {
    %c0_i32 = arith.constant 0 : i32
    %c0_i32_0 = arith.constant 0 : i32
    return %arg0, %c0_i32 : i32, i32
  }
}

module attributes {stable_mosaic.version = 14 : i64} {
  func.func @_tc_final_body(%arg0: i32, %arg1: memref<2x128x128xf32, #tpu.memory_space<vmem>>, %arg2: memref<128x1xf32, #tpu.memory_space<vmem>>, %arg3: memref<128x1xi32, #tpu.memory_space<vmem>>, %arg4: memref<128x128xf32, #tpu.memory_space<vmem>>, %arg5: memref<1x128xf32, #tpu.memory_space<vmem>>, %arg6: memref<128x128xf32, #tpu.memory_space<vmem>>, %arg7: memref<1x128xf32, #tpu.memory_space<vmem>>, %arg8: memref<64x128xf32, #tpu.memory_space<vmem>>, %arg9: memref<64x128xf32, #tpu.memory_space<vmem>>, %arg10: memref<64x1xf32, #tpu.memory_space<vmem>>) attributes {dimension_semantics = [#tpu.dimension_semantics<arbitrary>], iteration_bounds = array<i64: 79>, scalar_prefetch = 0 : i64, scratch_operands = 2 : i64, tpu.core_type = #tpu.core_type<tc>, window_params = [{transform_indices = @transform_0, window_bounds = array<i64: 2, 128, 128>}, {transform_indices = @transform_1, window_bounds = array<i64: 128, 1>}, {transform_indices = @transform_2, window_bounds = array<i64: 128, 1>}, {pipeline_mode = #tpu.pipeline_mode<synchronous>, transform_indices = @transform_3, window_bounds = array<i64: 128, 128>}, {pipeline_mode = #tpu.pipeline_mode<synchronous>, transform_indices = @transform_4, window_bounds = array<i64: 1, 128>}, {pipeline_mode = #tpu.pipeline_mode<synchronous>, transform_indices = @transform_5, window_bounds = array<i64: 128, 128>}, {pipeline_mode = #tpu.pipeline_mode<synchronous>, transform_indices = @transform_6, window_bounds = array<i64: 1, 128>}, {pipeline_mode = #tpu.pipeline_mode<synchronous>, transform_indices = @transform_7, window_bounds = array<i64: 64, 128>}]} {
    %get3A = arith.constant 0 : index
    %get3A_0 = arith.constant 0 : index
    %get3A_1 = arith.constant 0 : index
    %get3A_2 = vector.load %arg1[%get3A, %get3A_0, %get3A_1] : memref<2x128x128xf32, #tpu.memory_space<vmem>>, vector<1x128x128xf32>
    %get3A_3 = vector.shape_cast %get3A_2 : vector<1x128x128xf32> to vector<128x128xf32>
    %get3A_4 = arith.constant 1 : index
    %get3A_5 = arith.constant 0 : index
    %get3A_6 = arith.constant 0 : index
    %get3A_7 = vector.load %arg1[%get3A_4, %get3A_5, %get3A_6] : memref<2x128x128xf32, #tpu.memory_space<vmem>>, vector<1x128x128xf32>
    %get3A_8 = vector.shape_cast %get3A_7 : vector<1x128x128xf32> to vector<128x128xf32>
    %add3A = arith.addf %get3A_3, %get3A_8 : vector<128x128xf32>
    %get3A_9 = arith.constant 0 : index
    %get3A_10 = arith.constant 0 : index
    %get3A_11 = vector.load %arg2[%get3A_9, %get3A_10] : memref<128x1xf32, #tpu.memory_space<vmem>>, vector<128x1xf32>
    %mul3A = vector.broadcast %get3A_11 : vector<128x1xf32> to vector<128x128xf32>
    %mul3A_12 = arith.mulf %add3A, %mul3A : vector<128x128xf32>
    %get3A_13 = arith.constant 0 : index
    %get3A_14 = arith.constant 0 : index
    %get3A_15 = vector.load %arg4[%get3A_13, %get3A_14] : memref<128x128xf32, #tpu.memory_space<vmem>>, vector<128x128xf32>
    %dot_general3A = arith.constant dense<0.000000e+00> : vector<128x128xf32>
    %dot_general3A_16 = tpu.matmul %mul3A_12, %get3A_15, %dot_general3A {dimension_numbers = #tpu.dot_dimension_numbers<[1], [0], [0], [1], [0, 0, 1, 1], [], []>, transpose_lhs_hint = false} : vector<128x128xf32>, vector<128x128xf32>, vector<128x128xf32> -> vector<128x128xf32>
    %get3A_17 = arith.constant 0 : index
    %get3A_18 = arith.constant 0 : index
    %get3A_19 = vector.load %arg5[%get3A_17, %get3A_18] : memref<1x128xf32, #tpu.memory_space<vmem>>, vector<1x128xf32>
    %add3A_20 = vector.broadcast %get3A_19 : vector<1x128xf32> to vector<128x128xf32>
    %add3A_21 = arith.addf %dot_general3A_16, %add3A_20 : vector<128x128xf32>
    %max3A = arith.constant 0.000000e+00 : f32
    %max3A_22 = vector.broadcast %max3A : f32 to vector<128x128xf32>
    %max3A_23 = arith.maximumf %add3A_21, %max3A_22 : vector<128x128xf32>
    %get3A_24 = arith.constant 0 : index
    %get3A_25 = arith.constant 0 : index
    %get3A_26 = vector.load %arg3[%get3A_24, %get3A_25] : memref<128x1xi32, #tpu.memory_space<vmem>>, vector<128x1xi32>
    %squeeze3A = vector.shape_cast %get3A_26 : vector<128x1xi32> to vector<128xi32>
    %iota3A = tpu.iota {dimensions = array<i32: 0>} : vector<64x128xi32>
    %broadcast_in_dim3A = vector.shape_cast %squeeze3A : vector<128xi32> to vector<1x128xi32>
    %eq3A = vector.broadcast %broadcast_in_dim3A : vector<1x128xi32> to vector<64x128xi32>
    %eq3A_27 = arith.cmpi eq, %iota3A, %eq3A : vector<64x128xi32>
    %convert_element_type3A = arith.extui %eq3A_27 : vector<64x128xi1> to vector<64x128xi32>
    %convert_element_type3A_28 = arith.sitofp %convert_element_type3A : vector<64x128xi32> to vector<64x128xf32>
    %dot_general3A_29 = arith.constant dense<0.000000e+00> : vector<64x128xf32>
    %dot_general3A_30 = tpu.matmul %convert_element_type3A_28, %max3A_23, %dot_general3A_29 {dimension_numbers = #tpu.dot_dimension_numbers<[1], [0], [0], [1], [0, 0, 1, 1], [], []>, transpose_lhs_hint = false} : vector<64x128xf32>, vector<128x128xf32>, vector<64x128xf32> -> vector<64x128xf32>
    %reduce_sum3A = arith.constant dense<0.000000e+00> : vector<64xf32>
    %reduce_sum3A_31 = vector.multi_reduction <add>, %convert_element_type3A_28, %reduce_sum3A [1] : vector<64x128xf32> to vector<64xf32>
    %broadcast_in_dim3A_32 = vector.shape_cast %reduce_sum3A_31 : vector<64xf32> to vector<64x1xf32>
    %eq3A_33 = arith.constant 0 : i32
    %eq3A_34 = arith.cmpi eq, %arg0, %eq3A_33 : i32
    %convert_element_type3A_35 = arith.extui %eq3A_34 : i1 to i32
    %cond3A = arith.constant 0 : i32
    %cond3A_36 = arith.cmpi ne, %convert_element_type3A_35, %cond3A : i32
    scf.if %cond3A_36 {
      %swap3A = arith.constant 0 : index
      %swap3A_46 = arith.constant 0 : index
      %swap3A_47 = vector.load %arg9[%swap3A, %swap3A_46] : memref<64x128xf32, #tpu.memory_space<vmem>>, vector<64x128xf32>
      tpu.vector_store %arg9[%swap3A, %swap3A_46], %dot_general3A_30 {strides = array<i32>} : memref<64x128xf32, #tpu.memory_space<vmem>>, vector<64x128xf32>,
      %swap3A_48 = arith.constant 0 : index
      %swap3A_49 = arith.constant 0 : index
      %swap3A_50 = vector.load %arg10[%swap3A_48, %swap3A_49] : memref<64x1xf32, #tpu.memory_space<vmem>>, vector<64x1xf32>
      tpu.vector_store %arg10[%swap3A_48, %swap3A_49], %broadcast_in_dim3A_32 {strides = array<i32>} : memref<64x1xf32, #tpu.memory_space<vmem>>, vector<64x1xf32>,
    } else {
    }
    %gt3A = arith.constant 0 : i32
    %gt3A_37 = arith.cmpi sgt, %arg0, %gt3A : i32
    %convert_element_type3A_38 = arith.extui %gt3A_37 : i1 to i32
    %cond3A_39 = arith.constant 0 : i32
    %cond3A_40 = arith.cmpi ne, %convert_element_type3A_38, %cond3A_39 : i32
    scf.if %cond3A_40 {
      %get3A_46 = arith.constant 0 : index
      %get3A_47 = arith.constant 0 : index
      %get3A_48 = vector.load %arg9[%get3A_46, %get3A_47] : memref<64x128xf32, #tpu.memory_space<vmem>>, vector<64x128xf32>
      %add3A_49 = arith.addf %get3A_48, %dot_general3A_30 : vector<64x128xf32>
      %swap3A = arith.constant 0 : index
      %swap3A_50 = arith.constant 0 : index
      %swap3A_51 = vector.load %arg9[%swap3A, %swap3A_50] : memref<64x128xf32, #tpu.memory_space<vmem>>, vector<64x128xf32>
      tpu.vector_store %arg9[%swap3A, %swap3A_50], %add3A_49 {strides = array<i32>} : memref<64x128xf32, #tpu.memory_space<vmem>>, vector<64x128xf32>,
      %get3A_52 = arith.constant 0 : index
      %get3A_53 = arith.constant 0 : index
      %get3A_54 = vector.load %arg10[%get3A_52, %get3A_53] : memref<64x1xf32, #tpu.memory_space<vmem>>, vector<64x1xf32>
      %add3A_55 = arith.addf %get3A_54, %broadcast_in_dim3A_32 : vector<64x1xf32>
      %swap3A_56 = arith.constant 0 : index
      %swap3A_57 = arith.constant 0 : index
      %swap3A_58 = vector.load %arg10[%swap3A_56, %swap3A_57] : memref<64x1xf32, #tpu.memory_space<vmem>>, vector<64x1xf32>
      tpu.vector_store %arg10[%swap3A_56, %swap3A_57], %add3A_55 {strides = array<i32>} : memref<64x1xf32, #tpu.memory_space<vmem>>, vector<64x1xf32>,
    } else {
    }
    %eq3A_41 = arith.constant 78 : i32
    %eq3A_42 = arith.cmpi eq, %arg0, %eq3A_41 : i32
    %convert_element_type3A_43 = arith.extui %eq3A_42 : i1 to i32
    %cond3A_44 = arith.constant 0 : i32
    %cond3A_45 = arith.cmpi ne, %convert_element_type3A_43, %cond3A_44 : i32
    scf.if %cond3A_45 {
      %get3A_46 = arith.constant 0 : index
      %get3A_47 = arith.constant 0 : index
      %get3A_48 = vector.load %arg9[%get3A_46, %get3A_47] : memref<64x128xf32, #tpu.memory_space<vmem>>, vector<64x128xf32>
      %get3A_49 = arith.constant 0 : index
      %get3A_50 = arith.constant 0 : index
      %get3A_51 = vector.load %arg10[%get3A_49, %get3A_50] : memref<64x1xf32, #tpu.memory_space<vmem>>, vector<64x1xf32>
      %max3A_52 = arith.constant 1.000000e+00 : f32
      %max3A_53 = vector.broadcast %max3A_52 : f32 to vector<64x1xf32>
      %max3A_54 = arith.maximumf %get3A_51, %max3A_53 : vector<64x1xf32>
      %div3A = vector.broadcast %max3A_54 : vector<64x1xf32> to vector<64x128xf32>
      %div3A_55 = arith.divf %get3A_48, %div3A : vector<64x128xf32>
      %get3A_56 = arith.constant 0 : index
      %get3A_57 = arith.constant 0 : index
      %get3A_58 = vector.load %arg6[%get3A_56, %get3A_57] : memref<128x128xf32, #tpu.memory_space<vmem>>, vector<128x128xf32>
      %dot_general3A_59 = arith.constant dense<0.000000e+00> : vector<64x128xf32>
      %dot_general3A_60 = tpu.matmul %div3A_55, %get3A_58, %dot_general3A_59 {dimension_numbers = #tpu.dot_dimension_numbers<[1], [0], [0], [1], [0, 0, 1, 1], [], []>, transpose_lhs_hint = false} : vector<64x128xf32>, vector<128x128xf32>, vector<64x128xf32> -> vector<64x128xf32>
      %get3A_61 = arith.constant 0 : index
      %get3A_62 = arith.constant 0 : index
      %get3A_63 = vector.load %arg7[%get3A_61, %get3A_62] : memref<1x128xf32, #tpu.memory_space<vmem>>, vector<1x128xf32>
      %add3A_64 = vector.broadcast %get3A_63 : vector<1x128xf32> to vector<64x128xf32>
      %add3A_65 = arith.addf %dot_general3A_60, %add3A_64 : vector<64x128xf32>
      %swap3A = arith.constant 0 : index
      %swap3A_66 = arith.constant 0 : index
      %swap3A_67 = vector.load %arg8[%swap3A, %swap3A_66] : memref<64x128xf32, #tpu.memory_space<vmem>>, vector<64x128xf32>
      tpu.vector_store %arg8[%swap3A, %swap3A_66], %add3A_65 {strides = array<i32>} : memref<64x128xf32, #tpu.memory_space<vmem>>, vector<64x128xf32>,
    } else {
    }
    return
  }
  func.func @transform_0(%arg0: i32) -> (i32, i32, i32) {
    %c0_i32 = arith.constant 0 : i32
    %c0_i32_0 = arith.constant 0 : i32
    %c0_i32_1 = arith.constant 0 : i32
    return %c0_i32, %arg0, %c0_i32_0 : i32, i32, i32
  }
  func.func @transform_1(%arg0: i32) -> (i32, i32) {
    %c0_i32 = arith.constant 0 : i32
    %c0_i32_0 = arith.constant 0 : i32
    return %arg0, %c0_i32 : i32, i32
  }
  func.func @transform_2(%arg0: i32) -> (i32, i32) {
    %c0_i32 = arith.constant 0 : i32
    %c0_i32_0 = arith.constant 0 : i32
    return %arg0, %c0_i32 : i32, i32
  }
  func.func @transform_3(%arg0: i32) -> (i32, i32) {
    %c0_i32 = arith.constant 0 : i32
    %c0_i32_0 = arith.constant 0 : i32
    %c0_i32_1 = arith.constant 0 : i32
    return %c0_i32, %c0_i32_0 : i32, i32
  }
  func.func @transform_4(%arg0: i32) -> (i32, i32) {
    %c0_i32 = arith.constant 0 : i32
    %c0_i32_0 = arith.constant 0 : i32
    %c0_i32_1 = arith.constant 0 : i32
    return %c0_i32, %c0_i32_0 : i32, i32
  }
  func.func @transform_5(%arg0: i32) -> (i32, i32) {
    %c0_i32 = arith.constant 0 : i32
    %c0_i32_0 = arith.constant 0 : i32
    %c0_i32_1 = arith.constant 0 : i32
    return %c0_i32, %c0_i32_0 : i32, i32
  }
  func.func @transform_6(%arg0: i32) -> (i32, i32) {
    %c0_i32 = arith.constant 0 : i32
    %c0_i32_0 = arith.constant 0 : i32
    %c0_i32_1 = arith.constant 0 : i32
    return %c0_i32, %c0_i32_0 : i32, i32
  }
  func.func @transform_7(%arg0: i32) -> (i32, i32) {
    %c0_i32 = arith.constant 0 : i32
    %c0_i32_0 = arith.constant 0 : i32
    %c0_i32_1 = arith.constant 0 : i32
    return %c0_i32, %c0_i32_0 : i32, i32
  }
}

</mosaic_0001>

<sc_bundles>
// kernel: kernel.10.cloned.1.call-start
scs
__scs_entry_jumppad:
0x0: {  	(pc) =	sbr.rel $0x88, $3  }
0x1: {  	(tag) =	ssettag $0x0;
	lr =	simm.s32 $0x1  }
0x2: {  	[smem:$0x3F93] =	sst lr;
	_ =	strace $0xD0000000  }
0x3: {  	_ = 	snop  }
0x4: {  	_ = 	snop  }
0x5: {  	_ = 	snop  }
0x6: {  	_ = 	snop  }
0x7: {  	_ = 	snop  }
__scs_overlays_trampoline_lowered:
0x8: {  	[smem:$0x3FA2] =	sst s0  }
0x9: {  	[smem:$0x3FA3] =	sst s1  }
0xa: {  	[smem:$0x3FA4] =	sst s2  }
0xb: {  	[smem:$0x3FA5] =	sst s3  }
0xc: {  	[smem:$0x3FA6] =	sst s4  }
0xd: {  	[smem:$0x3FA7] =	sst s5  }
0xe: {  	[smem:$0x3FA8] =	sst s6  }
0xf: {  	[smem:$0x3FA9] =	sst s7  }
0x10: {  	[smem:$0x3FAA] =	sst s8  }
0x11: {  	[smem:$0x3FAB] =	sst s9;
	s0 =	simm.s32 @!p0 $0x0  }
0x12: {  	s1 =	sld [smem:$0x3F91];
	s0 =	simm.s32 @p0 $0x1  }
0x13: {  	[smem:$0x3FAC] =	sst s0;
	s0 =	simm.s32 @!p1 $0x0  }
0x14: {  	s2 =	sld [smem:$0x3F90];
	s0 =	simm.s32 @p1 $0x1  }
0x15: {  	[smem:$0x3FAD] =	sst s0;
	s0 =	simm.s32 @!p2 $0x0  }
0x16: {  	s3 =	sld [smem:$0x3FDB];
	s0 =	simm.s32 @p2 $0x1  }
0x17: {  	s4 =	simm.s32 $0x1BF5;
	[smem:$0x3FAF] =	sst s0  }
0x18: {  	s0 =	sld [smem:$0x3F92];
	_ =	swait.ge [sflag:s4], $0x0  }
0x19: {  	s7 =	sld [smem:$0x3F93]  }
0x1a: {  	s8 =	sadd.s32 $0xFFFFE003, lr  }
0x1b: {  	s9 =	sadd.s32 $0xFFFFFEF7, lr;
	s5 =	simm.s32 $0xFFFFFFFF;
	p2 =	slt.u32 s8, $0xFFFFF086  }
0x1c: {  	p1 =	slt.u32 s9, $0xF7A;
	s5 =	simm.s32 @!p2 $0x0  }
0x1d: {  	s5 =	simm.s32 @p1 $0x1;
	p0 =	seq.s32 s7, s2  }
0x1e: {  	s7 =	smul.u32 @!p0 $0xF7A, s2;
	p2 =	seq.s32 @!p0 s5, $0x0  }
0x1f: {  	s9 =	smul.u32 $0xF7A, s1;
	s8 =	simm.s32 @!p0 $0x1BF5;
	p2 =	por !p2, p0  }
0x20: {  	[sflag:s8] =	ssyncset.s32 @!p0 $0xFFFFF086;
	s6 =	sadd.s32 @!p0 s3, s7;
	s7 =	simm.s32 @!p0 $0x108  }
0x21: {  	s3 =	sadd.s32 s3, s9;
	s6 =	sadd.s32 @!p0 $0x88, s6;
	s7 =	simm.s32 @p2 $0x1082  }
0x22: {  	[simem:s7], [sflag:s8] =	dma.local @!p0 [hbm:s6], $0xF7A  }
0x23: {  	s9 =	sor.u32 $0xD0000000, s2;
	s6 =	simm.s32 $0x108;
	_ =	swait.ge @!p0 [sflag:s8], $0x0  }
0x24: {  	s3 =	sadd.s32 $0x88, s3;
	s6 =	simm.s32 @!p1 $0x1082;
	[sflag:s4] =	ssyncset.s32 $0xFFFFF086  }
0x25: {  	[simem:s6], [sflag:s4] =	dma.local [hbm:s3], $0xF7A  }
0x26: {  	[smem:$0x3F93] =	sst s1;
	(tag) =	ssettag s2;
	_ =	strace s9  }
0x27: {  	s1 =	sld [smem:$0x3FA3]  }
0x28: {  	s2 =	sld [smem:$0x3FA4]  }
0x29: {  	s4 =	sld [smem:$0x3FA6]  }
0x2a: {  	p0 =	seq.s32 s5, $0x0;
	s5 =	sld [smem:$0x3FA7]  }
0x2b: {  	s6 =	sld [smem:$0x3FA8]  }
0x2c: {  	s7 =	sld [smem:$0x3FA9]  }
0x2d: {  	s3 =	simm.s32 $0x108;
	s8 =	sld [smem:$0x3FAA]  }
0x2e: {  	s3 =	simm.s32 @!p0 $0x1082;
	s9 =	sld [smem:$0x3FAB]  }
0x2f: {  	lr =	sadd.s32 s0, s3;
	s0 =	sld [smem:$0x3FA2]  }
0x30: {  	s3 =	sld [smem:$0x3FA5]  }
0x31: {  	[smem:$0x3FAE] =	sst s10  }
0x32: {  	s10 =	sld [smem:$0x3FAC];
	_ =	sdelay $0x3  }
0x33: {  	p0 =	seq.s32 s10, $0x1;
	s10 =	sld [smem:$0x3FAE];
	_ =	sdelay $0x3  }
0x34: {  	[smem:$0x3FAE] =	sst s10  }
0x35: {  	s10 =	sld [smem:$0x3FAD];
	_ =	sdelay $0x3  }
0x36: {  	p1 =	seq.s32 s10, $0x1;
	s10 =	sld [smem:$0x3FAE];
	_ =	sdelay $0x3  }
0x37: {  	[smem:$0x3FAE] =	sst s10  }
0x38: {  	s10 =	sld [smem:$0x3FAF]  }
0x39: {  	_ = 	snop;
	(pc) =	sbr.ind lr, $3  }
0x3a: {  	_ = 	snop  }
0x3b: {  	_ = 	snop  }
0x3c: {  	p2 =	seq.s32 s10, $0x1;
	s10 =	sld [smem:$0x3FAE]  }
0x3d: {  	_ =	shalt  }
0x3e: {  	_ =	shalt  }
0x3f: {  	_ =	shalt  }
0x40: {  	_ =	shalt  }
0x41: {  	_ =	shalt  }
0x42: {  	_ =	shalt  }
0x43: {  	_ =	shalt  }
0x44: {  	_ =	shalt  }
0x45: {  	_ =	shalt  }
0x46: {  	_ =	shalt  }
0x47: {  	_ =	shalt  }
0x48: {  	_ =	shalt  }
0x49: {  	_ =	shalt  }
0x4a: {  	_ =	shalt  }
0x4b: {  	_ =	shalt  }
0x4c: {  	_ =	shalt  }
0x4d: {  	_ =	shalt  }
0x4e: {  	_ =	shalt  }
0x4f: {  	_ =	shalt  }
0x50: {  	_ =	shalt  }
0x51: {  	_ =	shalt  }
0x52: {  	_ =	shalt  }
0x53: {  	_ =	shalt  }
0x54: {  	_ =	shalt  }
0x55: {  	_ =	shalt  }
0x56: {  	_ =	shalt  }
0x57: {  	_ =	shalt  }
0x58: {  	_ =	shalt  }
0x59: {  	_ =	shalt  }
0x5a: {  	_ =	shalt  }
0x5b: {  	_ =	shalt  }
0x5c: {  	_ =	shalt  }
0x5d: {  	_ =	shalt  }
0x5e: {  	_ =	shalt  }
0x5f: {  	_ =	shalt  }
0x60: {  	_ =	shalt  }
0x61: {  	_ =	shalt  }
0x62: {  	_ =	shalt  }
0x63: {  	_ =	shalt  }
0x64: {  	_ =	shalt  }
0x65: {  	_ =	shalt  }
0x66: {  	_ =	shalt  }
0x67: {  	_ =	shalt  }
0x68: {  	_ =	shalt  }
0x69: {  	_ =	shalt  }
0x6a: {  	_ =	shalt  }
0x6b: {  	_ =	shalt  }
0x6c: {  	_ =	shalt  }
0x6d: {  	_ =	shalt  }
0x6e: {  	_ =	shalt  }
0x6f: {  	_ =	shalt  }
0x70: {  	_ =	shalt  }
0x71: {  	_ =	shalt  }
0x72: {  	_ =	shalt  }
0x73: {  	_ =	shalt  }
0x74: {  	_ =	shalt  }
0x75: {  	_ =	shalt  }
0x76: {  	_ =	shalt  }
0x77: {  	_ =	shalt  }
0x78: {  	_ =	shalt  }
0x79: {  	_ =	shalt  }
0x7a: {  	_ =	shalt  }
0x7b: {  	_ =	shalt  }
0x7c: {  	_ =	shalt  }
0x7d: {  	_ =	shalt  }
0x7e: {  	_ =	shalt  }
0x7f: {  	_ =	shalt  }
0x80: {  	_ =	shalt  }
0x81: {  	_ =	shalt  }
0x82: {  	_ =	shalt  }
0x83: {  	_ =	shalt  }
0x84: {  	_ =	shalt  }
0x85: {  	_ =	shalt  }
0x86: {  	_ =	shalt  }
0x87: {  	_ =	shalt  }
.Lfunc_end0:
.L_simem_size_0:
called_computation_lowered:
.L_overlay_start_0:
0x88: {  	s2 =	sld [smem:$0x3FD9]  }
0x89: {  	s3 =	sld [smem:$0x3FFE];
	_ =	sdelay $0x1  }
0x8a: {  	s1 =	srdreg.scid  }
0x8b: {  	s0 =	sand.u32 $0x1, s1  }
0x8c: {  	s16 =	sshll.u32 s0, $0xA;
	s2 =	sadd.s32 s3, s2  }
0x8d: {  	s2 =	sadd.s32 s2, s16  }
0x8e: {  	[smem:$0x3FBA] =	sst s2  }
0x8f: {  	_ = 	snop  }
0x90: {  	(tm) =	ssettm $0x1  }
0x91: {  	s17 =	sld [smem:$0x3FFB];
	_ =	sdelay $0x3  }
0x92: {  	_ =	strace s17  }
0x93: {  	s2 =	sld [smem:$0x3FFC];
	_ =	sdelay $0x3  }
0x94: {  	_ =	strace s2  }
0x95: {  	s2 =	sld [smem:$0x3FFD];
	_ =	sdelay $0x3  }
0x96: {  	_ =	strace s2  }
0x97: {  	_ =	strace $0x8FFFFFFF  }
0x98: {  	s18 =	sld [smem:$0x3FDB];
	_ =	sdelay $0x1  }
0x99: {  	s19 =	simm.s32 $_scs_section_size  }
0x9a: {  	s4 =	simm.s32 $_size__tile_overlayer_lowered;
	s5 =	simm.s32 $_tile_overlayer_lowered  }
0x9b: {  	s22 =	simm.s32 $0x1BFF;
	s21 =	sshll.u32 s5, $0x1;
	s2 =	sadd.s32 s19, s18  }
0x9c: {  	s6 =	simm.s32 $0x0;
	s20 =	sshll.u32 s4, $0x1;
	s4 =	sadd.s32 s21, s2  }
0x9d: {  	[timem:s6], [sflag:s22] =	dma.local [hbm:s4], s20  }
0x9e: {  	_ =	swait.ge [sflag:s22], s20  }
0x9f: {  	s3 =	ssub.s32 $0x0, s20;
	[sflag:s22] =	ssyncset.done $0x0  }
0xa0: {  	[sflag:s22] =	ssyncadd.s32 s3;
	_ =	sdelay $0x1  }
0xa1: {  	s23 =	simm.s32 $0x1B8B  }
0xa2: {  	_ =	swait.ge [sflag:s23], $0x1  }
0xa3: {  	[sflag:s23] =	ssyncset.done $0x0  }
0xa4: {  	s25 =	simm.s32 $0x1B8E;
	s24 =	sld [smem:$0x3FFE];
	[sflag:s23] =	ssyncadd.s32 $0xFFFFFFFF  }
0xa5: {  	s26 =	simm.s32 $execute0_lowered;
	[smem:$0x3FD2] =	sst s25  }
0xa6: {  	s4 =	sshll.u32 s26, $0x1;
	_ =	strace $0x80000046;
	[dreg:$0x1] =	wrdreg $0xFFFFFFFF  }
0xa7: {  	s28 =	simm.s32 $_size_execute0_lowered;
	s2 =	sadd.s32 s2, s4;
	[dreg:$0x0] =	wrdreg $0x0  }
0xa8: {  	s4 =	sshll.u32 s28, $0x1;
	[dreg:$0x2] =	wrdreg s2  }
0xa9: {  	[dreg:$0x3] =	wrdreg s4  }
0xaa: {  	[dreg:$0x4] =	wrdreg $0xC0  }
0xab: {  	_ =	task [dreg:s6], $0x5FFFF  }
0xac: {  	[dreg:$0x1] =	wrdreg $0xFFFFFFFF  }
0xad: {  	[dreg:$0x0] =	wrdreg $0x60  }
0xae: {  	[dreg:$0x2] =	wrdreg s24  }
0xaf: {  	[dreg:$0x3] =	wrdreg $0x0  }
0xb0: {  	[dreg:$0x4] =	wrdreg $0x2800  }
0xb1: {  	[dreg:$0x5] =	wrdreg $0x9  }
0xb2: {  	_ =	task.clear_ibuf [dreg:s6], $0x6FFFF;
	_ =	strace $0x90000046  }
0xb3: {  	s29 =	simm.s32 $0x9;
	_ =	strace $0x80000048  }
0xb4: {  	_ =	swait.ge [sflag:s29], $0x1  }
0xb5: {  	[sflag:s29] =	ssyncadd.s32 $0xFFFFFFFF  }
0xb6: {  	_ =	strace $0x90000048  }
0xb7: {  	_ =	sfence  }
0xb8: {  	s30 =	sld [smem:$0x0];
	_ =	sdelay $0x2  }
0xb9: {  	s31 =	sshll.u32 s1, $0xD;
	s1 =	sshrl.u32 s1, $0x2  }
0xba: {  	s3 =	sand.u32 $0x4000, s31;
	s1 =	sadd.s32 s1, s30  }
0xbb: {  	s0 =	sor.u32 s3, s0;
	s1 =	sshll.u32 s1, $0x11  }
0xbc: {  	s0 =	sor.u32 s1, s0  }
0xbd: {  	s0 =	sadd.s32 $0x8F2B, s0  }
0xbe: {  	[sflag:s0] =	ssyncadd.remote.s32 $0x1  }
0xbf: {  	_ =	sfence.sel $0xFFFF  }
0xc0: {  	[dreg:$0x0] =	wrdreg $0xFFFFFFFF;
	(pc) =	sbr.abs _section_cstart, $3  }
0xc1: {  	[dreg:$0x1] =	wrdreg $0xFFFFFFFF  }
0xc2: {  	_ =	task.clear_ibuf [dreg:s6], $0x2FFFF;
	_ =	strace $0x9FFFFFFF  }
0xc3: {  	(tm) =	ssettm $0x7FFFFFFF  }
tec
execute0_lowered:
.L_overlay_start_1:
0x0: {  	(tag) =	ssettag $0x1  }
0x1: {  	s5 =	rddreg [dreg:$0x0]  }
0x2: {  	s1 =	rddreg [dreg:$0x1]  }
0x3: {  	s2 =	rddreg [dreg:$0x2]  }
0x4: {  	s3 =	srdreg.scid;
	s0 =	rddreg [dreg:$0x3]  }
0x5: {  	s4 =	simm.s32 $0x0;
	s13 =	simm.s32 $0x2;
	s14 =	simm.s32 $0x800  }
0x6: {  	s15 =	simm.s32 $0x3000;
	s16 =	simm.s32 $0x80;
	s17 =	simm.s32 $0x780  }
0x7: {  	s18 =	simm.s32 $0x1;
	s21 =	simm.s32 $0x20;
	s22 =	simm.s32 $0x10  }
0x8: {  	s24 =	simm.s32 $0x0;
	s6 =	sand.u32 $0x1, s3;
	s3 =	stileid.u32  }
0x9: {  	[smem:$0x7FF] =	sst s4;
	s7 =	smul.u32 $0x5000, s6;
	s8 =	sshll.u32 s6, $0x4  }
0xa: {  	s9 =	smul.u32 $0x500, s3;
	_ =	strace $0x80000047;
	s6 =	ssub.s32 $0x2, s6  }
0xb: {  	s10 =	smul.u32 $0x280, s3;
	s19 =	sshll.u32 s3, $0x6;
	s8 =	sor.u32 s3, s8  }
0xc: {  	s31 =	sshrl.u32 s6, $0x1;
	s19 =	sor.u32 $0x1C02, s19;
	s8 =	smul.u32 $0x500, s8  }
0xd: {  	s7 =	sadd.s32 s9, s7;
	s12 =	ssub.s32 s6, s31;
	s6 =	sadd.s32 s10, s2  }
0xe: {  	s7 =	sshrl.u32 s7, $0x3;
	s23 =	sshrl.u32 s6, $0x3;
	s8 =	sadd.s32 s8, s5  }
0xf: {  	s11 =	sadd.s32 s7, s5;
	s5 =	sadd.s32 s10, s1;
	s7 =	sadd.s32 $0x2200, s8  }
0x10: {  	s8 =	sadd.s32 $0xC200, s8;
	s9 =	sadd.s32 $0x16200, s11;
	s10 =	sadd.s32 $0x16210, s11  }
0x11: {  	v0 =	vimm.f32 $0.0e+00;
	v1 =	vimm.f32 $1.000000000e+00;
	s11 =	smax.u32 s12, $0x1;
	s12 =	simm.s32 $0x500;
	s20 =	sshrl.u32 s5, $0x3  }
.LBB2_1:
0x12: {  	[tilespmem:$0x500] =	vst v0  }
0x13: {  	[tilespmem:$0x510] =	vst v0  }
0x14: {  	[tilespmem:$0x520] =	vst v0  }
0x15: {  	[tilespmem:$0x530] =	vst v0  }
0x16: {  	[tilespmem:$0x540] =	vst v0  }
0x17: {  	[tilespmem:$0x550] =	vst v0  }
0x18: {  	[tilespmem:$0x560] =	vst v0  }
0x19: {  	[tilespmem:$0x570] =	vst v0  }
0x1a: {  	[tilespmem:$0x580] =	vst v0  }
0x1b: {  	[tilespmem:$0x590] =	vst v0  }
0x1c: {  	[tilespmem:$0x5A0] =	vst v0  }
0x1d: {  	[tilespmem:$0x5B0] =	vst v0  }
0x1e: {  	[tilespmem:$0x5C0] =	vst v0  }
0x1f: {  	[tilespmem:$0x5D0] =	vst v0  }
0x20: {  	[tilespmem:$0x5E0] =	vst v0  }
0x21: {  	[tilespmem:$0x5F0] =	vst v0  }
0x22: {  	[tilespmem:$0x600] =	vst v0  }
0x23: {  	[tilespmem:$0x610] =	vst v0  }
0x24: {  	[tilespmem:$0x620] =	vst v0  }
0x25: {  	[tilespmem:$0x630] =	vst v0  }
0x26: {  	[tilespmem:$0x640] =	vst v0  }
0x27: {  	[tilespmem:$0x650] =	vst v0  }
0x28: {  	[tilespmem:$0x660] =	vst v0  }
0x29: {  	[tilespmem:$0x670] =	vst v0  }
0x2a: {  	[tilespmem:$0x680] =	vst v0  }
0x2b: {  	[tilespmem:$0x690] =	vst v0  }
0x2c: {  	[tilespmem:$0x6A0] =	vst v0  }
0x2d: {  	[tilespmem:$0x6B0] =	vst v0  }
0x2e: {  	[tilespmem:$0x6C0] =	vst v0  }
0x2f: {  	[tilespmem:$0x6D0] =	vst v0  }
0x30: {  	[tilespmem:$0x6E0] =	vst v0  }
0x31: {  	[tilespmem:$0x6F0] =	vst v0  }
0x32: {  	[tilespmem:$0x700] =	vst v0  }
0x33: {  	[tilespmem:$0x710] =	vst v0  }
0x34: {  	[tilespmem:$0x720] =	vst v0  }
0x35: {  	[tilespmem:$0x730] =	vst v0  }
0x36: {  	[tilespmem:$0x740] =	vst v0  }
0x37: {  	[tilespmem:$0x750] =	vst v0  }
0x38: {  	[tilespmem:$0x760] =	vst v0  }
0x39: {  	[tilespmem:$0x770] =	vst v0  }
0x3a: {  	[tilespmem:$0x780] =	vst v1  }
0x3b: {  	[tilespmem:$0x790] =	vst v1  }
0x3c: {  	[tilespmem:$0x7A0] =	vst v1  }
0x3d: {  	[tilespmem:$0x7B0] =	vst v1  }
0x3e: {  	[tilespmem:$0x7C0] =	vst v1  }
0x3f: {  	[tilespmem:$0x7D0] =	vst v1  }
0x40: {  	[tilespmem:$0x7E0] =	vst v1  }
0x41: {  	[tilespmem:$0x7F0] =	vst v1  }
0x42: {  	[spmem:s5] =	stream.linear.scatter [tilespmem:s12], [sflag:$0x2], $0x280, $0x38;
	[tilespmem:$0x5800] =	vst v63  }
0x43: {  	_ =	swait.ge [sflag:s13], $0x280  }
0x44: {  	[sflag:s13] =	ssyncset.done $0x0  }
0x45: {  	[sflag:s13] =	ssyncadd.s32 $0xFFFFFD80  }
0x46: {  	[spmem:s6] =	stream.linear.scatter [tilespmem:s12], [sflag:$0x2], $0x280, $0x38;
	[tilespmem:$0x5800] =	vst v63  }
0x47: {  	_ =	swait.ge [sflag:s13], $0x280  }
0x48: {  	[sflag:s13] =	ssyncset.done $0x0  }
0x49: {  	[sflag:s13] =	ssyncadd.s32 $0xFFFFFD80  }
0x4a: {  	[tilespmem:s14], [sflag:$0x2] =	stream.linear.gather [hbm4b:s7+s4], $0x2800, $0x38;
	[tilespmem:$0x5800] =	vst v63  }
0x4b: {  	_ =	swait.ge [sflag:s13], $0x2800  }
0x4c: {  	[sflag:s13] =	ssyncset.done $0x0  }
0x4d: {  	[sflag:s13] =	ssyncadd.s32 $0xFFFFD800  }
0x4e: {  	[tilespmem:s15], [sflag:$0x2] =	stream.linear.gather [hbm4b:s8+s4], $0x2800, $0x38;
	[tilespmem:$0x5800] =	vst v63  }
0x4f: {  	_ =	swait.ge [sflag:s13], $0x2800  }
0x50: {  	[sflag:s13] =	ssyncset.done $0x0  }
0x51: {  	[sflag:s13] =	ssyncadd.s32 $0xFFFFD800  }
0x52: {  	s25 =	simm.s32 $0x800;
	[bflag:$0x0] =	sbarrier.arrive $0xFFFF  }
0x53: {  	[spmem:s1] =	stream.indirect.scatter.add.f32 [tilespmem:s17], [sflag:$0x1], $0x1, s25, s16, $0xb8;
	[tilespmem:$0x5800] =	vst v63  }
0x54: {  	s26 =	simm.s32 $0x3000  }
0x55: {  	[spmem:s2] =	stream.indirect.scatter.add.f32 [tilespmem:s17], [sflag:$0x1], $0x1, s26, s16, $0xb8;
	[tilespmem:$0x5800] =	vst v63  }
0x56: {  	s30 =	simm.s32 $0x880  }
0x57: {  	[spmem:s1] =	stream.indirect.scatter.add.f32 [tilespmem:s17], [sflag:$0x1], $0x1, s30, s16, $0xb8;
	[tilespmem:$0x5800] =	vst v63  }
0x58: {  	s31 =	simm.s32 $0x3080  }
0x59: {  	[spmem:s2] =	stream.indirect.scatter.add.f32 [tilespmem:s17], [sflag:$0x1], $0x1, s31, s16, $0xb8;
	[tilespmem:$0x5800] =	vst v63  }
0x5a: {  	s26 =	simm.s32 $0x900  }
0x5b: {  	[spmem:s1] =	stream.indirect.scatter.add.f32 [tilespmem:s17], [sflag:$0x1], $0x1, s26, s16, $0xb8;
	[tilespmem:$0x5800] =	vst v63  }
0x5c: {  	s30 =	simm.s32 $0x3100  }
0x5d: {  	[spmem:s2] =	stream.indirect.scatter.add.f32 [tilespmem:s17], [sflag:$0x1], $0x1, s30, s16, $0xb8;
	[tilespmem:$0x5800] =	vst v63  }
0x5e: {  	s31 =	simm.s32 $0x980  }
0x5f: {  	[spmem:s1] =	stream.indirect.scatter.add.f32 [tilespmem:s17], [sflag:$0x1], $0x1, s31, s16, $0xb8;
	[tilespmem:$0x5800] =	vst v63  }
0x60: {  	s26 =	simm.s32 $0x3180  }
0x61: {  	[spmem:s2] =	stream.indirect.scatter.add.f32 [tilespmem:s17], [sflag:$0x1], $0x1, s26, s16, $0xb8;
	[tilespmem:$0x5800] =	vst v63  }
0x62: {  	s30 =	simm.s32 $0xA00  }
0x63: {  	[spmem:s1] =	stream.indirect.scatter.add.f32 [tilespmem:s17], [sflag:$0x1], $0x1, s30, s16, $0xb8;
	[tilespmem:$0x5800] =	vst v63  }
0x64: {  	s31 =	simm.s32 $0x3200  }
0x65: {  	[spmem:s2] =	stream.indirect.scatter.add.f32 [tilespmem:s17], [sflag:$0x1], $0x1, s31, s16, $0xb8;
	[tilespmem:$0x5800] =	vst v63  }
0x66: {  	s26 =	simm.s32 $0xA80  }
0x67: {  	[spmem:s1] =	stream.indirect.scatter.add.f32 [tilespmem:s17], [sflag:$0x1], $0x1, s26, s16, $0xb8;
	[tilespmem:$0x5800] =	vst v63  }
0x68: {  	s30 =	simm.s32 $0x3280  }
0x69: {  	[spmem:s2] =	stream.indirect.scatter.add.f32 [tilespmem:s17], [sflag:$0x1], $0x1, s30, s16, $0xb8;
	[tilespmem:$0x5800] =	vst v63  }
0x6a: {  	s31 =	simm.s32 $0xB00  }
0x6b: {  	[spmem:s1] =	stream.indirect.scatter.add.f32 [tilespmem:s17], [sflag:$0x1], $0x1, s31, s16, $0xb8;
	[tilespmem:$0x5800] =	vst v63  }
0x6c: {  	s26 =	simm.s32 $0x3300  }
0x6d: {  	[spmem:s2] =	stream.indirect.scatter.add.f32 [tilespmem:s17], [sflag:$0x1], $0x1, s26, s16, $0xb8;
	[tilespmem:$0x5800] =	vst v63  }
0x6e: {  	s30 =	simm.s32 $0xB80  }
0x6f: {  	[spmem:s1] =	stream.indirect.scatter.add.f32 [tilespmem:s17], [sflag:$0x1], $0x1, s30, s16, $0xb8;
	[tilespmem:$0x5800] =	vst v63  }
0x70: {  	s31 =	simm.s32 $0x3380  }
0x71: {  	[spmem:s2] =	stream.indirect.scatter.add.f32 [tilespmem:s17], [sflag:$0x1], $0x1, s31, s16, $0xb8;
	[tilespmem:$0x5800] =	vst v63  }
0x72: {  	_ =	swait.ge [sflag:s18], $0x80  }
0x73: {  	[sflag:s18] =	ssyncset.done $0x0  }
0x74: {  	[sflag:s18] =	ssyncadd.s32 $0xFFFFFF80  }
0x75: {  	_ =	swait.ge [sflag:s18], $0x80  }
0x76: {  	[sflag:s18] =	ssyncset.done $0x0  }
0x77: {  	[sflag:s18] =	ssyncadd.s32 $0xFFFFFF80  }
0x78: {  	_ =	swait.ge [sflag:s18], $0x80  }
0x79: {  	[sflag:s18] =	ssyncset.done $0x0  }
0x7a: {  	[sflag:s18] =	ssyncadd.s32 $0xFFFFFF80  }
0x7b: {  	_ =	swait.ge [sflag:s18], $0x80  }
0x7c: {  	[sflag:s18] =	ssyncset.done $0x0  }
0x7d: {  	[sflag:s18] =	ssyncadd.s32 $0xFFFFFF80  }
0x7e: {  	_ =	swait.ge [sflag:s18], $0x80  }
0x7f: {  	[sflag:s18] =	ssyncset.done $0x0  }
0x80: {  	[sflag:s18] =	ssyncadd.s32 $0xFFFFFF80  }
0x81: {  	_ =	swait.ge [sflag:s18], $0x80  }
0x82: {  	[sflag:s18] =	ssyncset.done $0x0  }
0x83: {  	[sflag:s18] =	ssyncadd.s32 $0xFFFFFF80  }
0x84: {  	_ =	swait.ge [sflag:s18], $0x80  }
0x85: {  	[sflag:s18] =	ssyncset.done $0x0  }
0x86: {  	[sflag:s18] =	ssyncadd.s32 $0xFFFFFF80  }
0x87: {  	_ =	swait.ge [sflag:s18], $0x80  }
0x88: {  	[sflag:s18] =	ssyncset.done $0x0  }
0x89: {  	[sflag:s18] =	ssyncadd.s32 $0xFFFFFF80  }
0x8a: {  	_ =	swait.ge [sflag:s18], $0x80  }
0x8b: {  	[sflag:s18] =	ssyncset.done $0x0  }
0x8c: {  	[sflag:s18] =	ssyncadd.s32 $0xFFFFFF80  }
0x8d: {  	_ =	swait.ge [sflag:s18], $0x80  }
0x8e: {  	[sflag:s18] =	ssyncset.done $0x0  }
0x8f: {  	[sflag:s18] =	ssyncadd.s32 $0xFFFFFF80  }
0x90: {  	_ =	swait.ge [sflag:s18], $0x80  }
0x91: {  	[sflag:s18] =	ssyncset.done $0x0  }
0x92: {  	[sflag:s18] =	ssyncadd.s32 $0xFFFFFF80  }
0x93: {  	_ =	swait.ge [sflag:s18], $0x80  }
0x94: {  	[sflag:s18] =	ssyncset.done $0x0  }
0x95: {  	[sflag:s18] =	ssyncadd.s32 $0xFFFFFF80  }
0x96: {  	_ =	swait.ge [sflag:s18], $0x80  }
0x97: {  	[sflag:s18] =	ssyncset.done $0x0  }
0x98: {  	[sflag:s18] =	ssyncadd.s32 $0xFFFFFF80  }
0x99: {  	_ =	swait.ge [sflag:s18], $0x80  }
0x9a: {  	[sflag:s18] =	ssyncset.done $0x0  }
0x9b: {  	[sflag:s18] =	ssyncadd.s32 $0xFFFFFF80  }
0x9c: {  	_ =	swait.ge [sflag:s18], $0x80  }
0x9d: {  	[sflag:s18] =	ssyncset.done $0x0  }
0x9e: {  	[sflag:s18] =	ssyncadd.s32 $0xFFFFFF80  }
0x9f: {  	_ =	swait.ge [sflag:s18], $0x80  }
0xa0: {  	s29 =	simm.s32 $0x2000;
	s28 =	simm.s32 $0x400;
	[sflag:s18] =	ssyncset.done $0x0  }
.LBB2_2:
0xa1: {  	s30 =	sadd.s32 $0x800, s28  }
0xa2: {  	[sflag:s18] =	ssyncadd.s32 $0xFFFFFF80;
	s26 =	smov.u32 s29;
	s25 =	sadd.s32 $0x1000, s29  }
0xa3: {  	[spmem:s1] =	stream.indirect.scatter.add.f32 [tilespmem:s17], [sflag:$0x1], $0x1, s30, s16, $0xb8;
	[tilespmem:$0x5800] =	vst v63  }
0xa4: {  	p0 =	sne.s32 s29, $0x9000;
	s29 =	sadd.s32 $0x3000, s28  }
0xa5: {  	[spmem:s2] =	stream.indirect.scatter.add.f32 [tilespmem:s17], [sflag:$0x1], $0x1, s29, s16, $0xb8;
	[tilespmem:$0x5800] =	vst v63  }
0xa6: {  	s29 =	sadd.s32 $0x880, s28  }
0xa7: {  	[spmem:s1] =	stream.indirect.scatter.add.f32 [tilespmem:s17], [sflag:$0x1], $0x1, s29, s16, $0xb8;
	[tilespmem:$0x5800] =	vst v63  }
0xa8: {  	s29 =	sadd.s32 $0x3080, s28  }
0xa9: {  	[spmem:s2] =	stream.indirect.scatter.add.f32 [tilespmem:s17], [sflag:$0x1], $0x1, s29, s16, $0xb8;
	[tilespmem:$0x5800] =	vst v63  }
0xaa: {  	s29 =	sadd.s32 $0x900, s28  }
0xab: {  	[spmem:s1] =	stream.indirect.scatter.add.f32 [tilespmem:s17], [sflag:$0x1], $0x1, s29, s16, $0xb8;
	[tilespmem:$0x5800] =	vst v63  }
0xac: {  	s29 =	sadd.s32 $0x3100, s28  }
0xad: {  	[spmem:s2] =	stream.indirect.scatter.add.f32 [tilespmem:s17], [sflag:$0x1], $0x1, s29, s16, $0xb8;
	[tilespmem:$0x5800] =	vst v63  }
0xae: {  	s29 =	sadd.s32 $0x980, s28  }
0xaf: {  	[spmem:s1] =	stream.indirect.scatter.add.f32 [tilespmem:s17], [sflag:$0x1], $0x1, s29, s16, $0xb8;
	[tilespmem:$0x5800] =	vst v63  }
0xb0: {  	s29 =	sadd.s32 $0x3180, s28  }
0xb1: {  	[spmem:s2] =	stream.indirect.scatter.add.f32 [tilespmem:s17], [sflag:$0x1], $0x1, s29, s16, $0xb8;
	[tilespmem:$0x5800] =	vst v63  }
0xb2: {  	s29 =	sadd.s32 $0xA00, s28  }
0xb3: {  	[spmem:s1] =	stream.indirect.scatter.add.f32 [tilespmem:s17], [sflag:$0x1], $0x1, s29, s16, $0xb8;
	[tilespmem:$0x5800] =	vst v63  }
0xb4: {  	s29 =	sadd.s32 $0x3200, s28  }
0xb5: {  	[spmem:s2] =	stream.indirect.scatter.add.f32 [tilespmem:s17], [sflag:$0x1], $0x1, s29, s16, $0xb8;
	[tilespmem:$0x5800] =	vst v63  }
0xb6: {  	s29 =	sadd.s32 $0xA80, s28  }
0xb7: {  	[spmem:s1] =	stream.indirect.scatter.add.f32 [tilespmem:s17], [sflag:$0x1], $0x1, s29, s16, $0xb8;
	[tilespmem:$0x5800] =	vst v63  }
0xb8: {  	s29 =	sadd.s32 $0x3280, s28  }
0xb9: {  	[spmem:s2] =	stream.indirect.scatter.add.f32 [tilespmem:s17], [sflag:$0x1], $0x1, s29, s16, $0xb8;
	[tilespmem:$0x5800] =	vst v63  }
0xba: {  	s29 =	sadd.s32 $0xB00, s28  }
0xbb: {  	[spmem:s1] =	stream.indirect.scatter.add.f32 [tilespmem:s17], [sflag:$0x1], $0x1, s29, s16, $0xb8;
	[tilespmem:$0x5800] =	vst v63  }
0xbc: {  	s29 =	sadd.s32 $0x3300, s28  }
0xbd: {  	[spmem:s2] =	stream.indirect.scatter.add.f32 [tilespmem:s17], [sflag:$0x1], $0x1, s29, s16, $0xb8;
	[tilespmem:$0x5800] =	vst v63  }
0xbe: {  	s29 =	sadd.s32 $0xB80, s28  }
0xbf: {  	[spmem:s1] =	stream.indirect.scatter.add.f32 [tilespmem:s17], [sflag:$0x1], $0x1, s29, s16, $0xb8;
	[tilespmem:$0x5800] =	vst v63  }
0xc0: {  	s28 =	sadd.s32 $0x3380, s28  }
0xc1: {  	[spmem:s2] =	stream.indirect.scatter.add.f32 [tilespmem:s17], [sflag:$0x1], $0x1, s28, s16, $0xb8;
	[tilespmem:$0x5800] =	vst v63  }
0xc2: {  	_ =	swait.ge [sflag:s18], $0x80  }
0xc3: {  	[sflag:s18] =	ssyncset.done $0x0  }
0xc4: {  	[sflag:s18] =	ssyncadd.s32 $0xFFFFFF80  }
0xc5: {  	_ =	swait.ge [sflag:s18], $0x80  }
0xc6: {  	[sflag:s18] =	ssyncset.done $0x0  }
0xc7: {  	[sflag:s18] =	ssyncadd.s32 $0xFFFFFF80  }
0xc8: {  	_ =	swait.ge [sflag:s18], $0x80  }
0xc9: {  	[sflag:s18] =	ssyncset.done $0x0  }
0xca: {  	[sflag:s18] =	ssyncadd.s32 $0xFFFFFF80  }
0xcb: {  	_ =	swait.ge [sflag:s18], $0x80  }
0xcc: {  	[sflag:s18] =	ssyncset.done $0x0  }
0xcd: {  	[sflag:s18] =	ssyncadd.s32 $0xFFFFFF80  }
0xce: {  	_ =	swait.ge [sflag:s18], $0x80  }
0xcf: {  	[sflag:s18] =	ssyncset.done $0x0  }
0xd0: {  	[sflag:s18] =	ssyncadd.s32 $0xFFFFFF80  }
0xd1: {  	_ =	swait.ge [sflag:s18], $0x80  }
0xd2: {  	[sflag:s18] =	ssyncset.done $0x0  }
0xd3: {  	[sflag:s18] =	ssyncadd.s32 $0xFFFFFF80  }
0xd4: {  	_ =	swait.ge [sflag:s18], $0x80  }
0xd5: {  	[sflag:s18] =	ssyncset.done $0x0  }
0xd6: {  	[sflag:s18] =	ssyncadd.s32 $0xFFFFFF80  }
0xd7: {  	_ =	swait.ge [sflag:s18], $0x80  }
0xd8: {  	[sflag:s18] =	ssyncset.done $0x0  }
0xd9: {  	[sflag:s18] =	ssyncadd.s32 $0xFFFFFF80  }
0xda: {  	_ =	swait.ge [sflag:s18], $0x80  }
0xdb: {  	[sflag:s18] =	ssyncset.done $0x0  }
0xdc: {  	[sflag:s18] =	ssyncadd.s32 $0xFFFFFF80  }
0xdd: {  	_ =	swait.ge [sflag:s18], $0x80  }
0xde: {  	[sflag:s18] =	ssyncset.done $0x0  }
0xdf: {  	[sflag:s18] =	ssyncadd.s32 $0xFFFFFF80  }
0xe0: {  	_ =	swait.ge [sflag:s18], $0x80  }
0xe1: {  	[sflag:s18] =	ssyncset.done $0x0  }
0xe2: {  	[sflag:s18] =	ssyncadd.s32 $0xFFFFFF80  }
0xe3: {  	_ =	swait.ge [sflag:s18], $0x80  }
0xe4: {  	[sflag:s18] =	ssyncset.done $0x0  }
0xe5: {  	[sflag:s18] =	ssyncadd.s32 $0xFFFFFF80  }
0xe6: {  	_ =	swait.ge [sflag:s18], $0x80  }
0xe7: {  	[sflag:s18] =	ssyncset.done $0x0  }
0xe8: {  	[sflag:s18] =	ssyncadd.s32 $0xFFFFFF80  }
0xe9: {  	_ =	swait.ge [sflag:s18], $0x80  }
0xea: {  	[sflag:s18] =	ssyncset.done $0x0  }
0xeb: {  	[sflag:s18] =	ssyncadd.s32 $0xFFFFFF80  }
.Ltmp0:
0xec: {  	_ =	swait.ge [sflag:s18], $0x80;
	(pc) =	sbr.rel @p0 .LBB2_2-.Ltmp0, $4  }
0xed: {  	[sflag:s18] =	ssyncset.done $0x0  }
0xee: {  	[sflag:s18] =	ssyncadd.s32 $0xFFFFFF80  }
0xef: {  	_ =	swait.ge [sflag:s18], $0x80  }
0xf0: {  	s29 =	smov.u32 s25;
	s28 =	sshra.s32 s26, $0x2;
	[sflag:s18] =	ssyncset.done $0x0  }
0xf1: {  	s25 =	sadd.s32 $0x800, s28;
	[sflag:s18] =	ssyncadd.s32 $0xFFFFFF80  }
0xf2: {  	[spmem:s1] =	stream.indirect.scatter.add.f32 [tilespmem:s17], [sflag:$0x1], $0x1, s25, s16, $0xb8;
	[tilespmem:$0x5800] =	vst v63  }
0xf3: {  	s29 =	sadd.s32 $0x3000, s28  }
0xf4: {  	[spmem:s2] =	stream.indirect.scatter.add.f32 [tilespmem:s17], [sflag:$0x1], $0x1, s29, s16, $0xb8;
	[tilespmem:$0x5800] =	vst v63  }
0xf5: {  	s30 =	sadd.s32 $0x880, s28  }
0xf6: {  	[spmem:s1] =	stream.indirect.scatter.add.f32 [tilespmem:s17], [sflag:$0x1], $0x1, s30, s16, $0xb8;
	[tilespmem:$0x5800] =	vst v63  }
0xf7: {  	s31 =	sadd.s32 $0x3080, s28  }
0xf8: {  	[spmem:s2] =	stream.indirect.scatter.add.f32 [tilespmem:s17], [sflag:$0x1], $0x1, s31, s16, $0xb8;
	[tilespmem:$0x5800] =	vst v63  }
0xf9: {  	s26 =	sadd.s32 $0x900, s28  }
0xfa: {  	[spmem:s1] =	stream.indirect.scatter.add.f32 [tilespmem:s17], [sflag:$0x1], $0x1, s26, s16, $0xb8;
	[tilespmem:$0x5800] =	vst v63  }
0xfb: {  	s29 =	sadd.s32 $0x3100, s28  }
0xfc: {  	[spmem:s2] =	stream.indirect.scatter.add.f32 [tilespmem:s17], [sflag:$0x1], $0x1, s29, s16, $0xb8;
	[tilespmem:$0x5800] =	vst v63  }
0xfd: {  	s30 =	sadd.s32 $0x980, s28  }
0xfe: {  	[spmem:s1] =	stream.indirect.scatter.add.f32 [tilespmem:s17], [sflag:$0x1], $0x1, s30, s16, $0xb8;
	[tilespmem:$0x5800] =	vst v63  }
0xff: {  	s31 =	sadd.s32 $0x3180, s28  }
0x100: {  	[spmem:s2] =	stream.indirect.scatter.add.f32 [tilespmem:s17], [sflag:$0x1], $0x1, s31, s16, $0xb8;
	[tilespmem:$0x5800] =	vst v63  }
0x101: {  	s26 =	sadd.s32 $0xA00, s28  }
0x102: {  	[spmem:s1] =	stream.indirect.scatter.add.f32 [tilespmem:s17], [sflag:$0x1], $0x1, s26, s16, $0xb8;
	[tilespmem:$0x5800] =	vst v63  }
0x103: {  	s29 =	sadd.s32 $0x3200, s28  }
0x104: {  	[spmem:s2] =	stream.indirect.scatter.add.f32 [tilespmem:s17], [sflag:$0x1], $0x1, s29, s16, $0xb8;
	[tilespmem:$0x5800] =	vst v63  }
0x105: {  	s30 =	sadd.s32 $0xA80, s28  }
0x106: {  	[spmem:s1] =	stream.indirect.scatter.add.f32 [tilespmem:s17], [sflag:$0x1], $0x1, s30, s16, $0xb8;
	[tilespmem:$0x5800] =	vst v63  }
0x107: {  	s31 =	sadd.s32 $0x3280, s28  }
0x108: {  	[spmem:s2] =	stream.indirect.scatter.add.f32 [tilespmem:s17], [sflag:$0x1], $0x1, s31, s16, $0xb8;
	[tilespmem:$0x5800] =	vst v63  }
0x109: {  	s26 =	sadd.s32 $0xB00, s28  }
0x10a: {  	[spmem:s1] =	stream.indirect.scatter.add.f32 [tilespmem:s17], [sflag:$0x1], $0x1, s26, s16, $0xb8;
	[tilespmem:$0x5800] =	vst v63  }
0x10b: {  	s29 =	sadd.s32 $0x3300, s28  }
0x10c: {  	[spmem:s2] =	stream.indirect.scatter.add.f32 [tilespmem:s17], [sflag:$0x1], $0x1, s29, s16, $0xb8;
	[tilespmem:$0x5800] =	vst v63  }
0x10d: {  	s30 =	sadd.s32 $0xB80, s28  }
0x10e: {  	[spmem:s1] =	stream.indirect.scatter.add.f32 [tilespmem:s17], [sflag:$0x1], $0x1, s30, s16, $0xb8;
	[tilespmem:$0x5800] =	vst v63  }
0x10f: {  	s31 =	sadd.s32 $0x3380, s28  }
0x110: {  	[spmem:s2] =	stream.indirect.scatter.add.f32 [tilespmem:s17], [sflag:$0x1], $0x1, s31, s16, $0xb8;
	[tilespmem:$0x5800] =	vst v63  }
0x111: {  	_ =	swait.ge [sflag:s18], $0x80  }
0x112: {  	[sflag:s18] =	ssyncset.done $0x0  }
0x113: {  	[sflag:s18] =	ssyncadd.s32 $0xFFFFFF80  }
0x114: {  	_ =	swait.ge [sflag:s18], $0x80  }
0x115: {  	[sflag:s18] =	ssyncset.done $0x0  }
0x116: {  	[sflag:s18] =	ssyncadd.s32 $0xFFFFFF80  }
0x117: {  	_ =	swait.ge [sflag:s18], $0x80  }
0x118: {  	[sflag:s18] =	ssyncset.done $0x0  }
0x119: {  	[sflag:s18] =	ssyncadd.s32 $0xFFFFFF80  }
0x11a: {  	_ =	swait.ge [sflag:s18], $0x80  }
0x11b: {  	[sflag:s18] =	ssyncset.done $0x0  }
0x11c: {  	[sflag:s18] =	ssyncadd.s32 $0xFFFFFF80  }
0x11d: {  	_ =	swait.ge [sflag:s18], $0x80  }
0x11e: {  	[sflag:s18] =	ssyncset.done $0x0  }
0x11f: {  	[sflag:s18] =	ssyncadd.s32 $0xFFFFFF80  }
0x120: {  	_ =	swait.ge [sflag:s18], $0x80  }
0x121: {  	[sflag:s18] =	ssyncset.done $0x0  }
0x122: {  	[sflag:s18] =	ssyncadd.s32 $0xFFFFFF80  }
0x123: {  	_ =	swait.ge [sflag:s18], $0x80  }
0x124: {  	[sflag:s18] =	ssyncset.done $0x0  }
0x125: {  	[sflag:s18] =	ssyncadd.s32 $0xFFFFFF80  }
0x126: {  	_ =	swait.ge [sflag:s18], $0x80  }
0x127: {  	[sflag:s18] =	ssyncset.done $0x0  }
0x128: {  	[sflag:s18] =	ssyncadd.s32 $0xFFFFFF80  }
0x129: {  	_ =	swait.ge [sflag:s18], $0x80  }
0x12a: {  	[sflag:s18] =	ssyncset.done $0x0  }
0x12b: {  	[sflag:s18] =	ssyncadd.s32 $0xFFFFFF80  }
0x12c: {  	_ =	swait.ge [sflag:s18], $0x80  }
0x12d: {  	[sflag:s18] =	ssyncset.done $0x0  }
0x12e: {  	[sflag:s18] =	ssyncadd.s32 $0xFFFFFF80  }
0x12f: {  	_ =	swait.ge [sflag:s18], $0x80  }
0x130: {  	[sflag:s18] =	ssyncset.done $0x0  }
0x131: {  	[sflag:s18] =	ssyncadd.s32 $0xFFFFFF80  }
0x132: {  	_ =	swait.ge [sflag:s18], $0x80  }
0x133: {  	[sflag:s18] =	ssyncset.done $0x0  }
0x134: {  	[sflag:s18] =	ssyncadd.s32 $0xFFFFFF80  }
0x135: {  	_ =	swait.ge [sflag:s18], $0x80  }
0x136: {  	[sflag:s18] =	ssyncset.done $0x0  }
0x137: {  	[sflag:s18] =	ssyncadd.s32 $0xFFFFFF80  }
0x138: {  	_ =	swait.ge [sflag:s18], $0x80  }
0x139: {  	[sflag:s18] =	ssyncset.done $0x0  }
0x13a: {  	[sflag:s18] =	ssyncadd.s32 $0xFFFFFF80  }
0x13b: {  	_ =	swait.ge [sflag:s18], $0x80  }
0x13c: {  	[sflag:s18] =	ssyncset.done $0x0  }
0x13d: {  	[sflag:s18] =	ssyncadd.s32 $0xFFFFFF80  }
0x13e: {  	_ =	swait.ge [sflag:s18], $0x80  }
0x13f: {  	[sflag:s18] =	ssyncset.done $0x0  }
0x140: {  	[sflag:s18] =	ssyncadd.s32 $0xFFFFFF80  }
0x141: {  	[bflag:$0x0] =	sbarrier.arrive $0xFFFF  }
0x142: {  	[hbm:s9@s21], [sflag:s19] =	dma.strided [spmem:s20@s22], $0x50, s18, $0x10   }
0x143: {  	s24 =	sadd.s32 $0x1, s24;
	_ =	swait.ge [sflag:s13], $0x50  }
0x144: {  	p0 =	sne.s32 s24, s11;
	[sflag:s13] =	ssyncset.done $0x0  }
.Ltmp1:
0x145: {  	[sflag:s13] =	ssyncadd.s32 $0xFFFFFFB0;
	(pc) =	sbr.rel @p0 .LBB2_1-.Ltmp1, $4  }
0x146: {  	[hbm:s10@s21], [sflag:s19] =	dma.strided [spmem:s23@s22], $0x50, s18, $0x10   }
0x147: {  	_ =	swait.ge [sflag:s13], $0x50  }
0x148: {  	[sflag:s13] =	ssyncset.done $0x0  }
0x149: {  	[sflag:s13] =	ssyncadd.s32 $0xFFFFFFB0  }
0x14a: {  	_ =	sfence.sel $0x180000  }
0x14b: {  	[bflag:$0x0] =	sbarrier.arrive $0xFFFF  }
0x14c: {  	p0 =	sne.s32 s3, $0x0;
	_ =	strace $0x90000047  }
0x14d: {  	s0 =	sadd.s32 @!p0 $0x100000, s0;
	[bflag:$0x2] =	sbarrier.arrive $0xFFFF  }
0x14e: {  	[sflag:s0] =	ssyncadd.tile.s32 @!p0 $0x1;
	_ =	shalt  }
.Lfunc_end2:
_tile_overlayer_lowered:
.L_overlay_start_2:
0x14f: {  	(tag) =	ssettag $0x2  }
0x150: {  	s0 =	rddreg [dreg:$0x0];
	s2 =	stileid.u32  }
0x151: {  	s1 =	rddreg [dreg:$0x1];
	p0 =	sne.s32 s2, $0x0  }
0x152: {  	s3 =	rddreg [dreg:$0x2];
	[bflag:$0x3] =	sbarrier.arrive $0xFFFF;
	s2 =	simm.s32 @!p0 $0x1C02  }
0x153: {  	[timem:s3], [sflag:s2] =	dma.local @!p0 [hbm:s0], s1  }
0x154: {  	s0 =	simm.s32 @!p0 $0x2  }
0x155: {  	_ =	swait.ge @!p0 [sflag:s0], s1  }
0x156: {  	s1 =	ssub.s32 @!p0 $0x0, s1;
	[sflag:s0] =	ssyncset.done @!p0 $0x0  }
0x157: {  	[sflag:s0] =	ssyncadd.s32 @!p0 s1  }
0x158: {  	[bflag:$0x3] =	sbarrier.arrive $0xFFFF  }
0x159: {  	_ =	shalt  }

// kernel: kernel.13.cloned.1.call-start
scs
__scs_entry_jumppad:
0x0: {  	(pc) =	sbr.rel $0x88, $3  }
0x1: {  	(tag) =	ssettag $0x0;
	lr =	simm.s32 $0x1  }
0x2: {  	[smem:$0x3F93] =	sst lr;
	_ =	strace $0xD0000000  }
0x3: {  	_ = 	snop  }
0x4: {  	_ = 	snop  }
0x5: {  	_ = 	snop  }
0x6: {  	_ = 	snop  }
0x7: {  	_ = 	snop  }
__scs_overlays_trampoline_lowered:
0x8: {  	[smem:$0x3FA2] =	sst s0  }
0x9: {  	[smem:$0x3FA3] =	sst s1  }
0xa: {  	[smem:$0x3FA4] =	sst s2  }
0xb: {  	[smem:$0x3FA5] =	sst s3  }
0xc: {  	[smem:$0x3FA6] =	sst s4  }
0xd: {  	[smem:$0x3FA7] =	sst s5  }
0xe: {  	[smem:$0x3FA8] =	sst s6  }
0xf: {  	[smem:$0x3FA9] =	sst s7  }
0x10: {  	[smem:$0x3FAA] =	sst s8  }
0x11: {  	[smem:$0x3FAB] =	sst s9;
	s0 =	simm.s32 @!p0 $0x0  }
0x12: {  	s1 =	sld [smem:$0x3F91];
	s0 =	simm.s32 @p0 $0x1  }
0x13: {  	[smem:$0x3FAC] =	sst s0;
	s0 =	simm.s32 @!p1 $0x0  }
0x14: {  	s2 =	sld [smem:$0x3F90];
	s0 =	simm.s32 @p1 $0x1  }
0x15: {  	[smem:$0x3FAD] =	sst s0;
	s0 =	simm.s32 @!p2 $0x0  }
0x16: {  	s3 =	sld [smem:$0x3FDB];
	s0 =	simm.s32 @p2 $0x1  }
0x17: {  	s4 =	simm.s32 $0x1BF5;
	[smem:$0x3FAF] =	sst s0  }
0x18: {  	s0 =	sld [smem:$0x3F92];
	_ =	swait.ge [sflag:s4], $0x0  }
0x19: {  	s7 =	sld [smem:$0x3F93]  }
0x1a: {  	s8 =	sadd.s32 $0xFFFFE003, lr  }
0x1b: {  	s9 =	sadd.s32 $0xFFFFFEF7, lr;
	s5 =	simm.s32 $0xFFFFFFFF;
	p2 =	slt.u32 s8, $0xFFFFF086  }
0x1c: {  	p1 =	slt.u32 s9, $0xF7A;
	s5 =	simm.s32 @!p2 $0x0  }
0x1d: {  	s5 =	simm.s32 @p1 $0x1;
	p0 =	seq.s32 s7, s2  }
0x1e: {  	s7 =	smul.u32 @!p0 $0xF7A, s2;
	p2 =	seq.s32 @!p0 s5, $0x0  }
0x1f: {  	s9 =	smul.u32 $0xF7A, s1;
	s8 =	simm.s32 @!p0 $0x1BF5;
	p2 =	por !p2, p0  }
0x20: {  	[sflag:s8] =	ssyncset.s32 @!p0 $0xFFFFF086;
	s6 =	sadd.s32 @!p0 s3, s7;
	s7 =	simm.s32 @!p0 $0x108  }
0x21: {  	s3 =	sadd.s32 s3, s9;
	s6 =	sadd.s32 @!p0 $0x88, s6;
	s7 =	simm.s32 @p2 $0x1082  }
0x22: {  	[simem:s7], [sflag:s8] =	dma.local @!p0 [hbm:s6], $0xF7A  }
0x23: {  	s9 =	sor.u32 $0xD0000000, s2;
	s6 =	simm.s32 $0x108;
	_ =	swait.ge @!p0 [sflag:s8], $0x0  }
0x24: {  	s3 =	sadd.s32 $0x88, s3;
	s6 =	simm.s32 @!p1 $0x1082;
	[sflag:s4] =	ssyncset.s32 $0xFFFFF086  }
0x25: {  	[simem:s6], [sflag:s4] =	dma.local [hbm:s3], $0xF7A  }
0x26: {  	[smem:$0x3F93] =	sst s1;
	(tag) =	ssettag s2;
	_ =	strace s9  }
0x27: {  	s1 =	sld [smem:$0x3FA3]  }
0x28: {  	s2 =	sld [smem:$0x3FA4]  }
0x29: {  	s4 =	sld [smem:$0x3FA6]  }
0x2a: {  	p0 =	seq.s32 s5, $0x0;
	s5 =	sld [smem:$0x3FA7]  }
0x2b: {  	s6 =	sld [smem:$0x3FA8]  }
0x2c: {  	s7 =	sld [smem:$0x3FA9]  }
0x2d: {  	s3 =	simm.s32 $0x108;
	s8 =	sld [smem:$0x3FAA]  }
0x2e: {  	s3 =	simm.s32 @!p0 $0x1082;
	s9 =	sld [smem:$0x3FAB]  }
0x2f: {  	lr =	sadd.s32 s0, s3;
	s0 =	sld [smem:$0x3FA2]  }
0x30: {  	s3 =	sld [smem:$0x3FA5]  }
0x31: {  	[smem:$0x3FAE] =	sst s10  }
0x32: {  	s10 =	sld [smem:$0x3FAC];
	_ =	sdelay $0x3  }
0x33: {  	p0 =	seq.s32 s10, $0x1;
	s10 =	sld [smem:$0x3FAE];
	_ =	sdelay $0x3  }
0x34: {  	[smem:$0x3FAE] =	sst s10  }
0x35: {  	s10 =	sld [smem:$0x3FAD];
	_ =	sdelay $0x3  }
0x36: {  	p1 =	seq.s32 s10, $0x1;
	s10 =	sld [smem:$0x3FAE];
	_ =	sdelay $0x3  }
0x37: {  	[smem:$0x3FAE] =	sst s10  }
0x38: {  	s10 =	sld [smem:$0x3FAF]  }
0x39: {  	_ = 	snop;
	(pc) =	sbr.ind lr, $3  }
0x3a: {  	_ = 	snop  }
0x3b: {  	_ = 	snop  }
0x3c: {  	p2 =	seq.s32 s10, $0x1;
	s10 =	sld [smem:$0x3FAE]  }
0x3d: {  	_ =	shalt  }
0x3e: {  	_ =	shalt  }
0x3f: {  	_ =	shalt  }
0x40: {  	_ =	shalt  }
0x41: {  	_ =	shalt  }
0x42: {  	_ =	shalt  }
0x43: {  	_ =	shalt  }
0x44: {  	_ =	shalt  }
0x45: {  	_ =	shalt  }
0x46: {  	_ =	shalt  }
0x47: {  	_ =	shalt  }
0x48: {  	_ =	shalt  }
0x49: {  	_ =	shalt  }
0x4a: {  	_ =	shalt  }
0x4b: {  	_ =	shalt  }
0x4c: {  	_ =	shalt  }
0x4d: {  	_ =	shalt  }
0x4e: {  	_ =	shalt  }
0x4f: {  	_ =	shalt  }
0x50: {  	_ =	shalt  }
0x51: {  	_ =	shalt  }
0x52: {  	_ =	shalt  }
0x53: {  	_ =	shalt  }
0x54: {  	_ =	shalt  }
0x55: {  	_ =	shalt  }
0x56: {  	_ =	shalt  }
0x57: {  	_ =	shalt  }
0x58: {  	_ =	shalt  }
0x59: {  	_ =	shalt  }
0x5a: {  	_ =	shalt  }
0x5b: {  	_ =	shalt  }
0x5c: {  	_ =	shalt  }
0x5d: {  	_ =	shalt  }
0x5e: {  	_ =	shalt  }
0x5f: {  	_ =	shalt  }
0x60: {  	_ =	shalt  }
0x61: {  	_ =	shalt  }
0x62: {  	_ =	shalt  }
0x63: {  	_ =	shalt  }
0x64: {  	_ =	shalt  }
0x65: {  	_ =	shalt  }
0x66: {  	_ =	shalt  }
0x67: {  	_ =	shalt  }
0x68: {  	_ =	shalt  }
0x69: {  	_ =	shalt  }
0x6a: {  	_ =	shalt  }
0x6b: {  	_ =	shalt  }
0x6c: {  	_ =	shalt  }
0x6d: {  	_ =	shalt  }
0x6e: {  	_ =	shalt  }
0x6f: {  	_ =	shalt  }
0x70: {  	_ =	shalt  }
0x71: {  	_ =	shalt  }
0x72: {  	_ =	shalt  }
0x73: {  	_ =	shalt  }
0x74: {  	_ =	shalt  }
0x75: {  	_ =	shalt  }
0x76: {  	_ =	shalt  }
0x77: {  	_ =	shalt  }
0x78: {  	_ =	shalt  }
0x79: {  	_ =	shalt  }
0x7a: {  	_ =	shalt  }
0x7b: {  	_ =	shalt  }
0x7c: {  	_ =	shalt  }
0x7d: {  	_ =	shalt  }
0x7e: {  	_ =	shalt  }
0x7f: {  	_ =	shalt  }
0x80: {  	_ =	shalt  }
0x81: {  	_ =	shalt  }
0x82: {  	_ =	shalt  }
0x83: {  	_ =	shalt  }
0x84: {  	_ =	shalt  }
0x85: {  	_ =	shalt  }
0x86: {  	_ =	shalt  }
0x87: {  	_ =	shalt  }
.Lfunc_end0:
.L_simem_size_0:
called_computation.1_lowered:
.L_overlay_start_0:
0x88: {  	s2 =	sld [smem:$0x3FD9]  }
0x89: {  	s3 =	sld [smem:$0x3FFE];
	_ =	sdelay $0x1  }
0x8a: {  	s1 =	srdreg.scid  }
0x8b: {  	s0 =	sand.u32 $0x1, s1  }
0x8c: {  	s16 =	sshll.u32 s0, $0xA;
	s2 =	sadd.s32 s3, s2  }
0x8d: {  	s2 =	sadd.s32 s2, s16  }
0x8e: {  	[smem:$0x3FBA] =	sst s2  }
0x8f: {  	_ = 	snop  }
0x90: {  	(tm) =	ssettm $0x1  }
0x91: {  	s17 =	sld [smem:$0x3FFB];
	_ =	sdelay $0x3  }
0x92: {  	_ =	strace s17  }
0x93: {  	s2 =	sld [smem:$0x3FFC];
	_ =	sdelay $0x3  }
0x94: {  	_ =	strace s2  }
0x95: {  	s2 =	sld [smem:$0x3FFD];
	_ =	sdelay $0x3  }
0x96: {  	_ =	strace s2  }
0x97: {  	_ =	strace $0x8FFFFFFF  }
0x98: {  	s18 =	sld [smem:$0x3FDB];
	_ =	sdelay $0x1  }
0x99: {  	s19 =	simm.s32 $_scs_section_size  }
0x9a: {  	s4 =	simm.s32 $_size__tile_overlayer_lowered;
	s5 =	simm.s32 $_tile_overlayer_lowered  }
0x9b: {  	s22 =	simm.s32 $0x1BFF;
	s21 =	sshll.u32 s5, $0x1;
	s2 =	sadd.s32 s19, s18  }
0x9c: {  	s6 =	simm.s32 $0x0;
	s20 =	sshll.u32 s4, $0x1;
	s4 =	sadd.s32 s21, s2  }
0x9d: {  	[timem:s6], [sflag:s22] =	dma.local [hbm:s4], s20  }
0x9e: {  	_ =	swait.ge [sflag:s22], s20  }
0x9f: {  	s3 =	ssub.s32 $0x0, s20;
	[sflag:s22] =	ssyncset.done $0x0  }
0xa0: {  	[sflag:s22] =	ssyncadd.s32 s3;
	_ =	sdelay $0x1  }
0xa1: {  	s23 =	simm.s32 $0x1B8B  }
0xa2: {  	_ =	swait.ge [sflag:s23], $0x1  }
0xa3: {  	[sflag:s23] =	ssyncset.done $0x0  }
0xa4: {  	s25 =	simm.s32 $0x1B8E;
	s24 =	sld [smem:$0x3FFE];
	[sflag:s23] =	ssyncadd.s32 $0xFFFFFFFF  }
0xa5: {  	s26 =	simm.s32 $execute0_lowered;
	[smem:$0x3FD2] =	sst s25  }
0xa6: {  	s4 =	sshll.u32 s26, $0x1;
	_ =	strace $0x80000049;
	[dreg:$0x1] =	wrdreg $0xFFFFFFFF  }
0xa7: {  	s28 =	simm.s32 $_size_execute0_lowered;
	s2 =	sadd.s32 s2, s4;
	[dreg:$0x0] =	wrdreg $0x0  }
0xa8: {  	s4 =	sshll.u32 s28, $0x1;
	[dreg:$0x2] =	wrdreg s2  }
0xa9: {  	[dreg:$0x3] =	wrdreg s4  }
0xaa: {  	[dreg:$0x4] =	wrdreg $0xC0  }
0xab: {  	_ =	task [dreg:s6], $0x5FFFF  }
0xac: {  	[dreg:$0x1] =	wrdreg $0xFFFFFFFF  }
0xad: {  	[dreg:$0x0] =	wrdreg $0x60  }
0xae: {  	[dreg:$0x2] =	wrdreg s24  }
0xaf: {  	[dreg:$0x3] =	wrdreg $0x0  }
0xb0: {  	[dreg:$0x4] =	wrdreg $0x9  }
0xb1: {  	_ =	task.clear_ibuf [dreg:s6], $0x5FFFF;
	_ =	strace $0x90000049  }
0xb2: {  	s29 =	simm.s32 $0x9;
	_ =	strace $0x8000004B  }
0xb3: {  	_ =	swait.ge [sflag:s29], $0x1  }
0xb4: {  	[sflag:s29] =	ssyncadd.s32 $0xFFFFFFFF  }
0xb5: {  	_ =	strace $0x9000004B  }
0xb6: {  	_ =	sfence  }
0xb7: {  	s30 =	sld [smem:$0x0];
	_ =	sdelay $0x2  }
0xb8: {  	s31 =	sshll.u32 s1, $0xD;
	s1 =	sshrl.u32 s1, $0x2  }
0xb9: {  	s3 =	sand.u32 $0x4000, s31;
	s1 =	sadd.s32 s1, s30  }
0xba: {  	s0 =	sor.u32 s3, s0;
	s1 =	sshll.u32 s1, $0x11  }
0xbb: {  	s0 =	sor.u32 s1, s0  }
0xbc: {  	s0 =	sadd.s32 $0x8F2B, s0  }
0xbd: {  	[sflag:s0] =	ssyncadd.remote.s32 $0x1  }
0xbe: {  	_ =	sfence.sel $0xFFFF  }
0xbf: {  	[dreg:$0x0] =	wrdreg $0xFFFFFFFF;
	(pc) =	sbr.abs _section_cstart, $3  }
0xc0: {  	[dreg:$0x1] =	wrdreg $0xFFFFFFFF  }
0xc1: {  	_ =	task.clear_ibuf [dreg:s6], $0x2FFFF;
	_ =	strace $0x9FFFFFFF  }
0xc2: {  	(tm) =	ssettm $0x7FFFFFFF  }
0xc3: {  	_ =	shalt  }
tec
execute0_lowered:
.L_overlay_start_1:
0x0: {  	(tag) =	ssettag $0x1  }
0x1: {  	s6 =	rddreg [dreg:$0x0]  }
0x2: {  	s0 =	srdreg.scid;
	s2 =	rddreg [dreg:$0x1]  }
0x3: {  	s3 =	simm.s32 $0x0;
	s14 =	simm.s32 $0x19000;
	s15 =	simm.s32 $0x2  }
0x4: {  	s16 =	simm.s32 $0x14000;
	s17 =	simm.s32 $0x16800;
	s5 =	sand.u32 $0x1, s0  }
0x5: {  	s18 =	simm.s32 $0x80;
	s0 =	stileid.u32;
	s8 =	smul.u32 $0x140000, s5  }
0x6: {  	s19 =	simm.s32 $0x1;
	[smem:$0x7FF] =	sst s3;
	s9 =	smul.u32 $0x14000, s0  }
0x7: {  	s4 =	sadd.s32 $0x16200, s6;
	s1 =	sshll.u32 s5, $0x4;
	s10 =	smul.u32 $0x50000, s0  }
0x8: {  	s29 =	ssub.s32 $0x2, s5;
	s20 =	sshll.u32 s0, $0x6;
	s1 =	sor.u32 s0, s1  }
0x9: {  	s31 =	sshrl.u32 s29, $0x1;
	s20 =	sor.u32 $0x1C02, s20;
	s7 =	smul.u32 $0x500, s1  }
0xa: {  	s1 =	rddreg [dreg:$0x2];
	_ =	strace $0x8000004A;
	s30 =	sshrl.u32 s10, $0x2  }
0xb: {  	s28 =	sadd.s32 s9, s8;
	s13 =	ssub.s32 s29, s31;
	s5 =	sadd.s32 s30, s2  }
0xc: {  	s13 =	smax.u32 s13, $0x1;
	s11 =	sadd.s32 s7, s6;
	s7 =	sshrl.u32 s28, $0x3  }
0xd: {  	s8 =	sadd.s32 $0xC000, s5;
	s9 =	sadd.s32 $0x10000, s5;
	s21 =	sshrl.u32 s5, $0x3  }
0xe: {  	s12 =	sadd.s32 s7, s6;
	s6 =	sadd.s32 $0x4000, s5;
	s7 =	sadd.s32 $0x8000, s5  }
0xf: {  	v0 =	vimm.f32 $0.0e+00;
	s10 =	sadd.s32 $0x2200, s11;
	s11 =	sadd.s32 $0xC200, s11;
	s12 =	sadd.s32 $0x3DA00, s12  }
.LBB2_1:
0x10: {  	s22 =	simm.s32 $0x0;
	s23 =	simm.s32 $0x200  }
.LBB2_2:
0x11: {  	p0 =	sne.s32 s23, $0xFE00;
	[tilespmem:s22+$0x19070] =	vst v0  }
0x12: {  	[tilespmem:s22+$0x19000] =	vst v0  }
0x13: {  	[tilespmem:s22+$0x19010] =	vst v0  }
.Ltmp0:
0x14: {  	[tilespmem:s22+$0x19020] =	vst v0;
	(pc) =	sbr.rel @p0 .LBB2_2-.Ltmp0, $4  }
0x15: {  	[tilespmem:s22+$0x19030] =	vst v0  }
0x16: {  	[tilespmem:s22+$0x19040] =	vst v0  }
0x17: {  	[tilespmem:s22+$0x19050] =	vst v0  }
0x18: {  	[tilespmem:s22+$0x19060] =	vst v0;
	s22 =	sshra.s32 s23, $0x2;
	s23 =	sadd.s32 $0x200, s23  }
0x19: {  	[tilespmem:s22+$0x19070] =	vst v0  }
0x1a: {  	[tilespmem:s22+$0x19000] =	vst v0  }
0x1b: {  	[tilespmem:s22+$0x19010] =	vst v0  }
0x1c: {  	[tilespmem:s22+$0x19020] =	vst v0  }
0x1d: {  	[tilespmem:s22+$0x19030] =	vst v0  }
0x1e: {  	[tilespmem:s22+$0x19040] =	vst v0  }
0x1f: {  	[tilespmem:s22+$0x19050] =	vst v0  }
0x20: {  	[tilespmem:s22+$0x19060] =	vst v0  }
0x21: {  	[spmem:s5] =	stream.linear.scatter [tilespmem:s14], [sflag:$0x2], $0x4000, $0x38;
	[tilespmem:$0x1D000] =	vst v63  }
0x22: {  	_ =	swait.ge [sflag:s15], $0x4000  }
0x23: {  	[sflag:s15] =	ssyncset.done $0x0  }
0x24: {  	[sflag:s15] =	ssyncadd.s32 $0xFFFFC000  }
0x25: {  	[spmem:s6] =	stream.linear.scatter [tilespmem:s14], [sflag:$0x2], $0x4000, $0x38;
	[tilespmem:$0x1D000] =	vst v63  }
0x26: {  	_ =	swait.ge [sflag:s15], $0x4000  }
0x27: {  	[sflag:s15] =	ssyncset.done $0x0  }
0x28: {  	[sflag:s15] =	ssyncadd.s32 $0xFFFFC000  }
0x29: {  	[spmem:s7] =	stream.linear.scatter [tilespmem:s14], [sflag:$0x2], $0x4000, $0x38;
	[tilespmem:$0x1D000] =	vst v63  }
0x2a: {  	_ =	swait.ge [sflag:s15], $0x4000  }
0x2b: {  	[sflag:s15] =	ssyncset.done $0x0  }
0x2c: {  	[sflag:s15] =	ssyncadd.s32 $0xFFFFC000  }
0x2d: {  	[spmem:s8] =	stream.linear.scatter [tilespmem:s14], [sflag:$0x2], $0x4000, $0x38;
	[tilespmem:$0x1D000] =	vst v63  }
0x2e: {  	_ =	swait.ge [sflag:s15], $0x4000  }
0x2f: {  	[sflag:s15] =	ssyncset.done $0x0  }
0x30: {  	[sflag:s15] =	ssyncadd.s32 $0xFFFFC000  }
0x31: {  	[spmem:s9] =	stream.linear.scatter [tilespmem:s14], [sflag:$0x2], $0x4000, $0x38;
	[tilespmem:$0x1D000] =	vst v63  }
0x32: {  	_ =	swait.ge [sflag:s15], $0x4000  }
0x33: {  	[sflag:s15] =	ssyncset.done $0x0  }
0x34: {  	[sflag:s15] =	ssyncadd.s32 $0xFFFFC000  }
0x35: {  	s30 =	simm.s32 $0x0;
	[bflag:$0x0] =	sbarrier.arrive $0xFFFF  }
0x36: {  	[tilespmem:s16], [sflag:$0x2] =	stream.linear.gather [hbm4b:s10+s30], $0x2800, $0x38;
	[tilespmem:$0x1D000] =	vst v63  }
0x37: {  	_ =	swait.ge [sflag:s15], $0x2800  }
0x38: {  	[sflag:s15] =	ssyncset.done $0x0  }
0x39: {  	[sflag:s15] =	ssyncadd.s32 $0xFFFFD800  }
0x3a: {  	[tilespmem:s17], [sflag:$0x2] =	stream.linear.gather [hbm4b:s11+s30], $0x2800, $0x38;
	[tilespmem:$0x1D000] =	vst v63  }
0x3b: {  	_ =	swait.ge [sflag:s15], $0x2800  }
0x3c: {  	[sflag:s15] =	ssyncset.done $0x0  }
0x3d: {  	s31 =	simm.s32 $0x14000;
	[sflag:s15] =	ssyncadd.s32 $0xFFFFD800  }
0x3e: {  	[tilespmem:s14], [sflag:$0x2] =	stream.indirect.gather [hbm4b:s4+s18], $0x80, s31, s18, $0xb8;
	[tilespmem:$0x1D000] =	vst v63  }
0x3f: {  	_ =	swait.ge [sflag:s15], $0x4000  }
0x40: {  	s22 =	simm.s32 $0x80;
	[sflag:s15] =	ssyncset.done $0x0  }
0x41: {  	s23 =	simm.s32 $0x400;
	s24 =	simm.s32 $0x16800;
	[sflag:s15] =	ssyncadd.s32 $0xFFFFC000  }
.LBB2_4:
0x42: {  	[spmem:s2] =	stream.indirect.scatter.add.f32 [tilespmem:s14], [sflag:$0x1], $0x80, s24, s18, $0xb8;
	[tilespmem:$0x1D000] =	vst v63  }
0x43: {  	p0 =	sne.s32 s23, $0x9E00  }
.Ltmp1:
0x44: {  	s25 =	sshra.s32 s23, $0x2;
	s24 =	sadd.s32 $0x14000, s22;
	(pc) =	sbr.rel @p0 .LBB2_4-.Ltmp1, $4  }
0x45: {  	[tilespmem:s14], [sflag:$0x2] =	stream.indirect.gather [hbm4b:s4+s18], $0x80, s24, s18, $0xb8;
	[tilespmem:$0x1D000] =	vst v63  }
0x46: {  	s23 =	sadd.s32 $0x200, s23;
	_ =	swait.ge [sflag:s15], $0x4000  }
0x47: {  	[sflag:s15] =	ssyncset.done $0x0  }
0x48: {  	s24 =	sadd.s32 $0x16800, s22;
	s22 =	smov.u32 s25;
	[sflag:s15] =	ssyncadd.s32 $0xFFFFC000  }
0x49: {  	[spmem:s2] =	stream.indirect.scatter.add.f32 [tilespmem:s14], [sflag:$0x1], $0x80, s24, s18, $0xb8;
	[tilespmem:$0x1D000] =	vst v63  }
0x4a: {  	s23 =	sadd.s32 $0x14000, s22  }
0x4b: {  	[tilespmem:s14], [sflag:$0x2] =	stream.indirect.gather [hbm4b:s4+s18], $0x80, s23, s18, $0xb8;
	[tilespmem:$0x1D000] =	vst v63  }
0x4c: {  	_ =	swait.ge [sflag:s15], $0x4000  }
0x4d: {  	[sflag:s15] =	ssyncset.done $0x0  }
0x4e: {  	s31 =	sadd.s32 $0x16800, s22;
	[sflag:s15] =	ssyncadd.s32 $0xFFFFC000  }
0x4f: {  	[spmem:s2] =	stream.indirect.scatter.add.f32 [tilespmem:s14], [sflag:$0x1], $0x80, s31, s18, $0xb8;
	[tilespmem:$0x1D000] =	vst v63  }
0x50: {  	_ =	swait.ge [sflag:s19], $0x4000  }
0x51: {  	s22 =	simm.s32 $0x4F;
	[sflag:s19] =	ssyncset.done $0x0  }
.LBB2_6:
0x52: {  	p0 =	sne.s32 s22, $0x1;
	s22 =	sadd.s32 $0xFFFFFFFF, s22;
	[sflag:s19] =	ssyncadd.s32 $0xFFFFC000  }
.Ltmp2:
0x53: {  	(pc) =	sbr.rel @p0 .LBB2_6-.Ltmp2, $3  }
0x54: {  	_ =	sdelay $0x1  }
0x55: {  	_ =	swait.ge [sflag:s19], $0x4000  }
0x56: {  	[sflag:s19] =	ssyncset.done $0x0  }
0x57: {  	s3 =	sadd.s32 $0x1, s3  }
0x58: {  	[sflag:s19] =	ssyncadd.s32 $0xFFFFC000;
	p0 =	sne.s32 s3, s13  }
.Ltmp3:
0x59: {  	[bflag:$0x0] =	sbarrier.arrive $0xFFFF;
	(pc) =	sbr.rel @p0 .LBB2_1-.Ltmp3, $4  }
0x5a: {  	[hbm:s12], [sflag:s20] =	dma.local [spmem:s21], $0x2800  }
0x5b: {  	_ =	swait.ge [sflag:s15], $0x2800  }
0x5c: {  	[sflag:s15] =	ssyncset.done $0x0  }
0x5d: {  	[sflag:s15] =	ssyncadd.s32 $0xFFFFD800  }
0x5e: {  	_ =	sfence.sel $0x180000  }
0x5f: {  	[bflag:$0x0] =	sbarrier.arrive $0xFFFF  }
0x60: {  	p0 =	sne.s32 s0, $0x0;
	_ =	strace $0x9000004A  }
0x61: {  	s0 =	sadd.s32 @!p0 $0x100000, s1;
	[bflag:$0x2] =	sbarrier.arrive $0xFFFF  }
0x62: {  	[sflag:s0] =	ssyncadd.tile.s32 @!p0 $0x1;
	_ =	shalt  }
.Lfunc_end2:
_tile_overlayer_lowered:
.L_overlay_start_2:
0x63: {  	(tag) =	ssettag $0x2  }
0x64: {  	s0 =	rddreg [dreg:$0x0];
	s2 =	stileid.u32  }
0x65: {  	s1 =	rddreg [dreg:$0x1];
	p0 =	sne.s32 s2, $0x0  }
0x66: {  	s3 =	rddreg [dreg:$0x2];
	[bflag:$0x3] =	sbarrier.arrive $0xFFFF;
	s2 =	simm.s32 @!p0 $0x1C02  }
0x67: {  	[timem:s3], [sflag:s2] =	dma.local @!p0 [hbm:s0], s1  }
0x68: {  	s0 =	simm.s32 @!p0 $0x2  }
0x69: {  	_ =	swait.ge @!p0 [sflag:s0], s1  }
0x6a: {  	s1 =	ssub.s32 @!p0 $0x0, s1;
	[sflag:s0] =	ssyncset.done @!p0 $0x0  }
0x6b: {  	[sflag:s0] =	ssyncadd.s32 @!p0 s1  }
0x6c: {  	[bflag:$0x3] =	sbarrier.arrive $0xFFFF  }
0x6d: {  	_ =	shalt  }

// kernel: kernel.16.cloned.1.call-start
scs
__scs_entry_jumppad:
0x0: {  	(pc) =	sbr.rel $0x88, $3  }
0x1: {  	(tag) =	ssettag $0x0;
	lr =	simm.s32 $0x1  }
0x2: {  	[smem:$0x3F93] =	sst lr;
	_ =	strace $0xD0000000  }
0x3: {  	_ = 	snop  }
0x4: {  	_ = 	snop  }
0x5: {  	_ = 	snop  }
0x6: {  	_ = 	snop  }
0x7: {  	_ = 	snop  }
__scs_overlays_trampoline_lowered:
0x8: {  	[smem:$0x3FA2] =	sst s0  }
0x9: {  	[smem:$0x3FA3] =	sst s1  }
0xa: {  	[smem:$0x3FA4] =	sst s2  }
0xb: {  	[smem:$0x3FA5] =	sst s3  }
0xc: {  	[smem:$0x3FA6] =	sst s4  }
0xd: {  	[smem:$0x3FA7] =	sst s5  }
0xe: {  	[smem:$0x3FA8] =	sst s6  }
0xf: {  	[smem:$0x3FA9] =	sst s7  }
0x10: {  	[smem:$0x3FAA] =	sst s8  }
0x11: {  	[smem:$0x3FAB] =	sst s9;
	s0 =	simm.s32 @!p0 $0x0  }
0x12: {  	s1 =	sld [smem:$0x3F91];
	s0 =	simm.s32 @p0 $0x1  }
0x13: {  	[smem:$0x3FAC] =	sst s0;
	s0 =	simm.s32 @!p1 $0x0  }
0x14: {  	s2 =	sld [smem:$0x3F90];
	s0 =	simm.s32 @p1 $0x1  }
0x15: {  	[smem:$0x3FAD] =	sst s0;
	s0 =	simm.s32 @!p2 $0x0  }
0x16: {  	s3 =	sld [smem:$0x3FDB];
	s0 =	simm.s32 @p2 $0x1  }
0x17: {  	s4 =	simm.s32 $0x1BF5;
	[smem:$0x3FAF] =	sst s0  }
0x18: {  	s0 =	sld [smem:$0x3F92];
	_ =	swait.ge [sflag:s4], $0x0  }
0x19: {  	s7 =	sld [smem:$0x3F93]  }
0x1a: {  	s8 =	sadd.s32 $0xFFFFE003, lr  }
0x1b: {  	s9 =	sadd.s32 $0xFFFFFEF7, lr;
	s5 =	simm.s32 $0xFFFFFFFF;
	p2 =	slt.u32 s8, $0xFFFFF086  }
0x1c: {  	p1 =	slt.u32 s9, $0xF7A;
	s5 =	simm.s32 @!p2 $0x0  }
0x1d: {  	s5 =	simm.s32 @p1 $0x1;
	p0 =	seq.s32 s7, s2  }
0x1e: {  	s7 =	smul.u32 @!p0 $0xF7A, s2;
	p2 =	seq.s32 @!p0 s5, $0x0  }
0x1f: {  	s9 =	smul.u32 $0xF7A, s1;
	s8 =	simm.s32 @!p0 $0x1BF5;
	p2 =	por !p2, p0  }
0x20: {  	[sflag:s8] =	ssyncset.s32 @!p0 $0xFFFFF086;
	s6 =	sadd.s32 @!p0 s3, s7;
	s7 =	simm.s32 @!p0 $0x108  }
0x21: {  	s3 =	sadd.s32 s3, s9;
	s6 =	sadd.s32 @!p0 $0x88, s6;
	s7 =	simm.s32 @p2 $0x1082  }
0x22: {  	[simem:s7], [sflag:s8] =	dma.local @!p0 [hbm:s6], $0xF7A  }
0x23: {  	s9 =	sor.u32 $0xD0000000, s2;
	s6 =	simm.s32 $0x108;
	_ =	swait.ge @!p0 [sflag:s8], $0x0  }
0x24: {  	s3 =	sadd.s32 $0x88, s3;
	s6 =	simm.s32 @!p1 $0x1082;
	[sflag:s4] =	ssyncset.s32 $0xFFFFF086  }
0x25: {  	[simem:s6], [sflag:s4] =	dma.local [hbm:s3], $0xF7A  }
0x26: {  	[smem:$0x3F93] =	sst s1;
	(tag) =	ssettag s2;
	_ =	strace s9  }
0x27: {  	s1 =	sld [smem:$0x3FA3]  }
0x28: {  	s2 =	sld [smem:$0x3FA4]  }
0x29: {  	s4 =	sld [smem:$0x3FA6]  }
0x2a: {  	p0 =	seq.s32 s5, $0x0;
	s5 =	sld [smem:$0x3FA7]  }
0x2b: {  	s6 =	sld [smem:$0x3FA8]  }
0x2c: {  	s7 =	sld [smem:$0x3FA9]  }
0x2d: {  	s3 =	simm.s32 $0x108;
	s8 =	sld [smem:$0x3FAA]  }
0x2e: {  	s3 =	simm.s32 @!p0 $0x1082;
	s9 =	sld [smem:$0x3FAB]  }
0x2f: {  	lr =	sadd.s32 s0, s3;
	s0 =	sld [smem:$0x3FA2]  }
0x30: {  	s3 =	sld [smem:$0x3FA5]  }
0x31: {  	[smem:$0x3FAE] =	sst s10  }
0x32: {  	s10 =	sld [smem:$0x3FAC];
	_ =	sdelay $0x3  }
0x33: {  	p0 =	seq.s32 s10, $0x1;
	s10 =	sld [smem:$0x3FAE];
	_ =	sdelay $0x3  }
0x34: {  	[smem:$0x3FAE] =	sst s10  }
0x35: {  	s10 =	sld [smem:$0x3FAD];
	_ =	sdelay $0x3  }
0x36: {  	p1 =	seq.s32 s10, $0x1;
	s10 =	sld [smem:$0x3FAE];
	_ =	sdelay $0x3  }
0x37: {  	[smem:$0x3FAE] =	sst s10  }
0x38: {  	s10 =	sld [smem:$0x3FAF]  }
0x39: {  	_ = 	snop;
	(pc) =	sbr.ind lr, $3  }
0x3a: {  	_ = 	snop  }
0x3b: {  	_ = 	snop  }
0x3c: {  	p2 =	seq.s32 s10, $0x1;
	s10 =	sld [smem:$0x3FAE]  }
0x3d: {  	_ =	shalt  }
0x3e: {  	_ =	shalt  }
0x3f: {  	_ =	shalt  }
0x40: {  	_ =	shalt  }
0x41: {  	_ =	shalt  }
0x42: {  	_ =	shalt  }
0x43: {  	_ =	shalt  }
0x44: {  	_ =	shalt  }
0x45: {  	_ =	shalt  }
0x46: {  	_ =	shalt  }
0x47: {  	_ =	shalt  }
0x48: {  	_ =	shalt  }
0x49: {  	_ =	shalt  }
0x4a: {  	_ =	shalt  }
0x4b: {  	_ =	shalt  }
0x4c: {  	_ =	shalt  }
0x4d: {  	_ =	shalt  }
0x4e: {  	_ =	shalt  }
0x4f: {  	_ =	shalt  }
0x50: {  	_ =	shalt  }
0x51: {  	_ =	shalt  }
0x52: {  	_ =	shalt  }
0x53: {  	_ =	shalt  }
0x54: {  	_ =	shalt  }
0x55: {  	_ =	shalt  }
0x56: {  	_ =	shalt  }
0x57: {  	_ =	shalt  }
0x58: {  	_ =	shalt  }
0x59: {  	_ =	shalt  }
0x5a: {  	_ =	shalt  }
0x5b: {  	_ =	shalt  }
0x5c: {  	_ =	shalt  }
0x5d: {  	_ =	shalt  }
0x5e: {  	_ =	shalt  }
0x5f: {  	_ =	shalt  }
0x60: {  	_ =	shalt  }
0x61: {  	_ =	shalt  }
0x62: {  	_ =	shalt  }
0x63: {  	_ =	shalt  }
0x64: {  	_ =	shalt  }
0x65: {  	_ =	shalt  }
0x66: {  	_ =	shalt  }
0x67: {  	_ =	shalt  }
0x68: {  	_ =	shalt  }
0x69: {  	_ =	shalt  }
0x6a: {  	_ =	shalt  }
0x6b: {  	_ =	shalt  }
0x6c: {  	_ =	shalt  }
0x6d: {  	_ =	shalt  }
0x6e: {  	_ =	shalt  }
0x6f: {  	_ =	shalt  }
0x70: {  	_ =	shalt  }
0x71: {  	_ =	shalt  }
0x72: {  	_ =	shalt  }
0x73: {  	_ =	shalt  }
0x74: {  	_ =	shalt  }
0x75: {  	_ =	shalt  }
0x76: {  	_ =	shalt  }
0x77: {  	_ =	shalt  }
0x78: {  	_ =	shalt  }
0x79: {  	_ =	shalt  }
0x7a: {  	_ =	shalt  }
0x7b: {  	_ =	shalt  }
0x7c: {  	_ =	shalt  }
0x7d: {  	_ =	shalt  }
0x7e: {  	_ =	shalt  }
0x7f: {  	_ =	shalt  }
0x80: {  	_ =	shalt  }
0x81: {  	_ =	shalt  }
0x82: {  	_ =	shalt  }
0x83: {  	_ =	shalt  }
0x84: {  	_ =	shalt  }
0x85: {  	_ =	shalt  }
0x86: {  	_ =	shalt  }
0x87: {  	_ =	shalt  }
.Lfunc_end0:
.L_simem_size_0:
called_computation.2_lowered:
.L_overlay_start_0:
0x88: {  	s2 =	sld [smem:$0x3FD9]  }
0x89: {  	s3 =	sld [smem:$0x3FFE];
	_ =	sdelay $0x1  }
0x8a: {  	s1 =	srdreg.scid  }
0x8b: {  	s0 =	sand.u32 $0x1, s1  }
0x8c: {  	s16 =	sshll.u32 s0, $0xA;
	s2 =	sadd.s32 s3, s2  }
0x8d: {  	s2 =	sadd.s32 s2, s16  }
0x8e: {  	[smem:$0x3FBA] =	sst s2  }
0x8f: {  	_ = 	snop  }
0x90: {  	(tm) =	ssettm $0x1  }
0x91: {  	s17 =	sld [smem:$0x3FFB];
	_ =	sdelay $0x3  }
0x92: {  	_ =	strace s17  }
0x93: {  	s2 =	sld [smem:$0x3FFC];
	_ =	sdelay $0x3  }
0x94: {  	_ =	strace s2  }
0x95: {  	s2 =	sld [smem:$0x3FFD];
	_ =	sdelay $0x3  }
0x96: {  	_ =	strace s2  }
0x97: {  	_ =	strace $0x8FFFFFFF  }
0x98: {  	s18 =	sld [smem:$0x3FDB];
	_ =	sdelay $0x1  }
0x99: {  	s19 =	simm.s32 $_scs_section_size  }
0x9a: {  	s4 =	simm.s32 $_size__tile_overlayer_lowered;
	s5 =	simm.s32 $_tile_overlayer_lowered  }
0x9b: {  	s22 =	simm.s32 $0x1BFF;
	s21 =	sshll.u32 s5, $0x1;
	s2 =	sadd.s32 s19, s18  }
0x9c: {  	s6 =	simm.s32 $0x0;
	s20 =	sshll.u32 s4, $0x1;
	s4 =	sadd.s32 s21, s2  }
0x9d: {  	[timem:s6], [sflag:s22] =	dma.local [hbm:s4], s20  }
0x9e: {  	_ =	swait.ge [sflag:s22], s20  }
0x9f: {  	s3 =	ssub.s32 $0x0, s20;
	[sflag:s22] =	ssyncset.done $0x0  }
0xa0: {  	[sflag:s22] =	ssyncadd.s32 s3;
	_ =	sdelay $0x1  }
0xa1: {  	s23 =	simm.s32 $0x1B8B  }
0xa2: {  	_ =	swait.ge [sflag:s23], $0x1  }
0xa3: {  	[sflag:s23] =	ssyncset.done $0x0  }
0xa4: {  	s25 =	simm.s32 $0x1B8E;
	s24 =	sld [smem:$0x3FFE];
	[sflag:s23] =	ssyncadd.s32 $0xFFFFFFFF  }
0xa5: {  	s26 =	simm.s32 $execute0_lowered;
	[smem:$0x3FD2] =	sst s25  }
0xa6: {  	s4 =	sshll.u32 s26, $0x1;
	_ =	strace $0x8000004C;
	[dreg:$0x1] =	wrdreg $0xFFFFFFFF  }
0xa7: {  	s28 =	simm.s32 $_size_execute0_lowered;
	s2 =	sadd.s32 s2, s4;
	[dreg:$0x0] =	wrdreg $0x0  }
0xa8: {  	s4 =	sshll.u32 s28, $0x1;
	[dreg:$0x2] =	wrdreg s2  }
0xa9: {  	[dreg:$0x3] =	wrdreg s4  }
0xaa: {  	[dreg:$0x4] =	wrdreg $0xC0  }
0xab: {  	_ =	task [dreg:s6], $0x5FFFF  }
0xac: {  	[dreg:$0x1] =	wrdreg $0xFFFFFFFF  }
0xad: {  	[dreg:$0x0] =	wrdreg $0x60  }
0xae: {  	[dreg:$0x2] =	wrdreg s24  }
0xaf: {  	[dreg:$0x3] =	wrdreg $0x0  }
0xb0: {  	[dreg:$0x4] =	wrdreg $0x9  }
0xb1: {  	_ =	task.clear_ibuf [dreg:s6], $0x5FFFF;
	_ =	strace $0x9000004C  }
0xb2: {  	s29 =	simm.s32 $0x9;
	_ =	strace $0x8000004E  }
0xb3: {  	_ =	swait.ge [sflag:s29], $0x1  }
0xb4: {  	[sflag:s29] =	ssyncadd.s32 $0xFFFFFFFF  }
0xb5: {  	_ =	strace $0x9000004E  }
0xb6: {  	_ =	sfence  }
0xb7: {  	s30 =	sld [smem:$0x0];
	_ =	sdelay $0x2  }
0xb8: {  	s31 =	sshll.u32 s1, $0xD;
	s1 =	sshrl.u32 s1, $0x2  }
0xb9: {  	s3 =	sand.u32 $0x4000, s31;
	s1 =	sadd.s32 s1, s30  }
0xba: {  	s0 =	sor.u32 s3, s0;
	s1 =	sshll.u32 s1, $0x11  }
0xbb: {  	s0 =	sor.u32 s1, s0  }
0xbc: {  	s0 =	sadd.s32 $0x8F2B, s0  }
0xbd: {  	[sflag:s0] =	ssyncadd.remote.s32 $0x1  }
0xbe: {  	_ =	sfence.sel $0xFFFF  }
0xbf: {  	[dreg:$0x0] =	wrdreg $0xFFFFFFFF;
	(pc) =	sbr.abs _section_cstart, $3  }
0xc0: {  	[dreg:$0x1] =	wrdreg $0xFFFFFFFF  }
0xc1: {  	_ =	task.clear_ibuf [dreg:s6], $0x2FFFF;
	_ =	strace $0x9FFFFFFF  }
0xc2: {  	(tm) =	ssettm $0x7FFFFFFF  }
0xc3: {  	_ =	shalt  }
tec
execute0_lowered:
.L_overlay_start_1:
0x0: {  	(tag) =	ssettag $0x1  }
0x1: {  	s6 =	rddreg [dreg:$0x0]  }
0x2: {  	s0 =	srdreg.scid;
	s2 =	rddreg [dreg:$0x1]  }
0x3: {  	s3 =	simm.s32 $0x0;
	s14 =	simm.s32 $0x19000;
	s15 =	simm.s32 $0x2  }
0x4: {  	s16 =	simm.s32 $0x14000;
	s17 =	simm.s32 $0x16800;
	s5 =	sand.u32 $0x1, s0  }
0x5: {  	s18 =	simm.s32 $0x80;
	s0 =	stileid.u32;
	s8 =	smul.u32 $0x140000, s5  }
0x6: {  	s19 =	simm.s32 $0x1;
	[smem:$0x7FF] =	sst s3;
	s9 =	smul.u32 $0x14000, s0  }
0x7: {  	s4 =	sadd.s32 $0x16200, s6;
	s1 =	sshll.u32 s5, $0x4;
	s10 =	smul.u32 $0x50000, s0  }
0x8: {  	s29 =	ssub.s32 $0x2, s5;
	s20 =	sshll.u32 s0, $0x6;
	s1 =	sor.u32 s0, s1  }
0x9: {  	s31 =	sshrl.u32 s29, $0x1;
	s20 =	sor.u32 $0x1C02, s20;
	s7 =	smul.u32 $0x500, s1  }
0xa: {  	s1 =	rddreg [dreg:$0x2];
	_ =	strace $0x8000004D;
	s30 =	sshrl.u32 s10, $0x2  }
0xb: {  	s28 =	sadd.s32 s9, s8;
	s13 =	ssub.s32 s29, s31;
	s5 =	sadd.s32 s30, s2  }
0xc: {  	s13 =	smax.u32 s13, $0x1;
	s11 =	sadd.s32 s7, s6;
	s7 =	sshrl.u32 s28, $0x3  }
0xd: {  	s8 =	sadd.s32 $0xC000, s5;
	s9 =	sadd.s32 $0x10000, s5;
	s21 =	sshrl.u32 s5, $0x3  }
0xe: {  	s12 =	sadd.s32 s7, s6;
	s6 =	sadd.s32 $0x4000, s5;
	s7 =	sadd.s32 $0x8000, s5  }
0xf: {  	v0 =	vimm.f32 $0.0e+00;
	s10 =	sadd.s32 $0x2200, s11;
	s11 =	sadd.s32 $0xC200, s11;
	s12 =	sadd.s32 $0x3DA00, s12  }
.LBB2_1:
0x10: {  	s22 =	simm.s32 $0x0;
	s23 =	simm.s32 $0x200  }
.LBB2_2:
0x11: {  	p0 =	sne.s32 s23, $0xFE00;
	[tilespmem:s22+$0x19070] =	vst v0  }
0x12: {  	[tilespmem:s22+$0x19000] =	vst v0  }
0x13: {  	[tilespmem:s22+$0x19010] =	vst v0  }
.Ltmp0:
0x14: {  	[tilespmem:s22+$0x19020] =	vst v0;
	(pc) =	sbr.rel @p0 .LBB2_2-.Ltmp0, $4  }
0x15: {  	[tilespmem:s22+$0x19030] =	vst v0  }
0x16: {  	[tilespmem:s22+$0x19040] =	vst v0  }
0x17: {  	[tilespmem:s22+$0x19050] =	vst v0  }
0x18: {  	[tilespmem:s22+$0x19060] =	vst v0;
	s22 =	sshra.s32 s23, $0x2;
	s23 =	sadd.s32 $0x200, s23  }
0x19: {  	[tilespmem:s22+$0x19070] =	vst v0  }
0x1a: {  	[tilespmem:s22+$0x19000] =	vst v0  }
0x1b: {  	[tilespmem:s22+$0x19010] =	vst v0  }
0x1c: {  	[tilespmem:s22+$0x19020] =	vst v0  }
0x1d: {  	[tilespmem:s22+$0x19030] =	vst v0  }
0x1e: {  	[tilespmem:s22+$0x19040] =	vst v0  }
0x1f: {  	[tilespmem:s22+$0x19050] =	vst v0  }
0x20: {  	[tilespmem:s22+$0x19060] =	vst v0  }
0x21: {  	[spmem:s5] =	stream.linear.scatter [tilespmem:s14], [sflag:$0x2], $0x4000, $0x38;
	[tilespmem:$0x1D000] =	vst v63  }
0x22: {  	_ =	swait.ge [sflag:s15], $0x4000  }
0x23: {  	[sflag:s15] =	ssyncset.done $0x0  }
0x24: {  	[sflag:s15] =	ssyncadd.s32 $0xFFFFC000  }
0x25: {  	[spmem:s6] =	stream.linear.scatter [tilespmem:s14], [sflag:$0x2], $0x4000, $0x38;
	[tilespmem:$0x1D000] =	vst v63  }
0x26: {  	_ =	swait.ge [sflag:s15], $0x4000  }
0x27: {  	[sflag:s15] =	ssyncset.done $0x0  }
0x28: {  	[sflag:s15] =	ssyncadd.s32 $0xFFFFC000  }
0x29: {  	[spmem:s7] =	stream.linear.scatter [tilespmem:s14], [sflag:$0x2], $0x4000, $0x38;
	[tilespmem:$0x1D000] =	vst v63  }
0x2a: {  	_ =	swait.ge [sflag:s15], $0x4000  }
0x2b: {  	[sflag:s15] =	ssyncset.done $0x0  }
0x2c: {  	[sflag:s15] =	ssyncadd.s32 $0xFFFFC000  }
0x2d: {  	[spmem:s8] =	stream.linear.scatter [tilespmem:s14], [sflag:$0x2], $0x4000, $0x38;
	[tilespmem:$0x1D000] =	vst v63  }
0x2e: {  	_ =	swait.ge [sflag:s15], $0x4000  }
0x2f: {  	[sflag:s15] =	ssyncset.done $0x0  }
0x30: {  	[sflag:s15] =	ssyncadd.s32 $0xFFFFC000  }
0x31: {  	[spmem:s9] =	stream.linear.scatter [tilespmem:s14], [sflag:$0x2], $0x4000, $0x38;
	[tilespmem:$0x1D000] =	vst v63  }
0x32: {  	_ =	swait.ge [sflag:s15], $0x4000  }
0x33: {  	[sflag:s15] =	ssyncset.done $0x0  }
0x34: {  	[sflag:s15] =	ssyncadd.s32 $0xFFFFC000  }
0x35: {  	s30 =	simm.s32 $0x0;
	[bflag:$0x0] =	sbarrier.arrive $0xFFFF  }
0x36: {  	[tilespmem:s16], [sflag:$0x2] =	stream.linear.gather [hbm4b:s10+s30], $0x2800, $0x38;
	[tilespmem:$0x1D000] =	vst v63  }
0x37: {  	_ =	swait.ge [sflag:s15], $0x2800  }
0x38: {  	[sflag:s15] =	ssyncset.done $0x0  }
0x39: {  	[sflag:s15] =	ssyncadd.s32 $0xFFFFD800  }
0x3a: {  	[tilespmem:s17], [sflag:$0x2] =	stream.linear.gather [hbm4b:s11+s30], $0x2800, $0x38;
	[tilespmem:$0x1D000] =	vst v63  }
0x3b: {  	_ =	swait.ge [sflag:s15], $0x2800  }
0x3c: {  	[sflag:s15] =	ssyncset.done $0x0  }
0x3d: {  	s31 =	simm.s32 $0x14000;
	[sflag:s15] =	ssyncadd.s32 $0xFFFFD800  }
0x3e: {  	[tilespmem:s14], [sflag:$0x2] =	stream.indirect.gather [hbm4b:s4+s18], $0x80, s31, s18, $0xb8;
	[tilespmem:$0x1D000] =	vst v63  }
0x3f: {  	_ =	swait.ge [sflag:s15], $0x4000  }
0x40: {  	s22 =	simm.s32 $0x80;
	[sflag:s15] =	ssyncset.done $0x0  }
0x41: {  	s23 =	simm.s32 $0x400;
	s24 =	simm.s32 $0x16800;
	[sflag:s15] =	ssyncadd.s32 $0xFFFFC000  }
.LBB2_4:
0x42: {  	[spmem:s2] =	stream.indirect.scatter.add.f32 [tilespmem:s14], [sflag:$0x1], $0x80, s24, s18, $0xb8;
	[tilespmem:$0x1D000] =	vst v63  }
0x43: {  	p0 =	sne.s32 s23, $0x9E00  }
.Ltmp1:
0x44: {  	s25 =	sshra.s32 s23, $0x2;
	s24 =	sadd.s32 $0x14000, s22;
	(pc) =	sbr.rel @p0 .LBB2_4-.Ltmp1, $4  }
0x45: {  	[tilespmem:s14], [sflag:$0x2] =	stream.indirect.gather [hbm4b:s4+s18], $0x80, s24, s18, $0xb8;
	[tilespmem:$0x1D000] =	vst v63  }
0x46: {  	s23 =	sadd.s32 $0x200, s23;
	_ =	swait.ge [sflag:s15], $0x4000  }
0x47: {  	[sflag:s15] =	ssyncset.done $0x0  }
0x48: {  	s24 =	sadd.s32 $0x16800, s22;
	s22 =	smov.u32 s25;
	[sflag:s15] =	ssyncadd.s32 $0xFFFFC000  }
0x49: {  	[spmem:s2] =	stream.indirect.scatter.add.f32 [tilespmem:s14], [sflag:$0x1], $0x80, s24, s18, $0xb8;
	[tilespmem:$0x1D000] =	vst v63  }
0x4a: {  	s23 =	sadd.s32 $0x14000, s22  }
0x4b: {  	[tilespmem:s14], [sflag:$0x2] =	stream.indirect.gather [hbm4b:s4+s18], $0x80, s23, s18, $0xb8;
	[tilespmem:$0x1D000] =	vst v63  }
0x4c: {  	_ =	swait.ge [sflag:s15], $0x4000  }
0x4d: {  	[sflag:s15] =	ssyncset.done $0x0  }
0x4e: {  	s31 =	sadd.s32 $0x16800, s22;
	[sflag:s15] =	ssyncadd.s32 $0xFFFFC000  }
0x4f: {  	[spmem:s2] =	stream.indirect.scatter.add.f32 [tilespmem:s14], [sflag:$0x1], $0x80, s31, s18, $0xb8;
	[tilespmem:$0x1D000] =	vst v63  }
0x50: {  	_ =	swait.ge [sflag:s19], $0x4000  }
0x51: {  	s22 =	simm.s32 $0x4F;
	[sflag:s19] =	ssyncset.done $0x0  }
.LBB2_6:
0x52: {  	p0 =	sne.s32 s22, $0x1;
	s22 =	sadd.s32 $0xFFFFFFFF, s22;
	[sflag:s19] =	ssyncadd.s32 $0xFFFFC000  }
.Ltmp2:
0x53: {  	(pc) =	sbr.rel @p0 .LBB2_6-.Ltmp2, $3  }
0x54: {  	_ =	sdelay $0x1  }
0x55: {  	_ =	swait.ge [sflag:s19], $0x4000  }
0x56: {  	[sflag:s19] =	ssyncset.done $0x0  }
0x57: {  	s3 =	sadd.s32 $0x1, s3  }
0x58: {  	[sflag:s19] =	ssyncadd.s32 $0xFFFFC000;
	p0 =	sne.s32 s3, s13  }
.Ltmp3:
0x59: {  	[bflag:$0x0] =	sbarrier.arrive $0xFFFF;
	(pc) =	sbr.rel @p0 .LBB2_1-.Ltmp3, $4  }
0x5a: {  	[hbm:s12], [sflag:s20] =	dma.local [spmem:s21], $0x2800  }
0x5b: {  	_ =	swait.ge [sflag:s15], $0x2800  }
0x5c: {  	[sflag:s15] =	ssyncset.done $0x0  }
0x5d: {  	[sflag:s15] =	ssyncadd.s32 $0xFFFFD800  }
0x5e: {  	_ =	sfence.sel $0x180000  }
0x5f: {  	[bflag:$0x0] =	sbarrier.arrive $0xFFFF  }
0x60: {  	p0 =	sne.s32 s0, $0x0;
	_ =	strace $0x9000004D  }
0x61: {  	s0 =	sadd.s32 @!p0 $0x100000, s1;
	[bflag:$0x2] =	sbarrier.arrive $0xFFFF  }
0x62: {  	[sflag:s0] =	ssyncadd.tile.s32 @!p0 $0x1;
	_ =	shalt  }
.Lfunc_end2:
_tile_overlayer_lowered:
.L_overlay_start_2:
0x63: {  	(tag) =	ssettag $0x2  }
0x64: {  	s0 =	rddreg [dreg:$0x0];
	s2 =	stileid.u32  }
0x65: {  	s1 =	rddreg [dreg:$0x1];
	p0 =	sne.s32 s2, $0x0  }
0x66: {  	s3 =	rddreg [dreg:$0x2];
	[bflag:$0x3] =	sbarrier.arrive $0xFFFF;
	s2 =	simm.s32 @!p0 $0x1C02  }
0x67: {  	[timem:s3], [sflag:s2] =	dma.local @!p0 [hbm:s0], s1  }
0x68: {  	s0 =	simm.s32 @!p0 $0x2  }
0x69: {  	_ =	swait.ge @!p0 [sflag:s0], s1  }
0x6a: {  	s1 =	ssub.s32 @!p0 $0x0, s1;
	[sflag:s0] =	ssyncset.done @!p0 $0x0  }
0x6b: {  	[sflag:s0] =	ssyncadd.s32 @!p0 s1  }
0x6c: {  	[bflag:$0x3] =	sbarrier.arrive $0xFFFF  }
0x6d: {  	_ =	shalt  }

// kernel: kernel.19.cloned.1.call-start
scs
__scs_entry_jumppad:
0x0: {  	(pc) =	sbr.rel $0x88, $3  }
0x1: {  	(tag) =	ssettag $0x0;
	lr =	simm.s32 $0x1  }
0x2: {  	[smem:$0x3F93] =	sst lr;
	_ =	strace $0xD0000000  }
0x3: {  	_ = 	snop  }
0x4: {  	_ = 	snop  }
0x5: {  	_ = 	snop  }
0x6: {  	_ = 	snop  }
0x7: {  	_ = 	snop  }
__scs_overlays_trampoline_lowered:
0x8: {  	[smem:$0x3FA2] =	sst s0  }
0x9: {  	[smem:$0x3FA3] =	sst s1  }
0xa: {  	[smem:$0x3FA4] =	sst s2  }
0xb: {  	[smem:$0x3FA5] =	sst s3  }
0xc: {  	[smem:$0x3FA6] =	sst s4  }
0xd: {  	[smem:$0x3FA7] =	sst s5  }
0xe: {  	[smem:$0x3FA8] =	sst s6  }
0xf: {  	[smem:$0x3FA9] =	sst s7  }
0x10: {  	[smem:$0x3FAA] =	sst s8  }
0x11: {  	[smem:$0x3FAB] =	sst s9;
	s0 =	simm.s32 @!p0 $0x0  }
0x12: {  	s1 =	sld [smem:$0x3F91];
	s0 =	simm.s32 @p0 $0x1  }
0x13: {  	[smem:$0x3FAC] =	sst s0;
	s0 =	simm.s32 @!p1 $0x0  }
0x14: {  	s2 =	sld [smem:$0x3F90];
	s0 =	simm.s32 @p1 $0x1  }
0x15: {  	[smem:$0x3FAD] =	sst s0;
	s0 =	simm.s32 @!p2 $0x0  }
0x16: {  	s3 =	sld [smem:$0x3FDB];
	s0 =	simm.s32 @p2 $0x1  }
0x17: {  	s4 =	simm.s32 $0x1BF5;
	[smem:$0x3FAF] =	sst s0  }
0x18: {  	s0 =	sld [smem:$0x3F92];
	_ =	swait.ge [sflag:s4], $0x0  }
0x19: {  	s7 =	sld [smem:$0x3F93]  }
0x1a: {  	s8 =	sadd.s32 $0xFFFFE003, lr  }
0x1b: {  	s9 =	sadd.s32 $0xFFFFFEF7, lr;
	s5 =	simm.s32 $0xFFFFFFFF;
	p2 =	slt.u32 s8, $0xFFFFF086  }
0x1c: {  	p1 =	slt.u32 s9, $0xF7A;
	s5 =	simm.s32 @!p2 $0x0  }
0x1d: {  	s5 =	simm.s32 @p1 $0x1;
	p0 =	seq.s32 s7, s2  }
0x1e: {  	s7 =	smul.u32 @!p0 $0xF7A, s2;
	p2 =	seq.s32 @!p0 s5, $0x0  }
0x1f: {  	s9 =	smul.u32 $0xF7A, s1;
	s8 =	simm.s32 @!p0 $0x1BF5;
	p2 =	por !p2, p0  }
0x20: {  	[sflag:s8] =	ssyncset.s32 @!p0 $0xFFFFF086;
	s6 =	sadd.s32 @!p0 s3, s7;
	s7 =	simm.s32 @!p0 $0x108  }
0x21: {  	s3 =	sadd.s32 s3, s9;
	s6 =	sadd.s32 @!p0 $0x88, s6;
	s7 =	simm.s32 @p2 $0x1082  }
0x22: {  	[simem:s7], [sflag:s8] =	dma.local @!p0 [hbm:s6], $0xF7A  }
0x23: {  	s9 =	sor.u32 $0xD0000000, s2;
	s6 =	simm.s32 $0x108;
	_ =	swait.ge @!p0 [sflag:s8], $0x0  }
0x24: {  	s3 =	sadd.s32 $0x88, s3;
	s6 =	simm.s32 @!p1 $0x1082;
	[sflag:s4] =	ssyncset.s32 $0xFFFFF086  }
0x25: {  	[simem:s6], [sflag:s4] =	dma.local [hbm:s3], $0xF7A  }
0x26: {  	[smem:$0x3F93] =	sst s1;
	(tag) =	ssettag s2;
	_ =	strace s9  }
0x27: {  	s1 =	sld [smem:$0x3FA3]  }
0x28: {  	s2 =	sld [smem:$0x3FA4]  }
0x29: {  	s4 =	sld [smem:$0x3FA6]  }
0x2a: {  	p0 =	seq.s32 s5, $0x0;
	s5 =	sld [smem:$0x3FA7]  }
0x2b: {  	s6 =	sld [smem:$0x3FA8]  }
0x2c: {  	s7 =	sld [smem:$0x3FA9]  }
0x2d: {  	s3 =	simm.s32 $0x108;
	s8 =	sld [smem:$0x3FAA]  }
0x2e: {  	s3 =	simm.s32 @!p0 $0x1082;
	s9 =	sld [smem:$0x3FAB]  }
0x2f: {  	lr =	sadd.s32 s0, s3;
	s0 =	sld [smem:$0x3FA2]  }
0x30: {  	s3 =	sld [smem:$0x3FA5]  }
0x31: {  	[smem:$0x3FAE] =	sst s10  }
0x32: {  	s10 =	sld [smem:$0x3FAC];
	_ =	sdelay $0x3  }
0x33: {  	p0 =	seq.s32 s10, $0x1;
	s10 =	sld [smem:$0x3FAE];
	_ =	sdelay $0x3  }
0x34: {  	[smem:$0x3FAE] =	sst s10  }
0x35: {  	s10 =	sld [smem:$0x3FAD];
	_ =	sdelay $0x3  }
0x36: {  	p1 =	seq.s32 s10, $0x1;
	s10 =	sld [smem:$0x3FAE];
	_ =	sdelay $0x3  }
0x37: {  	[smem:$0x3FAE] =	sst s10  }
0x38: {  	s10 =	sld [smem:$0x3FAF]  }
0x39: {  	_ = 	snop;
	(pc) =	sbr.ind lr, $3  }
0x3a: {  	_ = 	snop  }
0x3b: {  	_ = 	snop  }
0x3c: {  	p2 =	seq.s32 s10, $0x1;
	s10 =	sld [smem:$0x3FAE]  }
0x3d: {  	_ =	shalt  }
0x3e: {  	_ =	shalt  }
0x3f: {  	_ =	shalt  }
0x40: {  	_ =	shalt  }
0x41: {  	_ =	shalt  }
0x42: {  	_ =	shalt  }
0x43: {  	_ =	shalt  }
0x44: {  	_ =	shalt  }
0x45: {  	_ =	shalt  }
0x46: {  	_ =	shalt  }
0x47: {  	_ =	shalt  }
0x48: {  	_ =	shalt  }
0x49: {  	_ =	shalt  }
0x4a: {  	_ =	shalt  }
0x4b: {  	_ =	shalt  }
0x4c: {  	_ =	shalt  }
0x4d: {  	_ =	shalt  }
0x4e: {  	_ =	shalt  }
0x4f: {  	_ =	shalt  }
0x50: {  	_ =	shalt  }
0x51: {  	_ =	shalt  }
0x52: {  	_ =	shalt  }
0x53: {  	_ =	shalt  }
0x54: {  	_ =	shalt  }
0x55: {  	_ =	shalt  }
0x56: {  	_ =	shalt  }
0x57: {  	_ =	shalt  }
0x58: {  	_ =	shalt  }
0x59: {  	_ =	shalt  }
0x5a: {  	_ =	shalt  }
0x5b: {  	_ =	shalt  }
0x5c: {  	_ =	shalt  }
0x5d: {  	_ =	shalt  }
0x5e: {  	_ =	shalt  }
0x5f: {  	_ =	shalt  }
0x60: {  	_ =	shalt  }
0x61: {  	_ =	shalt  }
0x62: {  	_ =	shalt  }
0x63: {  	_ =	shalt  }
0x64: {  	_ =	shalt  }
0x65: {  	_ =	shalt  }
0x66: {  	_ =	shalt  }
0x67: {  	_ =	shalt  }
0x68: {  	_ =	shalt  }
0x69: {  	_ =	shalt  }
0x6a: {  	_ =	shalt  }
0x6b: {  	_ =	shalt  }
0x6c: {  	_ =	shalt  }
0x6d: {  	_ =	shalt  }
0x6e: {  	_ =	shalt  }
0x6f: {  	_ =	shalt  }
0x70: {  	_ =	shalt  }
0x71: {  	_ =	shalt  }
0x72: {  	_ =	shalt  }
0x73: {  	_ =	shalt  }
0x74: {  	_ =	shalt  }
0x75: {  	_ =	shalt  }
0x76: {  	_ =	shalt  }
0x77: {  	_ =	shalt  }
0x78: {  	_ =	shalt  }
0x79: {  	_ =	shalt  }
0x7a: {  	_ =	shalt  }
0x7b: {  	_ =	shalt  }
0x7c: {  	_ =	shalt  }
0x7d: {  	_ =	shalt  }
0x7e: {  	_ =	shalt  }
0x7f: {  	_ =	shalt  }
0x80: {  	_ =	shalt  }
0x81: {  	_ =	shalt  }
0x82: {  	_ =	shalt  }
0x83: {  	_ =	shalt  }
0x84: {  	_ =	shalt  }
0x85: {  	_ =	shalt  }
0x86: {  	_ =	shalt  }
0x87: {  	_ =	shalt  }
.Lfunc_end0:
.L_simem_size_0:
called_computation.3_lowered:
.L_overlay_start_0:
0x88: {  	s2 =	sld [smem:$0x3FD9]  }
0x89: {  	s3 =	sld [smem:$0x3FFE];
	_ =	sdelay $0x1  }
0x8a: {  	s1 =	srdreg.scid  }
0x8b: {  	s0 =	sand.u32 $0x1, s1  }
0x8c: {  	s16 =	sshll.u32 s0, $0xA;
	s2 =	sadd.s32 s3, s2  }
0x8d: {  	s2 =	sadd.s32 s2, s16  }
0x8e: {  	[smem:$0x3FBA] =	sst s2  }
0x8f: {  	_ = 	snop  }
0x90: {  	(tm) =	ssettm $0x1  }
0x91: {  	s17 =	sld [smem:$0x3FFB];
	_ =	sdelay $0x3  }
0x92: {  	_ =	strace s17  }
0x93: {  	s2 =	sld [smem:$0x3FFC];
	_ =	sdelay $0x3  }
0x94: {  	_ =	strace s2  }
0x95: {  	s2 =	sld [smem:$0x3FFD];
	_ =	sdelay $0x3  }
0x96: {  	_ =	strace s2  }
0x97: {  	_ =	strace $0x8FFFFFFF  }
0x98: {  	s18 =	sld [smem:$0x3FDB];
	_ =	sdelay $0x1  }
0x99: {  	s19 =	simm.s32 $_scs_section_size  }
0x9a: {  	s4 =	simm.s32 $_size__tile_overlayer_lowered;
	s5 =	simm.s32 $_tile_overlayer_lowered  }
0x9b: {  	s22 =	simm.s32 $0x1BFF;
	s21 =	sshll.u32 s5, $0x1;
	s2 =	sadd.s32 s19, s18  }
0x9c: {  	s6 =	simm.s32 $0x0;
	s20 =	sshll.u32 s4, $0x1;
	s4 =	sadd.s32 s21, s2  }
0x9d: {  	[timem:s6], [sflag:s22] =	dma.local [hbm:s4], s20  }
0x9e: {  	_ =	swait.ge [sflag:s22], s20  }
0x9f: {  	s3 =	ssub.s32 $0x0, s20;
	[sflag:s22] =	ssyncset.done $0x0  }
0xa0: {  	[sflag:s22] =	ssyncadd.s32 s3;
	_ =	sdelay $0x1  }
0xa1: {  	s23 =	simm.s32 $0x1B8B  }
0xa2: {  	_ =	swait.ge [sflag:s23], $0x1  }
0xa3: {  	[sflag:s23] =	ssyncset.done $0x0  }
0xa4: {  	s25 =	simm.s32 $0x1B8E;
	s24 =	sld [smem:$0x3FFE];
	[sflag:s23] =	ssyncadd.s32 $0xFFFFFFFF  }
0xa5: {  	s26 =	simm.s32 $execute0_lowered;
	[smem:$0x3FD2] =	sst s25  }
0xa6: {  	s4 =	sshll.u32 s26, $0x1;
	_ =	strace $0x8000004F;
	[dreg:$0x1] =	wrdreg $0xFFFFFFFF  }
0xa7: {  	s28 =	simm.s32 $_size_execute0_lowered;
	s2 =	sadd.s32 s2, s4;
	[dreg:$0x0] =	wrdreg $0x0  }
0xa8: {  	s4 =	sshll.u32 s28, $0x1;
	[dreg:$0x2] =	wrdreg s2  }
0xa9: {  	[dreg:$0x3] =	wrdreg s4  }
0xaa: {  	[dreg:$0x4] =	wrdreg $0xC0  }
0xab: {  	_ =	task [dreg:s6], $0x5FFFF  }
0xac: {  	[dreg:$0x1] =	wrdreg $0xFFFFFFFF  }
0xad: {  	[dreg:$0x0] =	wrdreg $0x60  }
0xae: {  	[dreg:$0x2] =	wrdreg s24  }
0xaf: {  	[dreg:$0x3] =	wrdreg $0x0  }
0xb0: {  	[dreg:$0x4] =	wrdreg $0x9  }
0xb1: {  	_ =	task.clear_ibuf [dreg:s6], $0x5FFFF;
	_ =	strace $0x9000004F  }
0xb2: {  	s29 =	simm.s32 $0x9;
	_ =	strace $0x80000051  }
0xb3: {  	_ =	swait.ge [sflag:s29], $0x1  }
0xb4: {  	[sflag:s29] =	ssyncadd.s32 $0xFFFFFFFF  }
0xb5: {  	_ =	strace $0x90000051  }
0xb6: {  	_ =	sfence  }
0xb7: {  	s30 =	sld [smem:$0x0];
	_ =	sdelay $0x2  }
0xb8: {  	s31 =	sshll.u32 s1, $0xD;
	s1 =	sshrl.u32 s1, $0x2  }
0xb9: {  	s3 =	sand.u32 $0x4000, s31;
	s1 =	sadd.s32 s1, s30  }
0xba: {  	s0 =	sor.u32 s3, s0;
	s1 =	sshll.u32 s1, $0x11  }
0xbb: {  	s0 =	sor.u32 s1, s0  }
0xbc: {  	s0 =	sadd.s32 $0x8F2B, s0  }
0xbd: {  	[sflag:s0] =	ssyncadd.remote.s32 $0x1  }
0xbe: {  	_ =	sfence.sel $0xFFFF  }
0xbf: {  	[dreg:$0x0] =	wrdreg $0xFFFFFFFF;
	(pc) =	sbr.abs _section_cstart, $3  }
0xc0: {  	[dreg:$0x1] =	wrdreg $0xFFFFFFFF  }
0xc1: {  	_ =	task.clear_ibuf [dreg:s6], $0x2FFFF;
	_ =	strace $0x9FFFFFFF  }
0xc2: {  	(tm) =	ssettm $0x7FFFFFFF  }
0xc3: {  	_ =	shalt  }
tec
execute0_lowered:
.L_overlay_start_1:
0x0: {  	(tag) =	ssettag $0x1  }
0x1: {  	s6 =	rddreg [dreg:$0x0]  }
0x2: {  	s0 =	srdreg.scid;
	s2 =	rddreg [dreg:$0x1]  }
0x3: {  	s3 =	simm.s32 $0x0;
	s14 =	simm.s32 $0x19000;
	s15 =	simm.s32 $0x2  }
0x4: {  	s16 =	simm.s32 $0x14000;
	s17 =	simm.s32 $0x16800;
	s5 =	sand.u32 $0x1, s0  }
0x5: {  	s18 =	simm.s32 $0x80;
	s0 =	stileid.u32;
	s8 =	smul.u32 $0x140000, s5  }
0x6: {  	s19 =	simm.s32 $0x1;
	[smem:$0x7FF] =	sst s3;
	s9 =	smul.u32 $0x14000, s0  }
0x7: {  	s4 =	sadd.s32 $0x16200, s6;
	s1 =	sshll.u32 s5, $0x4;
	s10 =	smul.u32 $0x50000, s0  }
0x8: {  	s29 =	ssub.s32 $0x2, s5;
	s20 =	sshll.u32 s0, $0x6;
	s1 =	sor.u32 s0, s1  }
0x9: {  	s31 =	sshrl.u32 s29, $0x1;
	s20 =	sor.u32 $0x1C02, s20;
	s7 =	smul.u32 $0x500, s1  }
0xa: {  	s1 =	rddreg [dreg:$0x2];
	_ =	strace $0x80000050;
	s30 =	sshrl.u32 s10, $0x2  }
0xb: {  	s28 =	sadd.s32 s9, s8;
	s13 =	ssub.s32 s29, s31;
	s5 =	sadd.s32 s30, s2  }
0xc: {  	s13 =	smax.u32 s13, $0x1;
	s11 =	sadd.s32 s7, s6;
	s7 =	sshrl.u32 s28, $0x3  }
0xd: {  	s8 =	sadd.s32 $0xC000, s5;
	s9 =	sadd.s32 $0x10000, s5;
	s21 =	sshrl.u32 s5, $0x3  }
0xe: {  	s12 =	sadd.s32 s7, s6;
	s6 =	sadd.s32 $0x4000, s5;
	s7 =	sadd.s32 $0x8000, s5  }
0xf: {  	v0 =	vimm.f32 $0.0e+00;
	s10 =	sadd.s32 $0x2200, s11;
	s11 =	sadd.s32 $0xC200, s11;
	s12 =	sadd.s32 $0x3DA00, s12  }
.LBB2_1:
0x10: {  	s22 =	simm.s32 $0x0;
	s23 =	simm.s32 $0x200  }
.LBB2_2:
0x11: {  	p0 =	sne.s32 s23, $0xFE00;
	[tilespmem:s22+$0x19070] =	vst v0  }
0x12: {  	[tilespmem:s22+$0x19000] =	vst v0  }
0x13: {  	[tilespmem:s22+$0x19010] =	vst v0  }
.Ltmp0:
0x14: {  	[tilespmem:s22+$0x19020] =	vst v0;
	(pc) =	sbr.rel @p0 .LBB2_2-.Ltmp0, $4  }
0x15: {  	[tilespmem:s22+$0x19030] =	vst v0  }
0x16: {  	[tilespmem:s22+$0x19040] =	vst v0  }
0x17: {  	[tilespmem:s22+$0x19050] =	vst v0  }
0x18: {  	[tilespmem:s22+$0x19060] =	vst v0;
	s22 =	sshra.s32 s23, $0x2;
	s23 =	sadd.s32 $0x200, s23  }
0x19: {  	[tilespmem:s22+$0x19070] =	vst v0  }
0x1a: {  	[tilespmem:s22+$0x19000] =	vst v0  }
0x1b: {  	[tilespmem:s22+$0x19010] =	vst v0  }
0x1c: {  	[tilespmem:s22+$0x19020] =	vst v0  }
0x1d: {  	[tilespmem:s22+$0x19030] =	vst v0  }
0x1e: {  	[tilespmem:s22+$0x19040] =	vst v0  }
0x1f: {  	[tilespmem:s22+$0x19050] =	vst v0  }
0x20: {  	[tilespmem:s22+$0x19060] =	vst v0  }
0x21: {  	[spmem:s5] =	stream.linear.scatter [tilespmem:s14], [sflag:$0x2], $0x4000, $0x38;
	[tilespmem:$0x1D000] =	vst v63  }
0x22: {  	_ =	swait.ge [sflag:s15], $0x4000  }
0x23: {  	[sflag:s15] =	ssyncset.done $0x0  }
0x24: {  	[sflag:s15] =	ssyncadd.s32 $0xFFFFC000  }
0x25: {  	[spmem:s6] =	stream.linear.scatter [tilespmem:s14], [sflag:$0x2], $0x4000, $0x38;
	[tilespmem:$0x1D000] =	vst v63  }
0x26: {  	_ =	swait.ge [sflag:s15], $0x4000  }
0x27: {  	[sflag:s15] =	ssyncset.done $0x0  }
0x28: {  	[sflag:s15] =	ssyncadd.s32 $0xFFFFC000  }
0x29: {  	[spmem:s7] =	stream.linear.scatter [tilespmem:s14], [sflag:$0x2], $0x4000, $0x38;
	[tilespmem:$0x1D000] =	vst v63  }
0x2a: {  	_ =	swait.ge [sflag:s15], $0x4000  }
0x2b: {  	[sflag:s15] =	ssyncset.done $0x0  }
0x2c: {  	[sflag:s15] =	ssyncadd.s32 $0xFFFFC000  }
0x2d: {  	[spmem:s8] =	stream.linear.scatter [tilespmem:s14], [sflag:$0x2], $0x4000, $0x38;
	[tilespmem:$0x1D000] =	vst v63  }
0x2e: {  	_ =	swait.ge [sflag:s15], $0x4000  }
0x2f: {  	[sflag:s15] =	ssyncset.done $0x0  }
0x30: {  	[sflag:s15] =	ssyncadd.s32 $0xFFFFC000  }
0x31: {  	[spmem:s9] =	stream.linear.scatter [tilespmem:s14], [sflag:$0x2], $0x4000, $0x38;
	[tilespmem:$0x1D000] =	vst v63  }
0x32: {  	_ =	swait.ge [sflag:s15], $0x4000  }
0x33: {  	[sflag:s15] =	ssyncset.done $0x0  }
0x34: {  	[sflag:s15] =	ssyncadd.s32 $0xFFFFC000  }
0x35: {  	s30 =	simm.s32 $0x0;
	[bflag:$0x0] =	sbarrier.arrive $0xFFFF  }
0x36: {  	[tilespmem:s16], [sflag:$0x2] =	stream.linear.gather [hbm4b:s10+s30], $0x2800, $0x38;
	[tilespmem:$0x1D000] =	vst v63  }
0x37: {  	_ =	swait.ge [sflag:s15], $0x2800  }
0x38: {  	[sflag:s15] =	ssyncset.done $0x0  }
0x39: {  	[sflag:s15] =	ssyncadd.s32 $0xFFFFD800  }
0x3a: {  	[tilespmem:s17], [sflag:$0x2] =	stream.linear.gather [hbm4b:s11+s30], $0x2800, $0x38;
	[tilespmem:$0x1D000] =	vst v63  }
0x3b: {  	_ =	swait.ge [sflag:s15], $0x2800  }
0x3c: {  	[sflag:s15] =	ssyncset.done $0x0  }
0x3d: {  	s31 =	simm.s32 $0x14000;
	[sflag:s15] =	ssyncadd.s32 $0xFFFFD800  }
0x3e: {  	[tilespmem:s14], [sflag:$0x2] =	stream.indirect.gather [hbm4b:s4+s18], $0x80, s31, s18, $0xb8;
	[tilespmem:$0x1D000] =	vst v63  }
0x3f: {  	_ =	swait.ge [sflag:s15], $0x4000  }
0x40: {  	s22 =	simm.s32 $0x80;
	[sflag:s15] =	ssyncset.done $0x0  }
0x41: {  	s23 =	simm.s32 $0x400;
	s24 =	simm.s32 $0x16800;
	[sflag:s15] =	ssyncadd.s32 $0xFFFFC000  }
.LBB2_4:
0x42: {  	[spmem:s2] =	stream.indirect.scatter.add.f32 [tilespmem:s14], [sflag:$0x1], $0x80, s24, s18, $0xb8;
	[tilespmem:$0x1D000] =	vst v63  }
0x43: {  	p0 =	sne.s32 s23, $0x9E00  }
.Ltmp1:
0x44: {  	s25 =	sshra.s32 s23, $0x2;
	s24 =	sadd.s32 $0x14000, s22;
	(pc) =	sbr.rel @p0 .LBB2_4-.Ltmp1, $4  }
0x45: {  	[tilespmem:s14], [sflag:$0x2] =	stream.indirect.gather [hbm4b:s4+s18], $0x80, s24, s18, $0xb8;
	[tilespmem:$0x1D000] =	vst v63  }
0x46: {  	s23 =	sadd.s32 $0x200, s23;
	_ =	swait.ge [sflag:s15], $0x4000  }
0x47: {  	[sflag:s15] =	ssyncset.done $0x0  }
0x48: {  	s24 =	sadd.s32 $0x16800, s22;
	s22 =	smov.u32 s25;
	[sflag:s15] =	ssyncadd.s32 $0xFFFFC000  }
0x49: {  	[spmem:s2] =	stream.indirect.scatter.add.f32 [tilespmem:s14], [sflag:$0x1], $0x80, s24, s18, $0xb8;
	[tilespmem:$0x1D000] =	vst v63  }
0x4a: {  	s23 =	sadd.s32 $0x14000, s22  }
0x4b: {  	[tilespmem:s14], [sflag:$0x2] =	stream.indirect.gather [hbm4b:s4+s18], $0x80, s23, s18, $0xb8;
	[tilespmem:$0x1D000] =	vst v63  }
0x4c: {  	_ =	swait.ge [sflag:s15], $0x4000  }
0x4d: {  	[sflag:s15] =	ssyncset.done $0x0  }
0x4e: {  	s31 =	sadd.s32 $0x16800, s22;
	[sflag:s15] =	ssyncadd.s32 $0xFFFFC000  }
0x4f: {  	[spmem:s2] =	stream.indirect.scatter.add.f32 [tilespmem:s14], [sflag:$0x1], $0x80, s31, s18, $0xb8;
	[tilespmem:$0x1D000] =	vst v63  }
0x50: {  	_ =	swait.ge [sflag:s19], $0x4000  }
0x51: {  	s22 =	simm.s32 $0x4F;
	[sflag:s19] =	ssyncset.done $0x0  }
.LBB2_6:
0x52: {  	p0 =	sne.s32 s22, $0x1;
	s22 =	sadd.s32 $0xFFFFFFFF, s22;
	[sflag:s19] =	ssyncadd.s32 $0xFFFFC000  }
.Ltmp2:
0x53: {  	(pc) =	sbr.rel @p0 .LBB2_6-.Ltmp2, $3  }
0x54: {  	_ =	sdelay $0x1  }
0x55: {  	_ =	swait.ge [sflag:s19], $0x4000  }
0x56: {  	[sflag:s19] =	ssyncset.done $0x0  }
0x57: {  	s3 =	sadd.s32 $0x1, s3  }
0x58: {  	[sflag:s19] =	ssyncadd.s32 $0xFFFFC000;
	p0 =	sne.s32 s3, s13  }
.Ltmp3:
0x59: {  	[bflag:$0x0] =	sbarrier.arrive $0xFFFF;
	(pc) =	sbr.rel @p0 .LBB2_1-.Ltmp3, $4  }
0x5a: {  	[hbm:s12], [sflag:s20] =	dma.local [spmem:s21], $0x2800  }
0x5b: {  	_ =	swait.ge [sflag:s15], $0x2800  }
0x5c: {  	[sflag:s15] =	ssyncset.done $0x0  }
0x5d: {  	[sflag:s15] =	ssyncadd.s32 $0xFFFFD800  }
0x5e: {  	_ =	sfence.sel $0x180000  }
0x5f: {  	[bflag:$0x0] =	sbarrier.arrive $0xFFFF  }
0x60: {  	p0 =	sne.s32 s0, $0x0;
	_ =	strace $0x90000050  }
0x61: {  	s0 =	sadd.s32 @!p0 $0x100000, s1;
	[bflag:$0x2] =	sbarrier.arrive $0xFFFF  }
0x62: {  	[sflag:s0] =	ssyncadd.tile.s32 @!p0 $0x1;
	_ =	shalt  }
.Lfunc_end2:
_tile_overlayer_lowered:
.L_overlay_start_2:
0x63: {  	(tag) =	ssettag $0x2  }
0x64: {  	s0 =	rddreg [dreg:$0x0];
	s2 =	stileid.u32  }
0x65: {  	s1 =	rddreg [dreg:$0x1];
	p0 =	sne.s32 s2, $0x0  }
0x66: {  	s3 =	rddreg [dreg:$0x2];
	[bflag:$0x3] =	sbarrier.arrive $0xFFFF;
	s2 =	simm.s32 @!p0 $0x1C02  }
0x67: {  	[timem:s3], [sflag:s2] =	dma.local @!p0 [hbm:s0], s1  }
0x68: {  	s0 =	simm.s32 @!p0 $0x2  }
0x69: {  	_ =	swait.ge @!p0 [sflag:s0], s1  }
0x6a: {  	s1 =	ssub.s32 @!p0 $0x0, s1;
	[sflag:s0] =	ssyncset.done @!p0 $0x0  }
0x6b: {  	[sflag:s0] =	ssyncadd.s32 @!p0 s1  }
0x6c: {  	[bflag:$0x3] =	sbarrier.arrive $0xFFFF  }
0x6d: {  	_ =	shalt  }

</sc_bundles>
